<compile_context>
chip_gen: v7x
topology: tpu7x:2x2x1
jax: 0.10.2.dev20260603
libtpu: 0.0.44.dev20260713+nightly
codegen_flags: <defaults>
</compile_context>

<pallas_src>
import functools

import jax
import jax.numpy as jnp
from jax import lax
from jax.experimental import pallas as pl
from jax.experimental.pallas import tpu as pltpu
from jax.experimental.pallas import tpu_sc as plsc

N = 10000
E = 320000
D = 128

NC = 2
NS = 16
TPT = E // (NC * NS)
K = 96
NCHUNK = TPT // K
KT = TPT - NCHUNK * K
NB = 4
RD = 8
WPT = 624
ZR = 48
NZ = WPT // ZR
TAIL = N - NS * WPT


def _sc_body(x_hbm, ei_hbm, out_hbm,
             colr, rowr, rows0, rows1, rows2, rows3, agg,
             gs0, gs1, gs2, gs3, rs0, rs1, rs2, rs3, rs4, rs5, rs6, rs7):
    c = lax.axis_index("c")
    s = lax.axis_index("s")
    t = c * NS + s
    ebase = t * TPT
    cbase = E + t * TPT

    bufs = (rows0, rows1, rows2, rows3)
    gsems = (gs0, gs1, gs2, gs3)
    rsems = (rs0, rs1, rs2, rs3, rs4, rs5, rs6, rs7)

    zv = jnp.zeros((16,), jnp.float32)

    def _zrow(i, carry):
        for q in range(D // 16):
            rows0[i, pl.ds(q * 16, 16)] = zv
        return carry

    lax.fori_loop(0, ZR, _zrow, 0)
    for z in range(NZ):
        pltpu.sync_copy(rows0.at[pl.ds(0, ZR)],
                        agg.at[pl.ds(s * WPT + z * ZR, ZR)])

    @pl.when(s == NS - 1)
    def _zero_tail():
        pltpu.sync_copy(rows0.at[pl.ds(0, TAIL)],
                        agg.at[pl.ds(NS * WPT, TAIL)])

    pltpu.sync_copy(ei_hbm.at[pl.ds(cbase + NCHUNK * K, KT)],
                    colr.at[pl.ds(0, KT)])
    pltpu.sync_copy(ei_hbm.at[pl.ds(ebase + NCHUNK * K, KT)],
                    rowr.at[pl.ds(0, KT)])

    plsc.subcore_barrier()

    pltpu.async_copy(x_hbm.at[colr.at[pl.ds(0, KT)]],
                     rows0.at[pl.ds(0, KT)], gs0).wait()
    pltpu.sync_copy(rows0.at[pl.ds(0, KT)], agg.at[rowr.at[pl.ds(0, KT)]],
                    add=True)

    def _ring_load(m, slot):
        pltpu.async_copy(ei_hbm.at[pl.ds(cbase + m * K, K)],
                         colr.at[pl.ds(slot * K, K)], rsems[slot])
        pltpu.async_copy(ei_hbm.at[pl.ds(ebase + m * K, K)],
                         rowr.at[pl.ds(slot * K, K)], rsems[slot])

    def _ring_wait(m, slot):
        pltpu.make_async_copy(ei_hbm.at[pl.ds(cbase + m * K, K)],
                              colr.at[pl.ds(slot * K, K)],
                              rsems[slot]).wait()
        pltpu.make_async_copy(ei_hbm.at[pl.ds(ebase + m * K, K)],
                              rowr.at[pl.ds(slot * K, K)],
                              rsems[slot]).wait()

    def _gather(q, slot, b):
        pltpu.async_copy(x_hbm.at[colr.at[pl.ds(slot * K, K)]], bufs[b],
                         gsems[b])

    def _consume(j, slot, b):
        pltpu.make_async_copy(x_hbm.at[colr.at[pl.ds(slot * K, K)]],
                              bufs[b], gsems[b]).wait()
        pltpu.sync_copy(bufs[b], agg.at[rowr.at[pl.ds(slot * K, K)]],
                        add=True)

    for m in range(RD):
        _ring_load(m, m)
    for b in range(NB):
        _ring_wait(b, b)
        _gather(b, b, b)

    def _group(p, carry):
        j0 = RD * p
        for r in range(RD):
            j = j0 + r
            b = r % NB
            _consume(j, r, b)
            q = j + NB
            qs = (r + NB) % RD
            _ring_wait(q, qs)
            _gather(q, qs, b)
            _ring_load(j + RD, r)
        return carry

    NGRP = NCHUNK // RD - 1
    lax.fori_loop(0, NGRP, _group, 0)
    j0 = NGRP * RD
    for r in range(RD):
        j = j0 + r
        b = r % NB
        _consume(j, r, b)
        q = j + NB
        if q < NCHUNK:
            qs = (r + NB) % RD
            _ring_wait(q, qs)
            _gather(q, qs, b)

    plsc.subcore_barrier()

    pltpu.sync_copy(agg.at[pl.ds(s * WPT, WPT)],
                    out_hbm.at[c, pl.ds(s * WPT, WPT)])

    @pl.when(s == NS - 1)
    def _write_tail():
        pltpu.sync_copy(agg.at[pl.ds(NS * WPT, TAIL)],
                        out_hbm.at[c, pl.ds(NS * WPT, TAIL)])


@functools.cache
def _sc_aggregate():
    mesh = plsc.VectorSubcoreMesh(core_axis_name="c", subcore_axis_name="s",
                                  num_cores=NC, num_subcores=NS)
    return pl.kernel(
        _sc_body,
        out_type=jax.ShapeDtypeStruct((NC, N, D), jnp.float32),
        mesh=mesh,
        scratch_types=[
            pltpu.VMEM((RD * K,), jnp.int32),
            pltpu.VMEM((RD * K,), jnp.int32),
            pltpu.VMEM((K, D), jnp.float32),
            pltpu.VMEM((K, D), jnp.float32),
            pltpu.VMEM((K, D), jnp.float32),
            pltpu.VMEM((K, D), jnp.float32),
            pltpu.VMEM_SHARED((N, D), jnp.float32),
        ] + [pltpu.SemaphoreType.DMA] * (NB + RD),
    )


def _tc_mlp_body(eps_ref, x_ref, p0_ref, p1_ref, w1_ref, b1_ref,
                 g_ref, bt_ref, w2_ref, b2_ref, o_ref):
    h = (1.0 + eps_ref[0]) * x_ref[:] + p0_ref[:] + p1_ref[:]
    h1 = lax.dot_general(h, w1_ref[:], (((1,), (1,)), ((), ())),
                         preferred_element_type=jnp.float32) + b1_ref[:]
    mean = jnp.mean(h1, axis=0, keepdims=True)
    var = jnp.mean(h1 * h1, axis=0, keepdims=True) - mean * mean
    hn = (h1 - mean) * lax.rsqrt(var + 1e-5) * g_ref[:] + bt_ref[:]
    hn = jnp.maximum(hn, 0.0)
    o_ref[:] = lax.dot_general(hn, w2_ref[:], (((1,), (1,)), ((), ())),
                               preferred_element_type=jnp.float32) + b2_ref[:]


_tc_mlp = pl.pallas_call(
    _tc_mlp_body,
    out_shape=jax.ShapeDtypeStruct((N, D), jnp.float32),
    in_specs=[
        pl.BlockSpec(memory_space=pltpu.MemorySpace.SMEM),
    ] + [pl.BlockSpec(memory_space=pltpu.MemorySpace.VMEM)] * 9,
    out_specs=pl.BlockSpec(memory_space=pltpu.MemorySpace.VMEM),
)


def kernel(x, edge_index, eps, W1, b1, bn_gamma, bn_beta, W2, b2):
    ei_flat = edge_index.astype(jnp.int32).reshape(2 * E)
    part = _sc_aggregate()(x, ei_flat)
    eps_arr = jnp.reshape(eps, (1,)).astype(jnp.float32)
    out = _tc_mlp(eps_arr, x, part[0], part[1], W1,
                  b1.reshape(1, D), bn_gamma.reshape(1, D),
                  bn_beta.reshape(1, D), W2, b2.reshape(1, D))
    return out

# --- scband reference (transcript-rebuilt; emitter-appended) ---
"""Pipeline reference for scband-ginlayer-74491912781908 (READ-ONLY COPY).

The authoritative reference and input builder live on the scoring server;
editing this copy changes nothing except your own understanding.
"""

import jax, jax.numpy as jnp
import numpy as np

N = 10000
E = 320000
D = 128


def setup_inputs(seed: int = 0) -> dict:
    key = jax.random.key(seed)
    ks = jax.random.split(key, 8)
    x = jax.random.normal(ks[0], (N, D), dtype=jnp.float32)
    edge_index = jax.random.randint(ks[1], (2, E), 0, N)
    # Learned parameters (GINLayer: eps scalar + MLP = Linear(D,D) -> BN(D) -> ReLU -> Linear(D,D))
    s = 1.0 / np.sqrt(D)
    eps = jnp.asarray(0.0, dtype=jnp.float32)
    W1 = jax.random.uniform(ks[2], (D, D), jnp.float32, -s, s)
    b1 = jax.random.uniform(ks[3], (D,), jnp.float32, -s, s)
    bn_gamma = jnp.ones((D,), dtype=jnp.float32)
    bn_beta = jnp.zeros((D,), dtype=jnp.float32)
    W2 = jax.random.uniform(ks[4], (D, D), jnp.float32, -s, s)
    b2 = jax.random.uniform(ks[5], (D,), jnp.float32, -s, s)
    return {"x": x, "edge_index": edge_index, "eps": eps, "W1": W1, "b1": b1,
            "bn_gamma": bn_gamma, "bn_beta": bn_beta, "W2": W2, "b2": b2}


def reference(x, edge_index, eps, W1, b1, bn_gamma, bn_beta, W2, b2):
    row = edge_index[0]
    col = edge_index[1]
    # scatter-add aggregation: agg[row[e]] += x[col[e]]
    agg = jnp.zeros_like(x).at[row].add(x[col])
    h = (1.0 + eps) * x + agg
    # MLP: Linear -> BatchNorm1d (training-mode batch stats, biased var, eps=1e-5) -> ReLU -> Linear
    h = h @ W1.T + b1
    mean = jnp.mean(h, axis=0)
    var = jnp.var(h, axis=0)
    h = (h - mean) / jnp.sqrt(var + 1e-5) * bn_gamma + bn_beta
    h = jax.nn.relu(h)
    out = h @ W2.T + b2
    return out

if __name__ == "__main__":
    import jax
    _d = setup_inputs()
    print(jax.jit(kernel)(*tuple(_d.values())))

</pallas_src>

<mosaic_0001>
#map = affine_map<(d0, d1) -> (0, 0)>
#map1 = affine_map<(d0, d1) -> (0)>
#map2 = affine_map<(d0, d1) -> (0, 0, 0)>
module attributes {stable_mosaic.version = 14 : i64} {
  func.func @_sc_body(%arg0: i32, %arg1: i32, %arg2: memref<10000x128xf32, #tpu.memory_space<hbm>>, %arg3: memref<640000xi32, #tpu.memory_space<hbm>>, %arg4: memref<2x10000x128xf32, #tpu.memory_space<hbm>>, %arg5: memref<768xi32, #tpu.memory_space<vmem>>, %arg6: memref<768xi32, #tpu.memory_space<vmem>>, %arg7: memref<96x128xf32, #tpu.memory_space<vmem>>, %arg8: memref<96x128xf32, #tpu.memory_space<vmem>>, %arg9: memref<96x128xf32, #tpu.memory_space<vmem>>, %arg10: memref<96x128xf32, #tpu.memory_space<vmem>>, %arg11: memref<10000x128xf32, #tpu.memory_space<vmem_shared>>, %arg12: memref<!tpu.dma_semaphore, #tpu.memory_space<semaphore_mem>>, %arg13: memref<!tpu.dma_semaphore, #tpu.memory_space<semaphore_mem>>, %arg14: memref<!tpu.dma_semaphore, #tpu.memory_space<semaphore_mem>>, %arg15: memref<!tpu.dma_semaphore, #tpu.memory_space<semaphore_mem>>, %arg16: memref<!tpu.dma_semaphore, #tpu.memory_space<semaphore_mem>>, %arg17: memref<!tpu.dma_semaphore, #tpu.memory_space<semaphore_mem>>, %arg18: memref<!tpu.dma_semaphore, #tpu.memory_space<semaphore_mem>>, %arg19: memref<!tpu.dma_semaphore, #tpu.memory_space<semaphore_mem>>, %arg20: memref<!tpu.dma_semaphore, #tpu.memory_space<semaphore_mem>>, %arg21: memref<!tpu.dma_semaphore, #tpu.memory_space<semaphore_mem>>, %arg22: memref<!tpu.dma_semaphore, #tpu.memory_space<semaphore_mem>>, %arg23: memref<!tpu.dma_semaphore, #tpu.memory_space<semaphore_mem>>) attributes {dimension_semantics = [#tpu.dimension_semantics<core_parallel>, #tpu.dimension_semantics<subcore_parallel>], iteration_bounds = array<i64: 2, 16>, scalar_prefetch = 0 : i64, scratch_operands = 19 : i64, tpu.core_type = #tpu.core_type<sc_vector_subcore>, window_params = [{transform_indices = #map}, {transform_indices = #map1}, {transform_indices = #map2}]} {
    %mul3A = arith.constant 16 : i32
    %mul3A_0 = arith.muli %arg0, %mul3A : i32
    %add3A = arith.addi %mul3A_0, %arg1 : i32
    %mul3A_1 = arith.constant 10000 : i32
    %mul3A_2 = arith.muli %add3A, %mul3A_1 : i32
    %mul3A_3 = arith.constant 10000 : i32
    %mul3A_4 = arith.muli %add3A, %mul3A_3 : i32
    %add3A_5 = arith.constant 320000 : i32
    %add3A_6 = arith.addi %add3A_5, %mul3A_4 : i32
    %broadcast_in_dim3A = arith.constant 0.000000e+00 : f32
    %broadcast_in_dim3A_7 = vector.broadcast %broadcast_in_dim3A : f32 to vector<16xf32>
    %scan3A = arith.constant 0 : i32
    %scan3A_8 = arith.constant 0 : i32
    %scan3A_9 = arith.constant 48 : i32
    %scan3A_10 = arith.addi %scan3A_8, %scan3A_9 : i32
    %scan3A_11 = arith.constant 1 : i32
    scf.for %scan3A_437 = %scan3A_8 to %scan3A_10 step %scan3A_11  : i32 {
      %swap3A = arith.index_cast %scan3A_437 : i32 to index
      %swap3A_438 = arith.constant 0 : index
      %swap3A_439 = tpu.vector_load %arg7[%swap3A, %swap3A_438] {strides = array<i32>} : memref<96x128xf32, #tpu.memory_space<vmem>>, vector<1x16xf32>,
      %swap3A_440 = vector.shape_cast %swap3A_439 : vector<1x16xf32> to vector<16xf32>
      %swap3A_441 = vector.shape_cast %broadcast_in_dim3A_7 : vector<16xf32> to vector<1x16xf32>
      tpu.vector_store %arg7[%swap3A, %swap3A_438], %swap3A_441 {strides = array<i32>} : memref<96x128xf32, #tpu.memory_space<vmem>>, vector<1x16xf32>,
      %swap3A_442 = arith.index_cast %scan3A_437 : i32 to index
      %swap3A_443 = arith.constant 16 : index
      %swap3A_444 = tpu.vector_load %arg7[%swap3A_442, %swap3A_443] {strides = array<i32>} : memref<96x128xf32, #tpu.memory_space<vmem>>, vector<1x16xf32>,
      %swap3A_445 = vector.shape_cast %swap3A_444 : vector<1x16xf32> to vector<16xf32>
      %swap3A_446 = vector.shape_cast %broadcast_in_dim3A_7 : vector<16xf32> to vector<1x16xf32>
      tpu.vector_store %arg7[%swap3A_442, %swap3A_443], %swap3A_446 {strides = array<i32>} : memref<96x128xf32, #tpu.memory_space<vmem>>, vector<1x16xf32>,
      %swap3A_447 = arith.index_cast %scan3A_437 : i32 to index
      %swap3A_448 = arith.constant 32 : index
      %swap3A_449 = tpu.vector_load %arg7[%swap3A_447, %swap3A_448] {strides = array<i32>} : memref<96x128xf32, #tpu.memory_space<vmem>>, vector<1x16xf32>,
      %swap3A_450 = vector.shape_cast %swap3A_449 : vector<1x16xf32> to vector<16xf32>
      %swap3A_451 = vector.shape_cast %broadcast_in_dim3A_7 : vector<16xf32> to vector<1x16xf32>
      tpu.vector_store %arg7[%swap3A_447, %swap3A_448], %swap3A_451 {strides = array<i32>} : memref<96x128xf32, #tpu.memory_space<vmem>>, vector<1x16xf32>,
      %swap3A_452 = arith.index_cast %scan3A_437 : i32 to index
      %swap3A_453 = arith.constant 48 : index
      %swap3A_454 = tpu.vector_load %arg7[%swap3A_452, %swap3A_453] {strides = array<i32>} : memref<96x128xf32, #tpu.memory_space<vmem>>, vector<1x16xf32>,
      %swap3A_455 = vector.shape_cast %swap3A_454 : vector<1x16xf32> to vector<16xf32>
      %swap3A_456 = vector.shape_cast %broadcast_in_dim3A_7 : vector<16xf32> to vector<1x16xf32>
      tpu.vector_store %arg7[%swap3A_452, %swap3A_453], %swap3A_456 {strides = array<i32>} : memref<96x128xf32, #tpu.memory_space<vmem>>, vector<1x16xf32>,
      %swap3A_457 = arith.index_cast %scan3A_437 : i32 to index
      %swap3A_458 = arith.constant 64 : index
      %swap3A_459 = tpu.vector_load %arg7[%swap3A_457, %swap3A_458] {strides = array<i32>} : memref<96x128xf32, #tpu.memory_space<vmem>>, vector<1x16xf32>,
      %swap3A_460 = vector.shape_cast %swap3A_459 : vector<1x16xf32> to vector<16xf32>
      %swap3A_461 = vector.shape_cast %broadcast_in_dim3A_7 : vector<16xf32> to vector<1x16xf32>
      tpu.vector_store %arg7[%swap3A_457, %swap3A_458], %swap3A_461 {strides = array<i32>} : memref<96x128xf32, #tpu.memory_space<vmem>>, vector<1x16xf32>,
      %swap3A_462 = arith.index_cast %scan3A_437 : i32 to index
      %swap3A_463 = arith.constant 80 : index
      %swap3A_464 = tpu.vector_load %arg7[%swap3A_462, %swap3A_463] {strides = array<i32>} : memref<96x128xf32, #tpu.memory_space<vmem>>, vector<1x16xf32>,
      %swap3A_465 = vector.shape_cast %swap3A_464 : vector<1x16xf32> to vector<16xf32>
      %swap3A_466 = vector.shape_cast %broadcast_in_dim3A_7 : vector<16xf32> to vector<1x16xf32>
      tpu.vector_store %arg7[%swap3A_462, %swap3A_463], %swap3A_466 {strides = array<i32>} : memref<96x128xf32, #tpu.memory_space<vmem>>, vector<1x16xf32>,
      %swap3A_467 = arith.index_cast %scan3A_437 : i32 to index
      %swap3A_468 = arith.constant 96 : index
      %swap3A_469 = tpu.vector_load %arg7[%swap3A_467, %swap3A_468] {strides = array<i32>} : memref<96x128xf32, #tpu.memory_space<vmem>>, vector<1x16xf32>,
      %swap3A_470 = vector.shape_cast %swap3A_469 : vector<1x16xf32> to vector<16xf32>
      %swap3A_471 = vector.shape_cast %broadcast_in_dim3A_7 : vector<16xf32> to vector<1x16xf32>
      tpu.vector_store %arg7[%swap3A_467, %swap3A_468], %swap3A_471 {strides = array<i32>} : memref<96x128xf32, #tpu.memory_space<vmem>>, vector<1x16xf32>,
      %swap3A_472 = arith.index_cast %scan3A_437 : i32 to index
      %swap3A_473 = arith.constant 112 : index
      %swap3A_474 = tpu.vector_load %arg7[%swap3A_472, %swap3A_473] {strides = array<i32>} : memref<96x128xf32, #tpu.memory_space<vmem>>, vector<1x16xf32>,
      %swap3A_475 = vector.shape_cast %swap3A_474 : vector<1x16xf32> to vector<16xf32>
      %swap3A_476 = vector.shape_cast %broadcast_in_dim3A_7 : vector<16xf32> to vector<1x16xf32>
      tpu.vector_store %arg7[%swap3A_472, %swap3A_473], %swap3A_476 {strides = array<i32>} : memref<96x128xf32, #tpu.memory_space<vmem>>, vector<1x16xf32>,
    }
    %scan3A_12 = arith.constant 48 : i32
    %mul3A_13 = arith.constant 624 : i32
    %mul3A_14 = arith.muli %arg1, %mul3A_13 : i32
    %add3A_15 = arith.constant 0 : i32
    %add3A_16 = arith.addi %mul3A_14, %add3A_15 : i32
    "tpu.region"() ({
      %run_scoped3A = tpu.sem_alloc : memref<!tpu.dma_semaphore, #tpu.memory_space<semaphore_mem>>
      %dma_start3A_437 = arith.constant 0 : i32
      %dma_start3A_438 = arith.constant 0 : i32
      %dma_start3A_439 = tpu.memref_slice %arg7[%dma_start3A_437, %dma_start3A_438] : memref<96x128xf32, #tpu.memory_space<vmem>> -> memref<48x128xf32, #tpu.memory_space<vmem>>
      %dma_start3A_440 = arith.constant 0 : i32
      %dma_start3A_441 = tpu.memref_slice %arg11[%add3A_16, %dma_start3A_440] : memref<10000x128xf32, #tpu.memory_space<vmem_shared>> -> memref<48x128xf32, #tpu.memory_space<vmem_shared>>
      %dma_start3A_442 = arith.constant 0 : i32
      %dma_start3A_443 = tpu.memref_slice %arg11[%add3A_16, %dma_start3A_442] : memref<10000x128xf32, #tpu.memory_space<vmem_shared>> -> memref<48x128xf32, #tpu.memory_space<vmem_shared>>
      %dma_start3A_444 = arith.constant 0 : i32
      %dma_start3A_445 = arith.constant 0 : i32
      %dma_start3A_446 = tpu.memref_slice %arg7[%dma_start3A_444, %dma_start3A_445] : memref<96x128xf32, #tpu.memory_space<vmem>> -> memref<48x128xf32, #tpu.memory_space<vmem>>
      tpu.enqueue_dma source(%dma_start3A_446 : memref<48x128xf32, #tpu.memory_space<vmem>>) target(%dma_start3A_443 : memref<48x128xf32, #tpu.memory_space<vmem_shared>>) target_semaphore(%run_scoped3A : memref<!tpu.dma_semaphore, #tpu.memory_space<semaphore_mem>>)
      %dma_wait3A_447 = arith.constant 0 : i32
      %dma_wait3A_448 = arith.constant 0 : i32
      %dma_wait3A_449 = tpu.memref_slice %arg7[%dma_wait3A_447, %dma_wait3A_448] : memref<96x128xf32, #tpu.memory_space<vmem>> -> memref<48x128xf32, #tpu.memory_space<vmem>>
      %dma_wait3A_450 = arith.constant 0 : i32
      %dma_wait3A_451 = tpu.memref_slice %arg11[%add3A_16, %dma_wait3A_450] : memref<10000x128xf32, #tpu.memory_space<vmem_shared>> -> memref<48x128xf32, #tpu.memory_space<vmem_shared>>
      %dma_wait3A_452 = arith.constant 0 : i32
      %dma_wait3A_453 = tpu.memref_slice %arg11[%add3A_16, %dma_wait3A_452] : memref<10000x128xf32, #tpu.memory_space<vmem_shared>> -> memref<48x128xf32, #tpu.memory_space<vmem_shared>>
      %dma_wait3A_454 = arith.constant 0 : i32
      %dma_wait3A_455 = arith.constant 0 : i32
      %dma_wait3A_456 = tpu.memref_slice %arg7[%dma_wait3A_454, %dma_wait3A_455] : memref<96x128xf32, #tpu.memory_space<vmem>> -> memref<48x128xf32, #tpu.memory_space<vmem>>
      tpu.wait_dma2 semaphore(%run_scoped3A : memref<!tpu.dma_semaphore, #tpu.memory_space<semaphore_mem>>) src(%dma_wait3A_456 : memref<48x128xf32, #tpu.memory_space<vmem>>) dst(%dma_wait3A_453 : memref<48x128xf32, #tpu.memory_space<vmem_shared>>)
      tpu.yield
    }) : () -> ()
    %mul3A_17 = arith.constant 624 : i32
    %mul3A_18 = arith.muli %arg1, %mul3A_17 : i32
    %add3A_19 = arith.constant 48 : i32
    %add3A_20 = arith.addi %mul3A_18, %add3A_19 : i32
    "tpu.region"() ({
      %run_scoped3A = tpu.sem_alloc : memref<!tpu.dma_semaphore, #tpu.memory_space<semaphore_mem>>
      %dma_start3A_437 = arith.constant 0 : i32
      %dma_start3A_438 = arith.constant 0 : i32
      %dma_start3A_439 = tpu.memref_slice %arg7[%dma_start3A_437, %dma_start3A_438] : memref<96x128xf32, #tpu.memory_space<vmem>> -> memref<48x128xf32, #tpu.memory_space<vmem>>
      %dma_start3A_440 = arith.constant 0 : i32
      %dma_start3A_441 = tpu.memref_slice %arg11[%add3A_20, %dma_start3A_440] : memref<10000x128xf32, #tpu.memory_space<vmem_shared>> -> memref<48x128xf32, #tpu.memory_space<vmem_shared>>
      %dma_start3A_442 = arith.constant 0 : i32
      %dma_start3A_443 = tpu.memref_slice %arg11[%add3A_20, %dma_start3A_442] : memref<10000x128xf32, #tpu.memory_space<vmem_shared>> -> memref<48x128xf32, #tpu.memory_space<vmem_shared>>
      %dma_start3A_444 = arith.constant 0 : i32
      %dma_start3A_445 = arith.constant 0 : i32
      %dma_start3A_446 = tpu.memref_slice %arg7[%dma_start3A_444, %dma_start3A_445] : memref<96x128xf32, #tpu.memory_space<vmem>> -> memref<48x128xf32, #tpu.memory_space<vmem>>
      tpu.enqueue_dma source(%dma_start3A_446 : memref<48x128xf32, #tpu.memory_space<vmem>>) target(%dma_start3A_443 : memref<48x128xf32, #tpu.memory_space<vmem_shared>>) target_semaphore(%run_scoped3A : memref<!tpu.dma_semaphore, #tpu.memory_space<semaphore_mem>>)
      %dma_wait3A_447 = arith.constant 0 : i32
      %dma_wait3A_448 = arith.constant 0 : i32
      %dma_wait3A_449 = tpu.memref_slice %arg7[%dma_wait3A_447, %dma_wait3A_448] : memref<96x128xf32, #tpu.memory_space<vmem>> -> memref<48x128xf32, #tpu.memory_space<vmem>>
      %dma_wait3A_450 = arith.constant 0 : i32
      %dma_wait3A_451 = tpu.memref_slice %arg11[%add3A_20, %dma_wait3A_450] : memref<10000x128xf32, #tpu.memory_space<vmem_shared>> -> memref<48x128xf32, #tpu.memory_space<vmem_shared>>
      %dma_wait3A_452 = arith.constant 0 : i32
      %dma_wait3A_453 = tpu.memref_slice %arg11[%add3A_20, %dma_wait3A_452] : memref<10000x128xf32, #tpu.memory_space<vmem_shared>> -> memref<48x128xf32, #tpu.memory_space<vmem_shared>>
      %dma_wait3A_454 = arith.constant 0 : i32
      %dma_wait3A_455 = arith.constant 0 : i32
      %dma_wait3A_456 = tpu.memref_slice %arg7[%dma_wait3A_454, %dma_wait3A_455] : memref<96x128xf32, #tpu.memory_space<vmem>> -> memref<48x128xf32, #tpu.memory_space<vmem>>
      tpu.wait_dma2 semaphore(%run_scoped3A : memref<!tpu.dma_semaphore, #tpu.memory_space<semaphore_mem>>) src(%dma_wait3A_456 : memref<48x128xf32, #tpu.memory_space<vmem>>) dst(%dma_wait3A_453 : memref<48x128xf32, #tpu.memory_space<vmem_shared>>)
      tpu.yield
    }) : () -> ()
    %mul3A_21 = arith.constant 624 : i32
    %mul3A_22 = arith.muli %arg1, %mul3A_21 : i32
    %add3A_23 = arith.constant 96 : i32
    %add3A_24 = arith.addi %mul3A_22, %add3A_23 : i32
    "tpu.region"() ({
      %run_scoped3A = tpu.sem_alloc : memref<!tpu.dma_semaphore, #tpu.memory_space<semaphore_mem>>
      %dma_start3A_437 = arith.constant 0 : i32
      %dma_start3A_438 = arith.constant 0 : i32
      %dma_start3A_439 = tpu.memref_slice %arg7[%dma_start3A_437, %dma_start3A_438] : memref<96x128xf32, #tpu.memory_space<vmem>> -> memref<48x128xf32, #tpu.memory_space<vmem>>
      %dma_start3A_440 = arith.constant 0 : i32
      %dma_start3A_441 = tpu.memref_slice %arg11[%add3A_24, %dma_start3A_440] : memref<10000x128xf32, #tpu.memory_space<vmem_shared>> -> memref<48x128xf32, #tpu.memory_space<vmem_shared>>
      %dma_start3A_442 = arith.constant 0 : i32
      %dma_start3A_443 = tpu.memref_slice %arg11[%add3A_24, %dma_start3A_442] : memref<10000x128xf32, #tpu.memory_space<vmem_shared>> -> memref<48x128xf32, #tpu.memory_space<vmem_shared>>
      %dma_start3A_444 = arith.constant 0 : i32
      %dma_start3A_445 = arith.constant 0 : i32
      %dma_start3A_446 = tpu.memref_slice %arg7[%dma_start3A_444, %dma_start3A_445] : memref<96x128xf32, #tpu.memory_space<vmem>> -> memref<48x128xf32, #tpu.memory_space<vmem>>
      tpu.enqueue_dma source(%dma_start3A_446 : memref<48x128xf32, #tpu.memory_space<vmem>>) target(%dma_start3A_443 : memref<48x128xf32, #tpu.memory_space<vmem_shared>>) target_semaphore(%run_scoped3A : memref<!tpu.dma_semaphore, #tpu.memory_space<semaphore_mem>>)
      %dma_wait3A_447 = arith.constant 0 : i32
      %dma_wait3A_448 = arith.constant 0 : i32
      %dma_wait3A_449 = tpu.memref_slice %arg7[%dma_wait3A_447, %dma_wait3A_448] : memref<96x128xf32, #tpu.memory_space<vmem>> -> memref<48x128xf32, #tpu.memory_space<vmem>>
      %dma_wait3A_450 = arith.constant 0 : i32
      %dma_wait3A_451 = tpu.memref_slice %arg11[%add3A_24, %dma_wait3A_450] : memref<10000x128xf32, #tpu.memory_space<vmem_shared>> -> memref<48x128xf32, #tpu.memory_space<vmem_shared>>
      %dma_wait3A_452 = arith.constant 0 : i32
      %dma_wait3A_453 = tpu.memref_slice %arg11[%add3A_24, %dma_wait3A_452] : memref<10000x128xf32, #tpu.memory_space<vmem_shared>> -> memref<48x128xf32, #tpu.memory_space<vmem_shared>>
      %dma_wait3A_454 = arith.constant 0 : i32
      %dma_wait3A_455 = arith.constant 0 : i32
      %dma_wait3A_456 = tpu.memref_slice %arg7[%dma_wait3A_454, %dma_wait3A_455] : memref<96x128xf32, #tpu.memory_space<vmem>> -> memref<48x128xf32, #tpu.memory_space<vmem>>
      tpu.wait_dma2 semaphore(%run_scoped3A : memref<!tpu.dma_semaphore, #tpu.memory_space<semaphore_mem>>) src(%dma_wait3A_456 : memref<48x128xf32, #tpu.memory_space<vmem>>) dst(%dma_wait3A_453 : memref<48x128xf32, #tpu.memory_space<vmem_shared>>)
      tpu.yield
    }) : () -> ()
    %mul3A_25 = arith.constant 624 : i32
    %mul3A_26 = arith.muli %arg1, %mul3A_25 : i32
    %add3A_27 = arith.constant 144 : i32
    %add3A_28 = arith.addi %mul3A_26, %add3A_27 : i32
    "tpu.region"() ({
      %run_scoped3A = tpu.sem_alloc : memref<!tpu.dma_semaphore, #tpu.memory_space<semaphore_mem>>
      %dma_start3A_437 = arith.constant 0 : i32
      %dma_start3A_438 = arith.constant 0 : i32
      %dma_start3A_439 = tpu.memref_slice %arg7[%dma_start3A_437, %dma_start3A_438] : memref<96x128xf32, #tpu.memory_space<vmem>> -> memref<48x128xf32, #tpu.memory_space<vmem>>
      %dma_start3A_440 = arith.constant 0 : i32
      %dma_start3A_441 = tpu.memref_slice %arg11[%add3A_28, %dma_start3A_440] : memref<10000x128xf32, #tpu.memory_space<vmem_shared>> -> memref<48x128xf32, #tpu.memory_space<vmem_shared>>
      %dma_start3A_442 = arith.constant 0 : i32
      %dma_start3A_443 = tpu.memref_slice %arg11[%add3A_28, %dma_start3A_442] : memref<10000x128xf32, #tpu.memory_space<vmem_shared>> -> memref<48x128xf32, #tpu.memory_space<vmem_shared>>
      %dma_start3A_444 = arith.constant 0 : i32
      %dma_start3A_445 = arith.constant 0 : i32
      %dma_start3A_446 = tpu.memref_slice %arg7[%dma_start3A_444, %dma_start3A_445] : memref<96x128xf32, #tpu.memory_space<vmem>> -> memref<48x128xf32, #tpu.memory_space<vmem>>
      tpu.enqueue_dma source(%dma_start3A_446 : memref<48x128xf32, #tpu.memory_space<vmem>>) target(%dma_start3A_443 : memref<48x128xf32, #tpu.memory_space<vmem_shared>>) target_semaphore(%run_scoped3A : memref<!tpu.dma_semaphore, #tpu.memory_space<semaphore_mem>>)
      %dma_wait3A_447 = arith.constant 0 : i32
      %dma_wait3A_448 = arith.constant 0 : i32
      %dma_wait3A_449 = tpu.memref_slice %arg7[%dma_wait3A_447, %dma_wait3A_448] : memref<96x128xf32, #tpu.memory_space<vmem>> -> memref<48x128xf32, #tpu.memory_space<vmem>>
      %dma_wait3A_450 = arith.constant 0 : i32
      %dma_wait3A_451 = tpu.memref_slice %arg11[%add3A_28, %dma_wait3A_450] : memref<10000x128xf32, #tpu.memory_space<vmem_shared>> -> memref<48x128xf32, #tpu.memory_space<vmem_shared>>
      %dma_wait3A_452 = arith.constant 0 : i32
      %dma_wait3A_453 = tpu.memref_slice %arg11[%add3A_28, %dma_wait3A_452] : memref<10000x128xf32, #tpu.memory_space<vmem_shared>> -> memref<48x128xf32, #tpu.memory_space<vmem_shared>>
      %dma_wait3A_454 = arith.constant 0 : i32
      %dma_wait3A_455 = arith.constant 0 : i32
      %dma_wait3A_456 = tpu.memref_slice %arg7[%dma_wait3A_454, %dma_wait3A_455] : memref<96x128xf32, #tpu.memory_space<vmem>> -> memref<48x128xf32, #tpu.memory_space<vmem>>
      tpu.wait_dma2 semaphore(%run_scoped3A : memref<!tpu.dma_semaphore, #tpu.memory_space<semaphore_mem>>) src(%dma_wait3A_456 : memref<48x128xf32, #tpu.memory_space<vmem>>) dst(%dma_wait3A_453 : memref<48x128xf32, #tpu.memory_space<vmem_shared>>)
      tpu.yield
    }) : () -> ()
    %mul3A_29 = arith.constant 624 : i32
    %mul3A_30 = arith.muli %arg1, %mul3A_29 : i32
    %add3A_31 = arith.constant 192 : i32
    %add3A_32 = arith.addi %mul3A_30, %add3A_31 : i32
    "tpu.region"() ({
      %run_scoped3A = tpu.sem_alloc : memref<!tpu.dma_semaphore, #tpu.memory_space<semaphore_mem>>
      %dma_start3A_437 = arith.constant 0 : i32
      %dma_start3A_438 = arith.constant 0 : i32
      %dma_start3A_439 = tpu.memref_slice %arg7[%dma_start3A_437, %dma_start3A_438] : memref<96x128xf32, #tpu.memory_space<vmem>> -> memref<48x128xf32, #tpu.memory_space<vmem>>
      %dma_start3A_440 = arith.constant 0 : i32
      %dma_start3A_441 = tpu.memref_slice %arg11[%add3A_32, %dma_start3A_440] : memref<10000x128xf32, #tpu.memory_space<vmem_shared>> -> memref<48x128xf32, #tpu.memory_space<vmem_shared>>
      %dma_start3A_442 = arith.constant 0 : i32
      %dma_start3A_443 = tpu.memref_slice %arg11[%add3A_32, %dma_start3A_442] : memref<10000x128xf32, #tpu.memory_space<vmem_shared>> -> memref<48x128xf32, #tpu.memory_space<vmem_shared>>
      %dma_start3A_444 = arith.constant 0 : i32
      %dma_start3A_445 = arith.constant 0 : i32
      %dma_start3A_446 = tpu.memref_slice %arg7[%dma_start3A_444, %dma_start3A_445] : memref<96x128xf32, #tpu.memory_space<vmem>> -> memref<48x128xf32, #tpu.memory_space<vmem>>
      tpu.enqueue_dma source(%dma_start3A_446 : memref<48x128xf32, #tpu.memory_space<vmem>>) target(%dma_start3A_443 : memref<48x128xf32, #tpu.memory_space<vmem_shared>>) target_semaphore(%run_scoped3A : memref<!tpu.dma_semaphore, #tpu.memory_space<semaphore_mem>>)
      %dma_wait3A_447 = arith.constant 0 : i32
      %dma_wait3A_448 = arith.constant 0 : i32
      %dma_wait3A_449 = tpu.memref_slice %arg7[%dma_wait3A_447, %dma_wait3A_448] : memref<96x128xf32, #tpu.memory_space<vmem>> -> memref<48x128xf32, #tpu.memory_space<vmem>>
      %dma_wait3A_450 = arith.constant 0 : i32
      %dma_wait3A_451 = tpu.memref_slice %arg11[%add3A_32, %dma_wait3A_450] : memref<10000x128xf32, #tpu.memory_space<vmem_shared>> -> memref<48x128xf32, #tpu.memory_space<vmem_shared>>
      %dma_wait3A_452 = arith.constant 0 : i32
      %dma_wait3A_453 = tpu.memref_slice %arg11[%add3A_32, %dma_wait3A_452] : memref<10000x128xf32, #tpu.memory_space<vmem_shared>> -> memref<48x128xf32, #tpu.memory_space<vmem_shared>>
      %dma_wait3A_454 = arith.constant 0 : i32
      %dma_wait3A_455 = arith.constant 0 : i32
      %dma_wait3A_456 = tpu.memref_slice %arg7[%dma_wait3A_454, %dma_wait3A_455] : memref<96x128xf32, #tpu.memory_space<vmem>> -> memref<48x128xf32, #tpu.memory_space<vmem>>
      tpu.wait_dma2 semaphore(%run_scoped3A : memref<!tpu.dma_semaphore, #tpu.memory_space<semaphore_mem>>) src(%dma_wait3A_456 : memref<48x128xf32, #tpu.memory_space<vmem>>) dst(%dma_wait3A_453 : memref<48x128xf32, #tpu.memory_space<vmem_shared>>)
      tpu.yield
    }) : () -> ()
    %mul3A_33 = arith.constant 624 : i32
    %mul3A_34 = arith.muli %arg1, %mul3A_33 : i32
    %add3A_35 = arith.constant 240 : i32
    %add3A_36 = arith.addi %mul3A_34, %add3A_35 : i32
    "tpu.region"() ({
      %run_scoped3A = tpu.sem_alloc : memref<!tpu.dma_semaphore, #tpu.memory_space<semaphore_mem>>
      %dma_start3A_437 = arith.constant 0 : i32
      %dma_start3A_438 = arith.constant 0 : i32
      %dma_start3A_439 = tpu.memref_slice %arg7[%dma_start3A_437, %dma_start3A_438] : memref<96x128xf32, #tpu.memory_space<vmem>> -> memref<48x128xf32, #tpu.memory_space<vmem>>
      %dma_start3A_440 = arith.constant 0 : i32
      %dma_start3A_441 = tpu.memref_slice %arg11[%add3A_36, %dma_start3A_440] : memref<10000x128xf32, #tpu.memory_space<vmem_shared>> -> memref<48x128xf32, #tpu.memory_space<vmem_shared>>
      %dma_start3A_442 = arith.constant 0 : i32
      %dma_start3A_443 = tpu.memref_slice %arg11[%add3A_36, %dma_start3A_442] : memref<10000x128xf32, #tpu.memory_space<vmem_shared>> -> memref<48x128xf32, #tpu.memory_space<vmem_shared>>
      %dma_start3A_444 = arith.constant 0 : i32
      %dma_start3A_445 = arith.constant 0 : i32
      %dma_start3A_446 = tpu.memref_slice %arg7[%dma_start3A_444, %dma_start3A_445] : memref<96x128xf32, #tpu.memory_space<vmem>> -> memref<48x128xf32, #tpu.memory_space<vmem>>
      tpu.enqueue_dma source(%dma_start3A_446 : memref<48x128xf32, #tpu.memory_space<vmem>>) target(%dma_start3A_443 : memref<48x128xf32, #tpu.memory_space<vmem_shared>>) target_semaphore(%run_scoped3A : memref<!tpu.dma_semaphore, #tpu.memory_space<semaphore_mem>>)
      %dma_wait3A_447 = arith.constant 0 : i32
      %dma_wait3A_448 = arith.constant 0 : i32
      %dma_wait3A_449 = tpu.memref_slice %arg7[%dma_wait3A_447, %dma_wait3A_448] : memref<96x128xf32, #tpu.memory_space<vmem>> -> memref<48x128xf32, #tpu.memory_space<vmem>>
      %dma_wait3A_450 = arith.constant 0 : i32
      %dma_wait3A_451 = tpu.memref_slice %arg11[%add3A_36, %dma_wait3A_450] : memref<10000x128xf32, #tpu.memory_space<vmem_shared>> -> memref<48x128xf32, #tpu.memory_space<vmem_shared>>
      %dma_wait3A_452 = arith.constant 0 : i32
      %dma_wait3A_453 = tpu.memref_slice %arg11[%add3A_36, %dma_wait3A_452] : memref<10000x128xf32, #tpu.memory_space<vmem_shared>> -> memref<48x128xf32, #tpu.memory_space<vmem_shared>>
      %dma_wait3A_454 = arith.constant 0 : i32
      %dma_wait3A_455 = arith.constant 0 : i32
      %dma_wait3A_456 = tpu.memref_slice %arg7[%dma_wait3A_454, %dma_wait3A_455] : memref<96x128xf32, #tpu.memory_space<vmem>> -> memref<48x128xf32, #tpu.memory_space<vmem>>
      tpu.wait_dma2 semaphore(%run_scoped3A : memref<!tpu.dma_semaphore, #tpu.memory_space<semaphore_mem>>) src(%dma_wait3A_456 : memref<48x128xf32, #tpu.memory_space<vmem>>) dst(%dma_wait3A_453 : memref<48x128xf32, #tpu.memory_space<vmem_shared>>)
      tpu.yield
    }) : () -> ()
    %mul3A_37 = arith.constant 624 : i32
    %mul3A_38 = arith.muli %arg1, %mul3A_37 : i32
    %add3A_39 = arith.constant 288 : i32
    %add3A_40 = arith.addi %mul3A_38, %add3A_39 : i32
    "tpu.region"() ({
      %run_scoped3A = tpu.sem_alloc : memref<!tpu.dma_semaphore, #tpu.memory_space<semaphore_mem>>
      %dma_start3A_437 = arith.constant 0 : i32
      %dma_start3A_438 = arith.constant 0 : i32
      %dma_start3A_439 = tpu.memref_slice %arg7[%dma_start3A_437, %dma_start3A_438] : memref<96x128xf32, #tpu.memory_space<vmem>> -> memref<48x128xf32, #tpu.memory_space<vmem>>
      %dma_start3A_440 = arith.constant 0 : i32
      %dma_start3A_441 = tpu.memref_slice %arg11[%add3A_40, %dma_start3A_440] : memref<10000x128xf32, #tpu.memory_space<vmem_shared>> -> memref<48x128xf32, #tpu.memory_space<vmem_shared>>
      %dma_start3A_442 = arith.constant 0 : i32
      %dma_start3A_443 = tpu.memref_slice %arg11[%add3A_40, %dma_start3A_442] : memref<10000x128xf32, #tpu.memory_space<vmem_shared>> -> memref<48x128xf32, #tpu.memory_space<vmem_shared>>
      %dma_start3A_444 = arith.constant 0 : i32
      %dma_start3A_445 = arith.constant 0 : i32
      %dma_start3A_446 = tpu.memref_slice %arg7[%dma_start3A_444, %dma_start3A_445] : memref<96x128xf32, #tpu.memory_space<vmem>> -> memref<48x128xf32, #tpu.memory_space<vmem>>
      tpu.enqueue_dma source(%dma_start3A_446 : memref<48x128xf32, #tpu.memory_space<vmem>>) target(%dma_start3A_443 : memref<48x128xf32, #tpu.memory_space<vmem_shared>>) target_semaphore(%run_scoped3A : memref<!tpu.dma_semaphore, #tpu.memory_space<semaphore_mem>>)
      %dma_wait3A_447 = arith.constant 0 : i32
      %dma_wait3A_448 = arith.constant 0 : i32
      %dma_wait3A_449 = tpu.memref_slice %arg7[%dma_wait3A_447, %dma_wait3A_448] : memref<96x128xf32, #tpu.memory_space<vmem>> -> memref<48x128xf32, #tpu.memory_space<vmem>>
      %dma_wait3A_450 = arith.constant 0 : i32
      %dma_wait3A_451 = tpu.memref_slice %arg11[%add3A_40, %dma_wait3A_450] : memref<10000x128xf32, #tpu.memory_space<vmem_shared>> -> memref<48x128xf32, #tpu.memory_space<vmem_shared>>
      %dma_wait3A_452 = arith.constant 0 : i32
      %dma_wait3A_453 = tpu.memref_slice %arg11[%add3A_40, %dma_wait3A_452] : memref<10000x128xf32, #tpu.memory_space<vmem_shared>> -> memref<48x128xf32, #tpu.memory_space<vmem_shared>>
      %dma_wait3A_454 = arith.constant 0 : i32
      %dma_wait3A_455 = arith.constant 0 : i32
      %dma_wait3A_456 = tpu.memref_slice %arg7[%dma_wait3A_454, %dma_wait3A_455] : memref<96x128xf32, #tpu.memory_space<vmem>> -> memref<48x128xf32, #tpu.memory_space<vmem>>
      tpu.wait_dma2 semaphore(%run_scoped3A : memref<!tpu.dma_semaphore, #tpu.memory_space<semaphore_mem>>) src(%dma_wait3A_456 : memref<48x128xf32, #tpu.memory_space<vmem>>) dst(%dma_wait3A_453 : memref<48x128xf32, #tpu.memory_space<vmem_shared>>)
      tpu.yield
    }) : () -> ()
    %mul3A_41 = arith.constant 624 : i32
    %mul3A_42 = arith.muli %arg1, %mul3A_41 : i32
    %add3A_43 = arith.constant 336 : i32
    %add3A_44 = arith.addi %mul3A_42, %add3A_43 : i32
    "tpu.region"() ({
      %run_scoped3A = tpu.sem_alloc : memref<!tpu.dma_semaphore, #tpu.memory_space<semaphore_mem>>
      %dma_start3A_437 = arith.constant 0 : i32
      %dma_start3A_438 = arith.constant 0 : i32
      %dma_start3A_439 = tpu.memref_slice %arg7[%dma_start3A_437, %dma_start3A_438] : memref<96x128xf32, #tpu.memory_space<vmem>> -> memref<48x128xf32, #tpu.memory_space<vmem>>
      %dma_start3A_440 = arith.constant 0 : i32
      %dma_start3A_441 = tpu.memref_slice %arg11[%add3A_44, %dma_start3A_440] : memref<10000x128xf32, #tpu.memory_space<vmem_shared>> -> memref<48x128xf32, #tpu.memory_space<vmem_shared>>
      %dma_start3A_442 = arith.constant 0 : i32
      %dma_start3A_443 = tpu.memref_slice %arg11[%add3A_44, %dma_start3A_442] : memref<10000x128xf32, #tpu.memory_space<vmem_shared>> -> memref<48x128xf32, #tpu.memory_space<vmem_shared>>
      %dma_start3A_444 = arith.constant 0 : i32
      %dma_start3A_445 = arith.constant 0 : i32
      %dma_start3A_446 = tpu.memref_slice %arg7[%dma_start3A_444, %dma_start3A_445] : memref<96x128xf32, #tpu.memory_space<vmem>> -> memref<48x128xf32, #tpu.memory_space<vmem>>
      tpu.enqueue_dma source(%dma_start3A_446 : memref<48x128xf32, #tpu.memory_space<vmem>>) target(%dma_start3A_443 : memref<48x128xf32, #tpu.memory_space<vmem_shared>>) target_semaphore(%run_scoped3A : memref<!tpu.dma_semaphore, #tpu.memory_space<semaphore_mem>>)
      %dma_wait3A_447 = arith.constant 0 : i32
      %dma_wait3A_448 = arith.constant 0 : i32
      %dma_wait3A_449 = tpu.memref_slice %arg7[%dma_wait3A_447, %dma_wait3A_448] : memref<96x128xf32, #tpu.memory_space<vmem>> -> memref<48x128xf32, #tpu.memory_space<vmem>>
      %dma_wait3A_450 = arith.constant 0 : i32
      %dma_wait3A_451 = tpu.memref_slice %arg11[%add3A_44, %dma_wait3A_450] : memref<10000x128xf32, #tpu.memory_space<vmem_shared>> -> memref<48x128xf32, #tpu.memory_space<vmem_shared>>
      %dma_wait3A_452 = arith.constant 0 : i32
      %dma_wait3A_453 = tpu.memref_slice %arg11[%add3A_44, %dma_wait3A_452] : memref<10000x128xf32, #tpu.memory_space<vmem_shared>> -> memref<48x128xf32, #tpu.memory_space<vmem_shared>>
      %dma_wait3A_454 = arith.constant 0 : i32
      %dma_wait3A_455 = arith.constant 0 : i32
      %dma_wait3A_456 = tpu.memref_slice %arg7[%dma_wait3A_454, %dma_wait3A_455] : memref<96x128xf32, #tpu.memory_space<vmem>> -> memref<48x128xf32, #tpu.memory_space<vmem>>
      tpu.wait_dma2 semaphore(%run_scoped3A : memref<!tpu.dma_semaphore, #tpu.memory_space<semaphore_mem>>) src(%dma_wait3A_456 : memref<48x128xf32, #tpu.memory_space<vmem>>) dst(%dma_wait3A_453 : memref<48x128xf32, #tpu.memory_space<vmem_shared>>)
      tpu.yield
    }) : () -> ()
    %mul3A_45 = arith.constant 624 : i32
    %mul3A_46 = arith.muli %arg1, %mul3A_45 : i32
    %add3A_47 = arith.constant 384 : i32
    %add3A_48 = arith.addi %mul3A_46, %add3A_47 : i32
    "tpu.region"() ({
      %run_scoped3A = tpu.sem_alloc : memref<!tpu.dma_semaphore, #tpu.memory_space<semaphore_mem>>
      %dma_start3A_437 = arith.constant 0 : i32
      %dma_start3A_438 = arith.constant 0 : i32
      %dma_start3A_439 = tpu.memref_slice %arg7[%dma_start3A_437, %dma_start3A_438] : memref<96x128xf32, #tpu.memory_space<vmem>> -> memref<48x128xf32, #tpu.memory_space<vmem>>
      %dma_start3A_440 = arith.constant 0 : i32
      %dma_start3A_441 = tpu.memref_slice %arg11[%add3A_48, %dma_start3A_440] : memref<10000x128xf32, #tpu.memory_space<vmem_shared>> -> memref<48x128xf32, #tpu.memory_space<vmem_shared>>
      %dma_start3A_442 = arith.constant 0 : i32
      %dma_start3A_443 = tpu.memref_slice %arg11[%add3A_48, %dma_start3A_442] : memref<10000x128xf32, #tpu.memory_space<vmem_shared>> -> memref<48x128xf32, #tpu.memory_space<vmem_shared>>
      %dma_start3A_444 = arith.constant 0 : i32
      %dma_start3A_445 = arith.constant 0 : i32
      %dma_start3A_446 = tpu.memref_slice %arg7[%dma_start3A_444, %dma_start3A_445] : memref<96x128xf32, #tpu.memory_space<vmem>> -> memref<48x128xf32, #tpu.memory_space<vmem>>
      tpu.enqueue_dma source(%dma_start3A_446 : memref<48x128xf32, #tpu.memory_space<vmem>>) target(%dma_start3A_443 : memref<48x128xf32, #tpu.memory_space<vmem_shared>>) target_semaphore(%run_scoped3A : memref<!tpu.dma_semaphore, #tpu.memory_space<semaphore_mem>>)
      %dma_wait3A_447 = arith.constant 0 : i32
      %dma_wait3A_448 = arith.constant 0 : i32
      %dma_wait3A_449 = tpu.memref_slice %arg7[%dma_wait3A_447, %dma_wait3A_448] : memref<96x128xf32, #tpu.memory_space<vmem>> -> memref<48x128xf32, #tpu.memory_space<vmem>>
      %dma_wait3A_450 = arith.constant 0 : i32
      %dma_wait3A_451 = tpu.memref_slice %arg11[%add3A_48, %dma_wait3A_450] : memref<10000x128xf32, #tpu.memory_space<vmem_shared>> -> memref<48x128xf32, #tpu.memory_space<vmem_shared>>
      %dma_wait3A_452 = arith.constant 0 : i32
      %dma_wait3A_453 = tpu.memref_slice %arg11[%add3A_48, %dma_wait3A_452] : memref<10000x128xf32, #tpu.memory_space<vmem_shared>> -> memref<48x128xf32, #tpu.memory_space<vmem_shared>>
      %dma_wait3A_454 = arith.constant 0 : i32
      %dma_wait3A_455 = arith.constant 0 : i32
      %dma_wait3A_456 = tpu.memref_slice %arg7[%dma_wait3A_454, %dma_wait3A_455] : memref<96x128xf32, #tpu.memory_space<vmem>> -> memref<48x128xf32, #tpu.memory_space<vmem>>
      tpu.wait_dma2 semaphore(%run_scoped3A : memref<!tpu.dma_semaphore, #tpu.memory_space<semaphore_mem>>) src(%dma_wait3A_456 : memref<48x128xf32, #tpu.memory_space<vmem>>) dst(%dma_wait3A_453 : memref<48x128xf32, #tpu.memory_space<vmem_shared>>)
      tpu.yield
    }) : () -> ()
    %mul3A_49 = arith.constant 624 : i32
    %mul3A_50 = arith.muli %arg1, %mul3A_49 : i32
    %add3A_51 = arith.constant 432 : i32
    %add3A_52 = arith.addi %mul3A_50, %add3A_51 : i32
    "tpu.region"() ({
      %run_scoped3A = tpu.sem_alloc : memref<!tpu.dma_semaphore, #tpu.memory_space<semaphore_mem>>
      %dma_start3A_437 = arith.constant 0 : i32
      %dma_start3A_438 = arith.constant 0 : i32
      %dma_start3A_439 = tpu.memref_slice %arg7[%dma_start3A_437, %dma_start3A_438] : memref<96x128xf32, #tpu.memory_space<vmem>> -> memref<48x128xf32, #tpu.memory_space<vmem>>
      %dma_start3A_440 = arith.constant 0 : i32
      %dma_start3A_441 = tpu.memref_slice %arg11[%add3A_52, %dma_start3A_440] : memref<10000x128xf32, #tpu.memory_space<vmem_shared>> -> memref<48x128xf32, #tpu.memory_space<vmem_shared>>
      %dma_start3A_442 = arith.constant 0 : i32
      %dma_start3A_443 = tpu.memref_slice %arg11[%add3A_52, %dma_start3A_442] : memref<10000x128xf32, #tpu.memory_space<vmem_shared>> -> memref<48x128xf32, #tpu.memory_space<vmem_shared>>
      %dma_start3A_444 = arith.constant 0 : i32
      %dma_start3A_445 = arith.constant 0 : i32
      %dma_start3A_446 = tpu.memref_slice %arg7[%dma_start3A_444, %dma_start3A_445] : memref<96x128xf32, #tpu.memory_space<vmem>> -> memref<48x128xf32, #tpu.memory_space<vmem>>
      tpu.enqueue_dma source(%dma_start3A_446 : memref<48x128xf32, #tpu.memory_space<vmem>>) target(%dma_start3A_443 : memref<48x128xf32, #tpu.memory_space<vmem_shared>>) target_semaphore(%run_scoped3A : memref<!tpu.dma_semaphore, #tpu.memory_space<semaphore_mem>>)
      %dma_wait3A_447 = arith.constant 0 : i32
      %dma_wait3A_448 = arith.constant 0 : i32
      %dma_wait3A_449 = tpu.memref_slice %arg7[%dma_wait3A_447, %dma_wait3A_448] : memref<96x128xf32, #tpu.memory_space<vmem>> -> memref<48x128xf32, #tpu.memory_space<vmem>>
      %dma_wait3A_450 = arith.constant 0 : i32
      %dma_wait3A_451 = tpu.memref_slice %arg11[%add3A_52, %dma_wait3A_450] : memref<10000x128xf32, #tpu.memory_space<vmem_shared>> -> memref<48x128xf32, #tpu.memory_space<vmem_shared>>
      %dma_wait3A_452 = arith.constant 0 : i32
      %dma_wait3A_453 = tpu.memref_slice %arg11[%add3A_52, %dma_wait3A_452] : memref<10000x128xf32, #tpu.memory_space<vmem_shared>> -> memref<48x128xf32, #tpu.memory_space<vmem_shared>>
      %dma_wait3A_454 = arith.constant 0 : i32
      %dma_wait3A_455 = arith.constant 0 : i32
      %dma_wait3A_456 = tpu.memref_slice %arg7[%dma_wait3A_454, %dma_wait3A_455] : memref<96x128xf32, #tpu.memory_space<vmem>> -> memref<48x128xf32, #tpu.memory_space<vmem>>
      tpu.wait_dma2 semaphore(%run_scoped3A : memref<!tpu.dma_semaphore, #tpu.memory_space<semaphore_mem>>) src(%dma_wait3A_456 : memref<48x128xf32, #tpu.memory_space<vmem>>) dst(%dma_wait3A_453 : memref<48x128xf32, #tpu.memory_space<vmem_shared>>)
      tpu.yield
    }) : () -> ()
    %mul3A_53 = arith.constant 624 : i32
    %mul3A_54 = arith.muli %arg1, %mul3A_53 : i32
    %add3A_55 = arith.constant 480 : i32
    %add3A_56 = arith.addi %mul3A_54, %add3A_55 : i32
    "tpu.region"() ({
      %run_scoped3A = tpu.sem_alloc : memref<!tpu.dma_semaphore, #tpu.memory_space<semaphore_mem>>
      %dma_start3A_437 = arith.constant 0 : i32
      %dma_start3A_438 = arith.constant 0 : i32
      %dma_start3A_439 = tpu.memref_slice %arg7[%dma_start3A_437, %dma_start3A_438] : memref<96x128xf32, #tpu.memory_space<vmem>> -> memref<48x128xf32, #tpu.memory_space<vmem>>
      %dma_start3A_440 = arith.constant 0 : i32
      %dma_start3A_441 = tpu.memref_slice %arg11[%add3A_56, %dma_start3A_440] : memref<10000x128xf32, #tpu.memory_space<vmem_shared>> -> memref<48x128xf32, #tpu.memory_space<vmem_shared>>
      %dma_start3A_442 = arith.constant 0 : i32
      %dma_start3A_443 = tpu.memref_slice %arg11[%add3A_56, %dma_start3A_442] : memref<10000x128xf32, #tpu.memory_space<vmem_shared>> -> memref<48x128xf32, #tpu.memory_space<vmem_shared>>
      %dma_start3A_444 = arith.constant 0 : i32
      %dma_start3A_445 = arith.constant 0 : i32
      %dma_start3A_446 = tpu.memref_slice %arg7[%dma_start3A_444, %dma_start3A_445] : memref<96x128xf32, #tpu.memory_space<vmem>> -> memref<48x128xf32, #tpu.memory_space<vmem>>
      tpu.enqueue_dma source(%dma_start3A_446 : memref<48x128xf32, #tpu.memory_space<vmem>>) target(%dma_start3A_443 : memref<48x128xf32, #tpu.memory_space<vmem_shared>>) target_semaphore(%run_scoped3A : memref<!tpu.dma_semaphore, #tpu.memory_space<semaphore_mem>>)
      %dma_wait3A_447 = arith.constant 0 : i32
      %dma_wait3A_448 = arith.constant 0 : i32
      %dma_wait3A_449 = tpu.memref_slice %arg7[%dma_wait3A_447, %dma_wait3A_448] : memref<96x128xf32, #tpu.memory_space<vmem>> -> memref<48x128xf32, #tpu.memory_space<vmem>>
      %dma_wait3A_450 = arith.constant 0 : i32
      %dma_wait3A_451 = tpu.memref_slice %arg11[%add3A_56, %dma_wait3A_450] : memref<10000x128xf32, #tpu.memory_space<vmem_shared>> -> memref<48x128xf32, #tpu.memory_space<vmem_shared>>
      %dma_wait3A_452 = arith.constant 0 : i32
      %dma_wait3A_453 = tpu.memref_slice %arg11[%add3A_56, %dma_wait3A_452] : memref<10000x128xf32, #tpu.memory_space<vmem_shared>> -> memref<48x128xf32, #tpu.memory_space<vmem_shared>>
      %dma_wait3A_454 = arith.constant 0 : i32
      %dma_wait3A_455 = arith.constant 0 : i32
      %dma_wait3A_456 = tpu.memref_slice %arg7[%dma_wait3A_454, %dma_wait3A_455] : memref<96x128xf32, #tpu.memory_space<vmem>> -> memref<48x128xf32, #tpu.memory_space<vmem>>
      tpu.wait_dma2 semaphore(%run_scoped3A : memref<!tpu.dma_semaphore, #tpu.memory_space<semaphore_mem>>) src(%dma_wait3A_456 : memref<48x128xf32, #tpu.memory_space<vmem>>) dst(%dma_wait3A_453 : memref<48x128xf32, #tpu.memory_space<vmem_shared>>)
      tpu.yield
    }) : () -> ()
    %mul3A_57 = arith.constant 624 : i32
    %mul3A_58 = arith.muli %arg1, %mul3A_57 : i32
    %add3A_59 = arith.constant 528 : i32
    %add3A_60 = arith.addi %mul3A_58, %add3A_59 : i32
    "tpu.region"() ({
      %run_scoped3A = tpu.sem_alloc : memref<!tpu.dma_semaphore, #tpu.memory_space<semaphore_mem>>
      %dma_start3A_437 = arith.constant 0 : i32
      %dma_start3A_438 = arith.constant 0 : i32
      %dma_start3A_439 = tpu.memref_slice %arg7[%dma_start3A_437, %dma_start3A_438] : memref<96x128xf32, #tpu.memory_space<vmem>> -> memref<48x128xf32, #tpu.memory_space<vmem>>
      %dma_start3A_440 = arith.constant 0 : i32
      %dma_start3A_441 = tpu.memref_slice %arg11[%add3A_60, %dma_start3A_440] : memref<10000x128xf32, #tpu.memory_space<vmem_shared>> -> memref<48x128xf32, #tpu.memory_space<vmem_shared>>
      %dma_start3A_442 = arith.constant 0 : i32
      %dma_start3A_443 = tpu.memref_slice %arg11[%add3A_60, %dma_start3A_442] : memref<10000x128xf32, #tpu.memory_space<vmem_shared>> -> memref<48x128xf32, #tpu.memory_space<vmem_shared>>
      %dma_start3A_444 = arith.constant 0 : i32
      %dma_start3A_445 = arith.constant 0 : i32
      %dma_start3A_446 = tpu.memref_slice %arg7[%dma_start3A_444, %dma_start3A_445] : memref<96x128xf32, #tpu.memory_space<vmem>> -> memref<48x128xf32, #tpu.memory_space<vmem>>
      tpu.enqueue_dma source(%dma_start3A_446 : memref<48x128xf32, #tpu.memory_space<vmem>>) target(%dma_start3A_443 : memref<48x128xf32, #tpu.memory_space<vmem_shared>>) target_semaphore(%run_scoped3A : memref<!tpu.dma_semaphore, #tpu.memory_space<semaphore_mem>>)
      %dma_wait3A_447 = arith.constant 0 : i32
      %dma_wait3A_448 = arith.constant 0 : i32
      %dma_wait3A_449 = tpu.memref_slice %arg7[%dma_wait3A_447, %dma_wait3A_448] : memref<96x128xf32, #tpu.memory_space<vmem>> -> memref<48x128xf32, #tpu.memory_space<vmem>>
      %dma_wait3A_450 = arith.constant 0 : i32
      %dma_wait3A_451 = tpu.memref_slice %arg11[%add3A_60, %dma_wait3A_450] : memref<10000x128xf32, #tpu.memory_space<vmem_shared>> -> memref<48x128xf32, #tpu.memory_space<vmem_shared>>
      %dma_wait3A_452 = arith.constant 0 : i32
      %dma_wait3A_453 = tpu.memref_slice %arg11[%add3A_60, %dma_wait3A_452] : memref<10000x128xf32, #tpu.memory_space<vmem_shared>> -> memref<48x128xf32, #tpu.memory_space<vmem_shared>>
      %dma_wait3A_454 = arith.constant 0 : i32
      %dma_wait3A_455 = arith.constant 0 : i32
      %dma_wait3A_456 = tpu.memref_slice %arg7[%dma_wait3A_454, %dma_wait3A_455] : memref<96x128xf32, #tpu.memory_space<vmem>> -> memref<48x128xf32, #tpu.memory_space<vmem>>
      tpu.wait_dma2 semaphore(%run_scoped3A : memref<!tpu.dma_semaphore, #tpu.memory_space<semaphore_mem>>) src(%dma_wait3A_456 : memref<48x128xf32, #tpu.memory_space<vmem>>) dst(%dma_wait3A_453 : memref<48x128xf32, #tpu.memory_space<vmem_shared>>)
      tpu.yield
    }) : () -> ()
    %mul3A_61 = arith.constant 624 : i32
    %mul3A_62 = arith.muli %arg1, %mul3A_61 : i32
    %add3A_63 = arith.constant 576 : i32
    %add3A_64 = arith.addi %mul3A_62, %add3A_63 : i32
    "tpu.region"() ({
      %run_scoped3A = tpu.sem_alloc : memref<!tpu.dma_semaphore, #tpu.memory_space<semaphore_mem>>
      %dma_start3A_437 = arith.constant 0 : i32
      %dma_start3A_438 = arith.constant 0 : i32
      %dma_start3A_439 = tpu.memref_slice %arg7[%dma_start3A_437, %dma_start3A_438] : memref<96x128xf32, #tpu.memory_space<vmem>> -> memref<48x128xf32, #tpu.memory_space<vmem>>
      %dma_start3A_440 = arith.constant 0 : i32
      %dma_start3A_441 = tpu.memref_slice %arg11[%add3A_64, %dma_start3A_440] : memref<10000x128xf32, #tpu.memory_space<vmem_shared>> -> memref<48x128xf32, #tpu.memory_space<vmem_shared>>
      %dma_start3A_442 = arith.constant 0 : i32
      %dma_start3A_443 = tpu.memref_slice %arg11[%add3A_64, %dma_start3A_442] : memref<10000x128xf32, #tpu.memory_space<vmem_shared>> -> memref<48x128xf32, #tpu.memory_space<vmem_shared>>
      %dma_start3A_444 = arith.constant 0 : i32
      %dma_start3A_445 = arith.constant 0 : i32
      %dma_start3A_446 = tpu.memref_slice %arg7[%dma_start3A_444, %dma_start3A_445] : memref<96x128xf32, #tpu.memory_space<vmem>> -> memref<48x128xf32, #tpu.memory_space<vmem>>
      tpu.enqueue_dma source(%dma_start3A_446 : memref<48x128xf32, #tpu.memory_space<vmem>>) target(%dma_start3A_443 : memref<48x128xf32, #tpu.memory_space<vmem_shared>>) target_semaphore(%run_scoped3A : memref<!tpu.dma_semaphore, #tpu.memory_space<semaphore_mem>>)
      %dma_wait3A_447 = arith.constant 0 : i32
      %dma_wait3A_448 = arith.constant 0 : i32
      %dma_wait3A_449 = tpu.memref_slice %arg7[%dma_wait3A_447, %dma_wait3A_448] : memref<96x128xf32, #tpu.memory_space<vmem>> -> memref<48x128xf32, #tpu.memory_space<vmem>>
      %dma_wait3A_450 = arith.constant 0 : i32
      %dma_wait3A_451 = tpu.memref_slice %arg11[%add3A_64, %dma_wait3A_450] : memref<10000x128xf32, #tpu.memory_space<vmem_shared>> -> memref<48x128xf32, #tpu.memory_space<vmem_shared>>
      %dma_wait3A_452 = arith.constant 0 : i32
      %dma_wait3A_453 = tpu.memref_slice %arg11[%add3A_64, %dma_wait3A_452] : memref<10000x128xf32, #tpu.memory_space<vmem_shared>> -> memref<48x128xf32, #tpu.memory_space<vmem_shared>>
      %dma_wait3A_454 = arith.constant 0 : i32
      %dma_wait3A_455 = arith.constant 0 : i32
      %dma_wait3A_456 = tpu.memref_slice %arg7[%dma_wait3A_454, %dma_wait3A_455] : memref<96x128xf32, #tpu.memory_space<vmem>> -> memref<48x128xf32, #tpu.memory_space<vmem>>
      tpu.wait_dma2 semaphore(%run_scoped3A : memref<!tpu.dma_semaphore, #tpu.memory_space<semaphore_mem>>) src(%dma_wait3A_456 : memref<48x128xf32, #tpu.memory_space<vmem>>) dst(%dma_wait3A_453 : memref<48x128xf32, #tpu.memory_space<vmem_shared>>)
      tpu.yield
    }) : () -> ()
    %eq3A = arith.constant 15 : i32
    %eq3A_65 = arith.cmpi eq, %arg1, %eq3A : i32
    %convert_element_type3A = arith.extui %eq3A_65 : i1 to i32
    %cond3A = arith.constant 0 : i32
    %cond3A_66 = arith.cmpi ne, %convert_element_type3A, %cond3A : i32
    scf.if %cond3A_66 {
      "tpu.region"() ({
        %run_scoped3A = tpu.sem_alloc : memref<!tpu.dma_semaphore, #tpu.memory_space<semaphore_mem>>
        %dma_start3A_437 = arith.constant 0 : i32
        %dma_start3A_438 = arith.constant 0 : i32
        %dma_start3A_439 = tpu.memref_slice %arg7[%dma_start3A_437, %dma_start3A_438] : memref<96x128xf32, #tpu.memory_space<vmem>> -> memref<16x128xf32, #tpu.memory_space<vmem>>
        %dma_start3A_440 = arith.constant 9984 : i32
        %dma_start3A_441 = arith.constant 0 : i32
        %dma_start3A_442 = tpu.memref_slice %arg11[%dma_start3A_440, %dma_start3A_441] : memref<10000x128xf32, #tpu.memory_space<vmem_shared>> -> memref<16x128xf32, #tpu.memory_space<vmem_shared>>
        %dma_start3A_443 = arith.constant 9984 : i32
        %dma_start3A_444 = arith.constant 0 : i32
        %dma_start3A_445 = tpu.memref_slice %arg11[%dma_start3A_443, %dma_start3A_444] : memref<10000x128xf32, #tpu.memory_space<vmem_shared>> -> memref<16x128xf32, #tpu.memory_space<vmem_shared>>
        %dma_start3A_446 = arith.constant 0 : i32
        %dma_start3A_447 = arith.constant 0 : i32
        %dma_start3A_448 = tpu.memref_slice %arg7[%dma_start3A_446, %dma_start3A_447] : memref<96x128xf32, #tpu.memory_space<vmem>> -> memref<16x128xf32, #tpu.memory_space<vmem>>
        tpu.enqueue_dma source(%dma_start3A_448 : memref<16x128xf32, #tpu.memory_space<vmem>>) target(%dma_start3A_445 : memref<16x128xf32, #tpu.memory_space<vmem_shared>>) target_semaphore(%run_scoped3A : memref<!tpu.dma_semaphore, #tpu.memory_space<semaphore_mem>>)
        %dma_wait3A_449 = arith.constant 0 : i32
        %dma_wait3A_450 = arith.constant 0 : i32
        %dma_wait3A_451 = tpu.memref_slice %arg7[%dma_wait3A_449, %dma_wait3A_450] : memref<96x128xf32, #tpu.memory_space<vmem>> -> memref<16x128xf32, #tpu.memory_space<vmem>>
        %dma_wait3A_452 = arith.constant 9984 : i32
        %dma_wait3A_453 = arith.constant 0 : i32
        %dma_wait3A_454 = tpu.memref_slice %arg11[%dma_wait3A_452, %dma_wait3A_453] : memref<10000x128xf32, #tpu.memory_space<vmem_shared>> -> memref<16x128xf32, #tpu.memory_space<vmem_shared>>
        %dma_wait3A_455 = arith.constant 9984 : i32
        %dma_wait3A_456 = arith.constant 0 : i32
        %dma_wait3A_457 = tpu.memref_slice %arg11[%dma_wait3A_455, %dma_wait3A_456] : memref<10000x128xf32, #tpu.memory_space<vmem_shared>> -> memref<16x128xf32, #tpu.memory_space<vmem_shared>>
        %dma_wait3A_458 = arith.constant 0 : i32
        %dma_wait3A_459 = arith.constant 0 : i32
        %dma_wait3A_460 = tpu.memref_slice %arg7[%dma_wait3A_458, %dma_wait3A_459] : memref<96x128xf32, #tpu.memory_space<vmem>> -> memref<16x128xf32, #tpu.memory_space<vmem>>
        tpu.wait_dma2 semaphore(%run_scoped3A : memref<!tpu.dma_semaphore, #tpu.memory_space<semaphore_mem>>) src(%dma_wait3A_460 : memref<16x128xf32, #tpu.memory_space<vmem>>) dst(%dma_wait3A_457 : memref<16x128xf32, #tpu.memory_space<vmem_shared>>)
        tpu.yield
      }) : () -> ()
    } else {
    }
    %add3A_67 = arith.constant 9984 : i32
    %add3A_68 = arith.addi %add3A_6, %add3A_67 : i32
    "tpu.region"() ({
      %run_scoped3A = tpu.sem_alloc : memref<!tpu.dma_semaphore, #tpu.memory_space<semaphore_mem>>
      %dma_start3A_437 = arith.constant 0 : i32
      %dma_start3A_438 = tpu.memref_slice %arg5[%dma_start3A_437] : memref<768xi32, #tpu.memory_space<vmem>> -> memref<16xi32, #tpu.memory_space<vmem>>
      %dma_start3A_439 = tpu.memref_slice %arg3[%add3A_68] : memref<640000xi32, #tpu.memory_space<hbm>> -> memref<16xi32, #tpu.memory_space<hbm>>
      %dma_start3A_440 = arith.constant 0 : i32
      %dma_start3A_441 = tpu.memref_slice %arg5[%dma_start3A_440] : memref<768xi32, #tpu.memory_space<vmem>> -> memref<16xi32, #tpu.memory_space<vmem>>
      %dma_start3A_442 = tpu.memref_slice %arg3[%add3A_68] : memref<640000xi32, #tpu.memory_space<hbm>> -> memref<16xi32, #tpu.memory_space<hbm>>
      tpu.enqueue_dma source(%dma_start3A_442 : memref<16xi32, #tpu.memory_space<hbm>>) target(%dma_start3A_441 : memref<16xi32, #tpu.memory_space<vmem>>) target_semaphore(%run_scoped3A : memref<!tpu.dma_semaphore, #tpu.memory_space<semaphore_mem>>)
      %dma_wait3A_443 = arith.constant 0 : i32
      %dma_wait3A_444 = tpu.memref_slice %arg5[%dma_wait3A_443] : memref<768xi32, #tpu.memory_space<vmem>> -> memref<16xi32, #tpu.memory_space<vmem>>
      %dma_wait3A_445 = tpu.memref_slice %arg3[%add3A_68] : memref<640000xi32, #tpu.memory_space<hbm>> -> memref<16xi32, #tpu.memory_space<hbm>>
      %dma_wait3A_446 = arith.constant 0 : i32
      %dma_wait3A_447 = tpu.memref_slice %arg5[%dma_wait3A_446] : memref<768xi32, #tpu.memory_space<vmem>> -> memref<16xi32, #tpu.memory_space<vmem>>
      %dma_wait3A_448 = tpu.memref_slice %arg3[%add3A_68] : memref<640000xi32, #tpu.memory_space<hbm>> -> memref<16xi32, #tpu.memory_space<hbm>>
      tpu.wait_dma2 semaphore(%run_scoped3A : memref<!tpu.dma_semaphore, #tpu.memory_space<semaphore_mem>>) src(%dma_wait3A_448 : memref<16xi32, #tpu.memory_space<hbm>>) dst(%dma_wait3A_447 : memref<16xi32, #tpu.memory_space<vmem>>)
      tpu.yield
    }) : () -> ()
    %add3A_69 = arith.constant 9984 : i32
    %add3A_70 = arith.addi %mul3A_2, %add3A_69 : i32
    "tpu.region"() ({
      %run_scoped3A = tpu.sem_alloc : memref<!tpu.dma_semaphore, #tpu.memory_space<semaphore_mem>>
      %dma_start3A_437 = arith.constant 0 : i32
      %dma_start3A_438 = tpu.memref_slice %arg6[%dma_start3A_437] : memref<768xi32, #tpu.memory_space<vmem>> -> memref<16xi32, #tpu.memory_space<vmem>>
      %dma_start3A_439 = tpu.memref_slice %arg3[%add3A_70] : memref<640000xi32, #tpu.memory_space<hbm>> -> memref<16xi32, #tpu.memory_space<hbm>>
      %dma_start3A_440 = arith.constant 0 : i32
      %dma_start3A_441 = tpu.memref_slice %arg6[%dma_start3A_440] : memref<768xi32, #tpu.memory_space<vmem>> -> memref<16xi32, #tpu.memory_space<vmem>>
      %dma_start3A_442 = tpu.memref_slice %arg3[%add3A_70] : memref<640000xi32, #tpu.memory_space<hbm>> -> memref<16xi32, #tpu.memory_space<hbm>>
      tpu.enqueue_dma source(%dma_start3A_442 : memref<16xi32, #tpu.memory_space<hbm>>) target(%dma_start3A_441 : memref<16xi32, #tpu.memory_space<vmem>>) target_semaphore(%run_scoped3A : memref<!tpu.dma_semaphore, #tpu.memory_space<semaphore_mem>>)
      %dma_wait3A_443 = arith.constant 0 : i32
      %dma_wait3A_444 = tpu.memref_slice %arg6[%dma_wait3A_443] : memref<768xi32, #tpu.memory_space<vmem>> -> memref<16xi32, #tpu.memory_space<vmem>>
      %dma_wait3A_445 = tpu.memref_slice %arg3[%add3A_70] : memref<640000xi32, #tpu.memory_space<hbm>> -> memref<16xi32, #tpu.memory_space<hbm>>
      %dma_wait3A_446 = arith.constant 0 : i32
      %dma_wait3A_447 = tpu.memref_slice %arg6[%dma_wait3A_446] : memref<768xi32, #tpu.memory_space<vmem>> -> memref<16xi32, #tpu.memory_space<vmem>>
      %dma_wait3A_448 = tpu.memref_slice %arg3[%add3A_70] : memref<640000xi32, #tpu.memory_space<hbm>> -> memref<16xi32, #tpu.memory_space<hbm>>
      tpu.wait_dma2 semaphore(%run_scoped3A : memref<!tpu.dma_semaphore, #tpu.memory_space<semaphore_mem>>) src(%dma_wait3A_448 : memref<16xi32, #tpu.memory_space<hbm>>) dst(%dma_wait3A_447 : memref<16xi32, #tpu.memory_space<vmem>>)
      tpu.yield
    }) : () -> ()
    %barrier3A = arith.constant 0 : index
    tpu.barrier barrier_id(%barrier3A)
    %dma_start3A = arith.constant 0 : i32
    %dma_start3A_71 = arith.constant 0 : i32
    %dma_start3A_72 = tpu.memref_slice %arg7[%dma_start3A, %dma_start3A_71] : memref<96x128xf32, #tpu.memory_space<vmem>> -> memref<16x128xf32, #tpu.memory_space<vmem>>
    %dma_start3A_73 = arith.constant 0 : i32
    %dma_start3A_74 = tpu.memref_slice %arg5[%dma_start3A_73] : memref<768xi32, #tpu.memory_space<vmem>> -> memref<16xi32, #tpu.memory_space<vmem>>
    %dma_start3A_75 = arith.constant 0 : i32
    %dma_start3A_76 = arith.constant 0 : i32
    %dma_start3A_77 = tpu.memref_slice %arg2[%dma_start3A_75, %dma_start3A_76] : memref<10000x128xf32, #tpu.memory_space<hbm>> -> memref<10000x128xf32, #tpu.memory_space<hbm>>
    tpu.enqueue_indirect_dma source(%dma_start3A_77 : memref<10000x128xf32, #tpu.memory_space<hbm>>) target(%dma_start3A_72 : memref<16x128xf32, #tpu.memory_space<vmem>>) offsets(%dma_start3A_74 : memref<16xi32, #tpu.memory_space<vmem>>) semaphore(%arg12 : memref<!tpu.dma_semaphore, #tpu.memory_space<semaphore_mem>>)
    %dma_wait3A = arith.constant 0 : i32
    %dma_wait3A_78 = arith.constant 0 : i32
    %dma_wait3A_79 = tpu.memref_slice %arg7[%dma_wait3A, %dma_wait3A_78] : memref<96x128xf32, #tpu.memory_space<vmem>> -> memref<16x128xf32, #tpu.memory_space<vmem>>
    %dma_wait3A_80 = arith.constant 0 : i32
    %dma_wait3A_81 = tpu.memref_slice %arg5[%dma_wait3A_80] : memref<768xi32, #tpu.memory_space<vmem>> -> memref<16xi32, #tpu.memory_space<vmem>>
    %dma_wait3A_82 = arith.constant 0 : i32
    %dma_wait3A_83 = arith.constant 0 : i32
    %dma_wait3A_84 = tpu.memref_slice %arg2[%dma_wait3A_82, %dma_wait3A_83] : memref<10000x128xf32, #tpu.memory_space<hbm>> -> memref<10000x128xf32, #tpu.memory_space<hbm>>
    tpu.wait_indirect_dma semaphore(%arg12 : memref<!tpu.dma_semaphore, #tpu.memory_space<semaphore_mem>>) src(%dma_wait3A_84 : memref<10000x128xf32, #tpu.memory_space<hbm>>) dst(%dma_wait3A_79 : memref<16x128xf32, #tpu.memory_space<vmem>>)
    "tpu.region"() ({
      %run_scoped3A = tpu.sem_alloc : memref<!tpu.dma_semaphore, #tpu.memory_space<semaphore_mem>>
      %dma_start3A_437 = arith.constant 0 : i32
      %dma_start3A_438 = arith.constant 0 : i32
      %dma_start3A_439 = tpu.memref_slice %arg7[%dma_start3A_437, %dma_start3A_438] : memref<96x128xf32, #tpu.memory_space<vmem>> -> memref<16x128xf32, #tpu.memory_space<vmem>>
      %dma_start3A_440 = arith.constant 0 : i32
      %dma_start3A_441 = tpu.memref_slice %arg6[%dma_start3A_440] : memref<768xi32, #tpu.memory_space<vmem>> -> memref<16xi32, #tpu.memory_space<vmem>>
      %dma_start3A_442 = arith.constant 0 : i32
      %dma_start3A_443 = arith.constant 0 : i32
      %dma_start3A_444 = tpu.memref_slice %arg11[%dma_start3A_442, %dma_start3A_443] : memref<10000x128xf32, #tpu.memory_space<vmem_shared>> -> memref<10000x128xf32, #tpu.memory_space<vmem_shared>>
      tpu.enqueue_indirect_dma source(%dma_start3A_439 : memref<16x128xf32, #tpu.memory_space<vmem>>) target(%dma_start3A_444 : memref<10000x128xf32, #tpu.memory_space<vmem_shared>>) offsets(%dma_start3A_441 : memref<16xi32, #tpu.memory_space<vmem>>) semaphore(%run_scoped3A : memref<!tpu.dma_semaphore, #tpu.memory_space<semaphore_mem>>) {add = true}
      %dma_wait3A_445 = arith.constant 0 : i32
      %dma_wait3A_446 = arith.constant 0 : i32
      %dma_wait3A_447 = tpu.memref_slice %arg7[%dma_wait3A_445, %dma_wait3A_446] : memref<96x128xf32, #tpu.memory_space<vmem>> -> memref<16x128xf32, #tpu.memory_space<vmem>>
      %dma_wait3A_448 = arith.constant 0 : i32
      %dma_wait3A_449 = tpu.memref_slice %arg6[%dma_wait3A_448] : memref<768xi32, #tpu.memory_space<vmem>> -> memref<16xi32, #tpu.memory_space<vmem>>
      %dma_wait3A_450 = arith.constant 0 : i32
      %dma_wait3A_451 = arith.constant 0 : i32
      %dma_wait3A_452 = tpu.memref_slice %arg11[%dma_wait3A_450, %dma_wait3A_451] : memref<10000x128xf32, #tpu.memory_space<vmem_shared>> -> memref<10000x128xf32, #tpu.memory_space<vmem_shared>>
      tpu.wait_indirect_dma semaphore(%run_scoped3A : memref<!tpu.dma_semaphore, #tpu.memory_space<semaphore_mem>>) src(%dma_wait3A_447 : memref<16x128xf32, #tpu.memory_space<vmem>>) dst(%dma_wait3A_452 : memref<10000x128xf32, #tpu.memory_space<vmem_shared>>)
      tpu.yield
    }) : () -> ()
    %add3A_85 = arith.constant 0 : i32
    %add3A_86 = arith.addi %add3A_6, %add3A_85 : i32
    %dma_start3A_87 = arith.constant 0 : i32
    %dma_start3A_88 = tpu.memref_slice %arg5[%dma_start3A_87] : memref<768xi32, #tpu.memory_space<vmem>> -> memref<96xi32, #tpu.memory_space<vmem>>
    %dma_start3A_89 = tpu.memref_slice %arg3[%add3A_86] : memref<640000xi32, #tpu.memory_space<hbm>> -> memref<96xi32, #tpu.memory_space<hbm>>
    %dma_start3A_90 = arith.constant 0 : i32
    %dma_start3A_91 = tpu.memref_slice %arg5[%dma_start3A_90] : memref<768xi32, #tpu.memory_space<vmem>> -> memref<96xi32, #tpu.memory_space<vmem>>
    %dma_start3A_92 = tpu.memref_slice %arg3[%add3A_86] : memref<640000xi32, #tpu.memory_space<hbm>> -> memref<96xi32, #tpu.memory_space<hbm>>
    tpu.enqueue_dma source(%dma_start3A_92 : memref<96xi32, #tpu.memory_space<hbm>>) target(%dma_start3A_91 : memref<96xi32, #tpu.memory_space<vmem>>) target_semaphore(%arg16 : memref<!tpu.dma_semaphore, #tpu.memory_space<semaphore_mem>>)
    %add3A_93 = arith.constant 0 : i32
    %add3A_94 = arith.addi %mul3A_2, %add3A_93 : i32
    %dma_start3A_95 = arith.constant 0 : i32
    %dma_start3A_96 = tpu.memref_slice %arg6[%dma_start3A_95] : memref<768xi32, #tpu.memory_space<vmem>> -> memref<96xi32, #tpu.memory_space<vmem>>
    %dma_start3A_97 = tpu.memref_slice %arg3[%add3A_94] : memref<640000xi32, #tpu.memory_space<hbm>> -> memref<96xi32, #tpu.memory_space<hbm>>
    %dma_start3A_98 = arith.constant 0 : i32
    %dma_start3A_99 = tpu.memref_slice %arg6[%dma_start3A_98] : memref<768xi32, #tpu.memory_space<vmem>> -> memref<96xi32, #tpu.memory_space<vmem>>
    %dma_start3A_100 = tpu.memref_slice %arg3[%add3A_94] : memref<640000xi32, #tpu.memory_space<hbm>> -> memref<96xi32, #tpu.memory_space<hbm>>
    tpu.enqueue_dma source(%dma_start3A_100 : memref<96xi32, #tpu.memory_space<hbm>>) target(%dma_start3A_99 : memref<96xi32, #tpu.memory_space<vmem>>) target_semaphore(%arg16 : memref<!tpu.dma_semaphore, #tpu.memory_space<semaphore_mem>>)
    %add3A_101 = arith.constant 96 : i32
    %add3A_102 = arith.addi %add3A_6, %add3A_101 : i32
    %dma_start3A_103 = arith.constant 96 : i32
    %dma_start3A_104 = tpu.memref_slice %arg5[%dma_start3A_103] : memref<768xi32, #tpu.memory_space<vmem>> -> memref<96xi32, #tpu.memory_space<vmem>>
    %dma_start3A_105 = tpu.memref_slice %arg3[%add3A_102] : memref<640000xi32, #tpu.memory_space<hbm>> -> memref<96xi32, #tpu.memory_space<hbm>>
    %dma_start3A_106 = arith.constant 96 : i32
    %dma_start3A_107 = tpu.memref_slice %arg5[%dma_start3A_106] : memref<768xi32, #tpu.memory_space<vmem>> -> memref<96xi32, #tpu.memory_space<vmem>>
    %dma_start3A_108 = tpu.memref_slice %arg3[%add3A_102] : memref<640000xi32, #tpu.memory_space<hbm>> -> memref<96xi32, #tpu.memory_space<hbm>>
    tpu.enqueue_dma source(%dma_start3A_108 : memref<96xi32, #tpu.memory_space<hbm>>) target(%dma_start3A_107 : memref<96xi32, #tpu.memory_space<vmem>>) target_semaphore(%arg17 : memref<!tpu.dma_semaphore, #tpu.memory_space<semaphore_mem>>)
    %add3A_109 = arith.constant 96 : i32
    %add3A_110 = arith.addi %mul3A_2, %add3A_109 : i32
    %dma_start3A_111 = arith.constant 96 : i32
    %dma_start3A_112 = tpu.memref_slice %arg6[%dma_start3A_111] : memref<768xi32, #tpu.memory_space<vmem>> -> memref<96xi32, #tpu.memory_space<vmem>>
    %dma_start3A_113 = tpu.memref_slice %arg3[%add3A_110] : memref<640000xi32, #tpu.memory_space<hbm>> -> memref<96xi32, #tpu.memory_space<hbm>>
    %dma_start3A_114 = arith.constant 96 : i32
    %dma_start3A_115 = tpu.memref_slice %arg6[%dma_start3A_114] : memref<768xi32, #tpu.memory_space<vmem>> -> memref<96xi32, #tpu.memory_space<vmem>>
    %dma_start3A_116 = tpu.memref_slice %arg3[%add3A_110] : memref<640000xi32, #tpu.memory_space<hbm>> -> memref<96xi32, #tpu.memory_space<hbm>>
    tpu.enqueue_dma source(%dma_start3A_116 : memref<96xi32, #tpu.memory_space<hbm>>) target(%dma_start3A_115 : memref<96xi32, #tpu.memory_space<vmem>>) target_semaphore(%arg17 : memref<!tpu.dma_semaphore, #tpu.memory_space<semaphore_mem>>)
    %add3A_117 = arith.constant 192 : i32
    %add3A_118 = arith.addi %add3A_6, %add3A_117 : i32
    %dma_start3A_119 = arith.constant 192 : i32
    %dma_start3A_120 = tpu.memref_slice %arg5[%dma_start3A_119] : memref<768xi32, #tpu.memory_space<vmem>> -> memref<96xi32, #tpu.memory_space<vmem>>
    %dma_start3A_121 = tpu.memref_slice %arg3[%add3A_118] : memref<640000xi32, #tpu.memory_space<hbm>> -> memref<96xi32, #tpu.memory_space<hbm>>
    %dma_start3A_122 = arith.constant 192 : i32
    %dma_start3A_123 = tpu.memref_slice %arg5[%dma_start3A_122] : memref<768xi32, #tpu.memory_space<vmem>> -> memref<96xi32, #tpu.memory_space<vmem>>
    %dma_start3A_124 = tpu.memref_slice %arg3[%add3A_118] : memref<640000xi32, #tpu.memory_space<hbm>> -> memref<96xi32, #tpu.memory_space<hbm>>
    tpu.enqueue_dma source(%dma_start3A_124 : memref<96xi32, #tpu.memory_space<hbm>>) target(%dma_start3A_123 : memref<96xi32, #tpu.memory_space<vmem>>) target_semaphore(%arg18 : memref<!tpu.dma_semaphore, #tpu.memory_space<semaphore_mem>>)
    %add3A_125 = arith.constant 192 : i32
    %add3A_126 = arith.addi %mul3A_2, %add3A_125 : i32
    %dma_start3A_127 = arith.constant 192 : i32
    %dma_start3A_128 = tpu.memref_slice %arg6[%dma_start3A_127] : memref<768xi32, #tpu.memory_space<vmem>> -> memref<96xi32, #tpu.memory_space<vmem>>
    %dma_start3A_129 = tpu.memref_slice %arg3[%add3A_126] : memref<640000xi32, #tpu.memory_space<hbm>> -> memref<96xi32, #tpu.memory_space<hbm>>
    %dma_start3A_130 = arith.constant 192 : i32
    %dma_start3A_131 = tpu.memref_slice %arg6[%dma_start3A_130] : memref<768xi32, #tpu.memory_space<vmem>> -> memref<96xi32, #tpu.memory_space<vmem>>
    %dma_start3A_132 = tpu.memref_slice %arg3[%add3A_126] : memref<640000xi32, #tpu.memory_space<hbm>> -> memref<96xi32, #tpu.memory_space<hbm>>
    tpu.enqueue_dma source(%dma_start3A_132 : memref<96xi32, #tpu.memory_space<hbm>>) target(%dma_start3A_131 : memref<96xi32, #tpu.memory_space<vmem>>) target_semaphore(%arg18 : memref<!tpu.dma_semaphore, #tpu.memory_space<semaphore_mem>>)
    %add3A_133 = arith.constant 288 : i32
    %add3A_134 = arith.addi %add3A_6, %add3A_133 : i32
    %dma_start3A_135 = arith.constant 288 : i32
    %dma_start3A_136 = tpu.memref_slice %arg5[%dma_start3A_135] : memref<768xi32, #tpu.memory_space<vmem>> -> memref<96xi32, #tpu.memory_space<vmem>>
    %dma_start3A_137 = tpu.memref_slice %arg3[%add3A_134] : memref<640000xi32, #tpu.memory_space<hbm>> -> memref<96xi32, #tpu.memory_space<hbm>>
    %dma_start3A_138 = arith.constant 288 : i32
    %dma_start3A_139 = tpu.memref_slice %arg5[%dma_start3A_138] : memref<768xi32, #tpu.memory_space<vmem>> -> memref<96xi32, #tpu.memory_space<vmem>>
    %dma_start3A_140 = tpu.memref_slice %arg3[%add3A_134] : memref<640000xi32, #tpu.memory_space<hbm>> -> memref<96xi32, #tpu.memory_space<hbm>>
    tpu.enqueue_dma source(%dma_start3A_140 : memref<96xi32, #tpu.memory_space<hbm>>) target(%dma_start3A_139 : memref<96xi32, #tpu.memory_space<vmem>>) target_semaphore(%arg19 : memref<!tpu.dma_semaphore, #tpu.memory_space<semaphore_mem>>)
    %add3A_141 = arith.constant 288 : i32
    %add3A_142 = arith.addi %mul3A_2, %add3A_141 : i32
    %dma_start3A_143 = arith.constant 288 : i32
    %dma_start3A_144 = tpu.memref_slice %arg6[%dma_start3A_143] : memref<768xi32, #tpu.memory_space<vmem>> -> memref<96xi32, #tpu.memory_space<vmem>>
    %dma_start3A_145 = tpu.memref_slice %arg3[%add3A_142] : memref<640000xi32, #tpu.memory_space<hbm>> -> memref<96xi32, #tpu.memory_space<hbm>>
    %dma_start3A_146 = arith.constant 288 : i32
    %dma_start3A_147 = tpu.memref_slice %arg6[%dma_start3A_146] : memref<768xi32, #tpu.memory_space<vmem>> -> memref<96xi32, #tpu.memory_space<vmem>>
    %dma_start3A_148 = tpu.memref_slice %arg3[%add3A_142] : memref<640000xi32, #tpu.memory_space<hbm>> -> memref<96xi32, #tpu.memory_space<hbm>>
    tpu.enqueue_dma source(%dma_start3A_148 : memref<96xi32, #tpu.memory_space<hbm>>) target(%dma_start3A_147 : memref<96xi32, #tpu.memory_space<vmem>>) target_semaphore(%arg19 : memref<!tpu.dma_semaphore, #tpu.memory_space<semaphore_mem>>)
    %add3A_149 = arith.constant 384 : i32
    %add3A_150 = arith.addi %add3A_6, %add3A_149 : i32
    %dma_start3A_151 = arith.constant 384 : i32
    %dma_start3A_152 = tpu.memref_slice %arg5[%dma_start3A_151] : memref<768xi32, #tpu.memory_space<vmem>> -> memref<96xi32, #tpu.memory_space<vmem>>
    %dma_start3A_153 = tpu.memref_slice %arg3[%add3A_150] : memref<640000xi32, #tpu.memory_space<hbm>> -> memref<96xi32, #tpu.memory_space<hbm>>
    %dma_start3A_154 = arith.constant 384 : i32
    %dma_start3A_155 = tpu.memref_slice %arg5[%dma_start3A_154] : memref<768xi32, #tpu.memory_space<vmem>> -> memref<96xi32, #tpu.memory_space<vmem>>
    %dma_start3A_156 = tpu.memref_slice %arg3[%add3A_150] : memref<640000xi32, #tpu.memory_space<hbm>> -> memref<96xi32, #tpu.memory_space<hbm>>
    tpu.enqueue_dma source(%dma_start3A_156 : memref<96xi32, #tpu.memory_space<hbm>>) target(%dma_start3A_155 : memref<96xi32, #tpu.memory_space<vmem>>) target_semaphore(%arg20 : memref<!tpu.dma_semaphore, #tpu.memory_space<semaphore_mem>>)
    %add3A_157 = arith.constant 384 : i32
    %add3A_158 = arith.addi %mul3A_2, %add3A_157 : i32
    %dma_start3A_159 = arith.constant 384 : i32
    %dma_start3A_160 = tpu.memref_slice %arg6[%dma_start3A_159] : memref<768xi32, #tpu.memory_space<vmem>> -> memref<96xi32, #tpu.memory_space<vmem>>
    %dma_start3A_161 = tpu.memref_slice %arg3[%add3A_158] : memref<640000xi32, #tpu.memory_space<hbm>> -> memref<96xi32, #tpu.memory_space<hbm>>
    %dma_start3A_162 = arith.constant 384 : i32
    %dma_start3A_163 = tpu.memref_slice %arg6[%dma_start3A_162] : memref<768xi32, #tpu.memory_space<vmem>> -> memref<96xi32, #tpu.memory_space<vmem>>
    %dma_start3A_164 = tpu.memref_slice %arg3[%add3A_158] : memref<640000xi32, #tpu.memory_space<hbm>> -> memref<96xi32, #tpu.memory_space<hbm>>
    tpu.enqueue_dma source(%dma_start3A_164 : memref<96xi32, #tpu.memory_space<hbm>>) target(%dma_start3A_163 : memref<96xi32, #tpu.memory_space<vmem>>) target_semaphore(%arg20 : memref<!tpu.dma_semaphore, #tpu.memory_space<semaphore_mem>>)
    %add3A_165 = arith.constant 480 : i32
    %add3A_166 = arith.addi %add3A_6, %add3A_165 : i32
    %dma_start3A_167 = arith.constant 480 : i32
    %dma_start3A_168 = tpu.memref_slice %arg5[%dma_start3A_167] : memref<768xi32, #tpu.memory_space<vmem>> -> memref<96xi32, #tpu.memory_space<vmem>>
    %dma_start3A_169 = tpu.memref_slice %arg3[%add3A_166] : memref<640000xi32, #tpu.memory_space<hbm>> -> memref<96xi32, #tpu.memory_space<hbm>>
    %dma_start3A_170 = arith.constant 480 : i32
    %dma_start3A_171 = tpu.memref_slice %arg5[%dma_start3A_170] : memref<768xi32, #tpu.memory_space<vmem>> -> memref<96xi32, #tpu.memory_space<vmem>>
    %dma_start3A_172 = tpu.memref_slice %arg3[%add3A_166] : memref<640000xi32, #tpu.memory_space<hbm>> -> memref<96xi32, #tpu.memory_space<hbm>>
    tpu.enqueue_dma source(%dma_start3A_172 : memref<96xi32, #tpu.memory_space<hbm>>) target(%dma_start3A_171 : memref<96xi32, #tpu.memory_space<vmem>>) target_semaphore(%arg21 : memref<!tpu.dma_semaphore, #tpu.memory_space<semaphore_mem>>)
    %add3A_173 = arith.constant 480 : i32
    %add3A_174 = arith.addi %mul3A_2, %add3A_173 : i32
    %dma_start3A_175 = arith.constant 480 : i32
    %dma_start3A_176 = tpu.memref_slice %arg6[%dma_start3A_175] : memref<768xi32, #tpu.memory_space<vmem>> -> memref<96xi32, #tpu.memory_space<vmem>>
    %dma_start3A_177 = tpu.memref_slice %arg3[%add3A_174] : memref<640000xi32, #tpu.memory_space<hbm>> -> memref<96xi32, #tpu.memory_space<hbm>>
    %dma_start3A_178 = arith.constant 480 : i32
    %dma_start3A_179 = tpu.memref_slice %arg6[%dma_start3A_178] : memref<768xi32, #tpu.memory_space<vmem>> -> memref<96xi32, #tpu.memory_space<vmem>>
    %dma_start3A_180 = tpu.memref_slice %arg3[%add3A_174] : memref<640000xi32, #tpu.memory_space<hbm>> -> memref<96xi32, #tpu.memory_space<hbm>>
    tpu.enqueue_dma source(%dma_start3A_180 : memref<96xi32, #tpu.memory_space<hbm>>) target(%dma_start3A_179 : memref<96xi32, #tpu.memory_space<vmem>>) target_semaphore(%arg21 : memref<!tpu.dma_semaphore, #tpu.memory_space<semaphore_mem>>)
    %add3A_181 = arith.constant 576 : i32
    %add3A_182 = arith.addi %add3A_6, %add3A_181 : i32
    %dma_start3A_183 = arith.constant 576 : i32
    %dma_start3A_184 = tpu.memref_slice %arg5[%dma_start3A_183] : memref<768xi32, #tpu.memory_space<vmem>> -> memref<96xi32, #tpu.memory_space<vmem>>
    %dma_start3A_185 = tpu.memref_slice %arg3[%add3A_182] : memref<640000xi32, #tpu.memory_space<hbm>> -> memref<96xi32, #tpu.memory_space<hbm>>
    %dma_start3A_186 = arith.constant 576 : i32
    %dma_start3A_187 = tpu.memref_slice %arg5[%dma_start3A_186] : memref<768xi32, #tpu.memory_space<vmem>> -> memref<96xi32, #tpu.memory_space<vmem>>
    %dma_start3A_188 = tpu.memref_slice %arg3[%add3A_182] : memref<640000xi32, #tpu.memory_space<hbm>> -> memref<96xi32, #tpu.memory_space<hbm>>
    tpu.enqueue_dma source(%dma_start3A_188 : memref<96xi32, #tpu.memory_space<hbm>>) target(%dma_start3A_187 : memref<96xi32, #tpu.memory_space<vmem>>) target_semaphore(%arg22 : memref<!tpu.dma_semaphore, #tpu.memory_space<semaphore_mem>>)
    %add3A_189 = arith.constant 576 : i32
    %add3A_190 = arith.addi %mul3A_2, %add3A_189 : i32
    %dma_start3A_191 = arith.constant 576 : i32
    %dma_start3A_192 = tpu.memref_slice %arg6[%dma_start3A_191] : memref<768xi32, #tpu.memory_space<vmem>> -> memref<96xi32, #tpu.memory_space<vmem>>
    %dma_start3A_193 = tpu.memref_slice %arg3[%add3A_190] : memref<640000xi32, #tpu.memory_space<hbm>> -> memref<96xi32, #tpu.memory_space<hbm>>
    %dma_start3A_194 = arith.constant 576 : i32
    %dma_start3A_195 = tpu.memref_slice %arg6[%dma_start3A_194] : memref<768xi32, #tpu.memory_space<vmem>> -> memref<96xi32, #tpu.memory_space<vmem>>
    %dma_start3A_196 = tpu.memref_slice %arg3[%add3A_190] : memref<640000xi32, #tpu.memory_space<hbm>> -> memref<96xi32, #tpu.memory_space<hbm>>
    tpu.enqueue_dma source(%dma_start3A_196 : memref<96xi32, #tpu.memory_space<hbm>>) target(%dma_start3A_195 : memref<96xi32, #tpu.memory_space<vmem>>) target_semaphore(%arg22 : memref<!tpu.dma_semaphore, #tpu.memory_space<semaphore_mem>>)
    %add3A_197 = arith.constant 672 : i32
    %add3A_198 = arith.addi %add3A_6, %add3A_197 : i32
    %dma_start3A_199 = arith.constant 672 : i32
    %dma_start3A_200 = tpu.memref_slice %arg5[%dma_start3A_199] : memref<768xi32, #tpu.memory_space<vmem>> -> memref<96xi32, #tpu.memory_space<vmem>>
    %dma_start3A_201 = tpu.memref_slice %arg3[%add3A_198] : memref<640000xi32, #tpu.memory_space<hbm>> -> memref<96xi32, #tpu.memory_space<hbm>>
    %dma_start3A_202 = arith.constant 672 : i32
    %dma_start3A_203 = tpu.memref_slice %arg5[%dma_start3A_202] : memref<768xi32, #tpu.memory_space<vmem>> -> memref<96xi32, #tpu.memory_space<vmem>>
    %dma_start3A_204 = tpu.memref_slice %arg3[%add3A_198] : memref<640000xi32, #tpu.memory_space<hbm>> -> memref<96xi32, #tpu.memory_space<hbm>>
    tpu.enqueue_dma source(%dma_start3A_204 : memref<96xi32, #tpu.memory_space<hbm>>) target(%dma_start3A_203 : memref<96xi32, #tpu.memory_space<vmem>>) target_semaphore(%arg23 : memref<!tpu.dma_semaphore, #tpu.memory_space<semaphore_mem>>)
    %add3A_205 = arith.constant 672 : i32
    %add3A_206 = arith.addi %mul3A_2, %add3A_205 : i32
    %dma_start3A_207 = arith.constant 672 : i32
    %dma_start3A_208 = tpu.memref_slice %arg6[%dma_start3A_207] : memref<768xi32, #tpu.memory_space<vmem>> -> memref<96xi32, #tpu.memory_space<vmem>>
    %dma_start3A_209 = tpu.memref_slice %arg3[%add3A_206] : memref<640000xi32, #tpu.memory_space<hbm>> -> memref<96xi32, #tpu.memory_space<hbm>>
    %dma_start3A_210 = arith.constant 672 : i32
    %dma_start3A_211 = tpu.memref_slice %arg6[%dma_start3A_210] : memref<768xi32, #tpu.memory_space<vmem>> -> memref<96xi32, #tpu.memory_space<vmem>>
    %dma_start3A_212 = tpu.memref_slice %arg3[%add3A_206] : memref<640000xi32, #tpu.memory_space<hbm>> -> memref<96xi32, #tpu.memory_space<hbm>>
    tpu.enqueue_dma source(%dma_start3A_212 : memref<96xi32, #tpu.memory_space<hbm>>) target(%dma_start3A_211 : memref<96xi32, #tpu.memory_space<vmem>>) target_semaphore(%arg23 : memref<!tpu.dma_semaphore, #tpu.memory_space<semaphore_mem>>)
    %add3A_213 = arith.constant 0 : i32
    %add3A_214 = arith.addi %add3A_6, %add3A_213 : i32
    %dma_wait3A_215 = arith.constant 0 : i32
    %dma_wait3A_216 = tpu.memref_slice %arg5[%dma_wait3A_215] : memref<768xi32, #tpu.memory_space<vmem>> -> memref<96xi32, #tpu.memory_space<vmem>>
    %dma_wait3A_217 = tpu.memref_slice %arg3[%add3A_214] : memref<640000xi32, #tpu.memory_space<hbm>> -> memref<96xi32, #tpu.memory_space<hbm>>
    %dma_wait3A_218 = arith.constant 0 : i32
    %dma_wait3A_219 = tpu.memref_slice %arg5[%dma_wait3A_218] : memref<768xi32, #tpu.memory_space<vmem>> -> memref<96xi32, #tpu.memory_space<vmem>>
    %dma_wait3A_220 = tpu.memref_slice %arg3[%add3A_214] : memref<640000xi32, #tpu.memory_space<hbm>> -> memref<96xi32, #tpu.memory_space<hbm>>
    tpu.wait_dma2 semaphore(%arg16 : memref<!tpu.dma_semaphore, #tpu.memory_space<semaphore_mem>>) src(%dma_wait3A_220 : memref<96xi32, #tpu.memory_space<hbm>>) dst(%dma_wait3A_219 : memref<96xi32, #tpu.memory_space<vmem>>)
    %add3A_221 = arith.constant 0 : i32
    %add3A_222 = arith.addi %mul3A_2, %add3A_221 : i32
    %dma_wait3A_223 = arith.constant 0 : i32
    %dma_wait3A_224 = tpu.memref_slice %arg6[%dma_wait3A_223] : memref<768xi32, #tpu.memory_space<vmem>> -> memref<96xi32, #tpu.memory_space<vmem>>
    %dma_wait3A_225 = tpu.memref_slice %arg3[%add3A_222] : memref<640000xi32, #tpu.memory_space<hbm>> -> memref<96xi32, #tpu.memory_space<hbm>>
    %dma_wait3A_226 = arith.constant 0 : i32
    %dma_wait3A_227 = tpu.memref_slice %arg6[%dma_wait3A_226] : memref<768xi32, #tpu.memory_space<vmem>> -> memref<96xi32, #tpu.memory_space<vmem>>
    %dma_wait3A_228 = tpu.memref_slice %arg3[%add3A_222] : memref<640000xi32, #tpu.memory_space<hbm>> -> memref<96xi32, #tpu.memory_space<hbm>>
    tpu.wait_dma2 semaphore(%arg16 : memref<!tpu.dma_semaphore, #tpu.memory_space<semaphore_mem>>) src(%dma_wait3A_228 : memref<96xi32, #tpu.memory_space<hbm>>) dst(%dma_wait3A_227 : memref<96xi32, #tpu.memory_space<vmem>>)
    %dma_start3A_229 = arith.constant 0 : i32
    %dma_start3A_230 = tpu.memref_slice %arg5[%dma_start3A_229] : memref<768xi32, #tpu.memory_space<vmem>> -> memref<96xi32, #tpu.memory_space<vmem>>
    %dma_start3A_231 = arith.constant 0 : i32
    %dma_start3A_232 = arith.constant 0 : i32
    %dma_start3A_233 = tpu.memref_slice %arg2[%dma_start3A_231, %dma_start3A_232] : memref<10000x128xf32, #tpu.memory_space<hbm>> -> memref<10000x128xf32, #tpu.memory_space<hbm>>
    tpu.enqueue_indirect_dma source(%dma_start3A_233 : memref<10000x128xf32, #tpu.memory_space<hbm>>) target(%arg7 : memref<96x128xf32, #tpu.memory_space<vmem>>) offsets(%dma_start3A_230 : memref<96xi32, #tpu.memory_space<vmem>>) semaphore(%arg12 : memref<!tpu.dma_semaphore, #tpu.memory_space<semaphore_mem>>)
    %add3A_234 = arith.constant 96 : i32
    %add3A_235 = arith.addi %add3A_6, %add3A_234 : i32
    %dma_wait3A_236 = arith.constant 96 : i32
    %dma_wait3A_237 = tpu.memref_slice %arg5[%dma_wait3A_236] : memref<768xi32, #tpu.memory_space<vmem>> -> memref<96xi32, #tpu.memory_space<vmem>>
    %dma_wait3A_238 = tpu.memref_slice %arg3[%add3A_235] : memref<640000xi32, #tpu.memory_space<hbm>> -> memref<96xi32, #tpu.memory_space<hbm>>
    %dma_wait3A_239 = arith.constant 96 : i32
    %dma_wait3A_240 = tpu.memref_slice %arg5[%dma_wait3A_239] : memref<768xi32, #tpu.memory_space<vmem>> -> memref<96xi32, #tpu.memory_space<vmem>>
    %dma_wait3A_241 = tpu.memref_slice %arg3[%add3A_235] : memref<640000xi32, #tpu.memory_space<hbm>> -> memref<96xi32, #tpu.memory_space<hbm>>
    tpu.wait_dma2 semaphore(%arg17 : memref<!tpu.dma_semaphore, #tpu.memory_space<semaphore_mem>>) src(%dma_wait3A_241 : memref<96xi32, #tpu.memory_space<hbm>>) dst(%dma_wait3A_240 : memref<96xi32, #tpu.memory_space<vmem>>)
    %add3A_242 = arith.constant 96 : i32
    %add3A_243 = arith.addi %mul3A_2, %add3A_242 : i32
    %dma_wait3A_244 = arith.constant 96 : i32
    %dma_wait3A_245 = tpu.memref_slice %arg6[%dma_wait3A_244] : memref<768xi32, #tpu.memory_space<vmem>> -> memref<96xi32, #tpu.memory_space<vmem>>
    %dma_wait3A_246 = tpu.memref_slice %arg3[%add3A_243] : memref<640000xi32, #tpu.memory_space<hbm>> -> memref<96xi32, #tpu.memory_space<hbm>>
    %dma_wait3A_247 = arith.constant 96 : i32
    %dma_wait3A_248 = tpu.memref_slice %arg6[%dma_wait3A_247] : memref<768xi32, #tpu.memory_space<vmem>> -> memref<96xi32, #tpu.memory_space<vmem>>
    %dma_wait3A_249 = tpu.memref_slice %arg3[%add3A_243] : memref<640000xi32, #tpu.memory_space<hbm>> -> memref<96xi32, #tpu.memory_space<hbm>>
    tpu.wait_dma2 semaphore(%arg17 : memref<!tpu.dma_semaphore, #tpu.memory_space<semaphore_mem>>) src(%dma_wait3A_249 : memref<96xi32, #tpu.memory_space<hbm>>) dst(%dma_wait3A_248 : memref<96xi32, #tpu.memory_space<vmem>>)
    %dma_start3A_250 = arith.constant 96 : i32
    %dma_start3A_251 = tpu.memref_slice %arg5[%dma_start3A_250] : memref<768xi32, #tpu.memory_space<vmem>> -> memref<96xi32, #tpu.memory_space<vmem>>
    %dma_start3A_252 = arith.constant 0 : i32
    %dma_start3A_253 = arith.constant 0 : i32
    %dma_start3A_254 = tpu.memref_slice %arg2[%dma_start3A_252, %dma_start3A_253] : memref<10000x128xf32, #tpu.memory_space<hbm>> -> memref<10000x128xf32, #tpu.memory_space<hbm>>
    tpu.enqueue_indirect_dma source(%dma_start3A_254 : memref<10000x128xf32, #tpu.memory_space<hbm>>) target(%arg8 : memref<96x128xf32, #tpu.memory_space<vmem>>) offsets(%dma_start3A_251 : memref<96xi32, #tpu.memory_space<vmem>>) semaphore(%arg13 : memref<!tpu.dma_semaphore, #tpu.memory_space<semaphore_mem>>)
    %add3A_255 = arith.constant 192 : i32
    %add3A_256 = arith.addi %add3A_6, %add3A_255 : i32
    %dma_wait3A_257 = arith.constant 192 : i32
    %dma_wait3A_258 = tpu.memref_slice %arg5[%dma_wait3A_257] : memref<768xi32, #tpu.memory_space<vmem>> -> memref<96xi32, #tpu.memory_space<vmem>>
    %dma_wait3A_259 = tpu.memref_slice %arg3[%add3A_256] : memref<640000xi32, #tpu.memory_space<hbm>> -> memref<96xi32, #tpu.memory_space<hbm>>
    %dma_wait3A_260 = arith.constant 192 : i32
    %dma_wait3A_261 = tpu.memref_slice %arg5[%dma_wait3A_260] : memref<768xi32, #tpu.memory_space<vmem>> -> memref<96xi32, #tpu.memory_space<vmem>>
    %dma_wait3A_262 = tpu.memref_slice %arg3[%add3A_256] : memref<640000xi32, #tpu.memory_space<hbm>> -> memref<96xi32, #tpu.memory_space<hbm>>
    tpu.wait_dma2 semaphore(%arg18 : memref<!tpu.dma_semaphore, #tpu.memory_space<semaphore_mem>>) src(%dma_wait3A_262 : memref<96xi32, #tpu.memory_space<hbm>>) dst(%dma_wait3A_261 : memref<96xi32, #tpu.memory_space<vmem>>)
    %add3A_263 = arith.constant 192 : i32
    %add3A_264 = arith.addi %mul3A_2, %add3A_263 : i32
    %dma_wait3A_265 = arith.constant 192 : i32
    %dma_wait3A_266 = tpu.memref_slice %arg6[%dma_wait3A_265] : memref<768xi32, #tpu.memory_space<vmem>> -> memref<96xi32, #tpu.memory_space<vmem>>
    %dma_wait3A_267 = tpu.memref_slice %arg3[%add3A_264] : memref<640000xi32, #tpu.memory_space<hbm>> -> memref<96xi32, #tpu.memory_space<hbm>>
    %dma_wait3A_268 = arith.constant 192 : i32
    %dma_wait3A_269 = tpu.memref_slice %arg6[%dma_wait3A_268] : memref<768xi32, #tpu.memory_space<vmem>> -> memref<96xi32, #tpu.memory_space<vmem>>
    %dma_wait3A_270 = tpu.memref_slice %arg3[%add3A_264] : memref<640000xi32, #tpu.memory_space<hbm>> -> memref<96xi32, #tpu.memory_space<hbm>>
    tpu.wait_dma2 semaphore(%arg18 : memref<!tpu.dma_semaphore, #tpu.memory_space<semaphore_mem>>) src(%dma_wait3A_270 : memref<96xi32, #tpu.memory_space<hbm>>) dst(%dma_wait3A_269 : memref<96xi32, #tpu.memory_space<vmem>>)
    %dma_start3A_271 = arith.constant 192 : i32
    %dma_start3A_272 = tpu.memref_slice %arg5[%dma_start3A_271] : memref<768xi32, #tpu.memory_space<vmem>> -> memref<96xi32, #tpu.memory_space<vmem>>
    %dma_start3A_273 = arith.constant 0 : i32
    %dma_start3A_274 = arith.constant 0 : i32
    %dma_start3A_275 = tpu.memref_slice %arg2[%dma_start3A_273, %dma_start3A_274] : memref<10000x128xf32, #tpu.memory_space<hbm>> -> memref<10000x128xf32, #tpu.memory_space<hbm>>
    tpu.enqueue_indirect_dma source(%dma_start3A_275 : memref<10000x128xf32, #tpu.memory_space<hbm>>) target(%arg9 : memref<96x128xf32, #tpu.memory_space<vmem>>) offsets(%dma_start3A_272 : memref<96xi32, #tpu.memory_space<vmem>>) semaphore(%arg14 : memref<!tpu.dma_semaphore, #tpu.memory_space<semaphore_mem>>)
    %add3A_276 = arith.constant 288 : i32
    %add3A_277 = arith.addi %add3A_6, %add3A_276 : i32
    %dma_wait3A_278 = arith.constant 288 : i32
    %dma_wait3A_279 = tpu.memref_slice %arg5[%dma_wait3A_278] : memref<768xi32, #tpu.memory_space<vmem>> -> memref<96xi32, #tpu.memory_space<vmem>>
    %dma_wait3A_280 = tpu.memref_slice %arg3[%add3A_277] : memref<640000xi32, #tpu.memory_space<hbm>> -> memref<96xi32, #tpu.memory_space<hbm>>
    %dma_wait3A_281 = arith.constant 288 : i32
    %dma_wait3A_282 = tpu.memref_slice %arg5[%dma_wait3A_281] : memref<768xi32, #tpu.memory_space<vmem>> -> memref<96xi32, #tpu.memory_space<vmem>>
    %dma_wait3A_283 = tpu.memref_slice %arg3[%add3A_277] : memref<640000xi32, #tpu.memory_space<hbm>> -> memref<96xi32, #tpu.memory_space<hbm>>
    tpu.wait_dma2 semaphore(%arg19 : memref<!tpu.dma_semaphore, #tpu.memory_space<semaphore_mem>>) src(%dma_wait3A_283 : memref<96xi32, #tpu.memory_space<hbm>>) dst(%dma_wait3A_282 : memref<96xi32, #tpu.memory_space<vmem>>)
    %add3A_284 = arith.constant 288 : i32
    %add3A_285 = arith.addi %mul3A_2, %add3A_284 : i32
    %dma_wait3A_286 = arith.constant 288 : i32
    %dma_wait3A_287 = tpu.memref_slice %arg6[%dma_wait3A_286] : memref<768xi32, #tpu.memory_space<vmem>> -> memref<96xi32, #tpu.memory_space<vmem>>
    %dma_wait3A_288 = tpu.memref_slice %arg3[%add3A_285] : memref<640000xi32, #tpu.memory_space<hbm>> -> memref<96xi32, #tpu.memory_space<hbm>>
    %dma_wait3A_289 = arith.constant 288 : i32
    %dma_wait3A_290 = tpu.memref_slice %arg6[%dma_wait3A_289] : memref<768xi32, #tpu.memory_space<vmem>> -> memref<96xi32, #tpu.memory_space<vmem>>
    %dma_wait3A_291 = tpu.memref_slice %arg3[%add3A_285] : memref<640000xi32, #tpu.memory_space<hbm>> -> memref<96xi32, #tpu.memory_space<hbm>>
    tpu.wait_dma2 semaphore(%arg19 : memref<!tpu.dma_semaphore, #tpu.memory_space<semaphore_mem>>) src(%dma_wait3A_291 : memref<96xi32, #tpu.memory_space<hbm>>) dst(%dma_wait3A_290 : memref<96xi32, #tpu.memory_space<vmem>>)
    %dma_start3A_292 = arith.constant 288 : i32
    %dma_start3A_293 = tpu.memref_slice %arg5[%dma_start3A_292] : memref<768xi32, #tpu.memory_space<vmem>> -> memref<96xi32, #tpu.memory_space<vmem>>
    %dma_start3A_294 = arith.constant 0 : i32
    %dma_start3A_295 = arith.constant 0 : i32
    %dma_start3A_296 = tpu.memref_slice %arg2[%dma_start3A_294, %dma_start3A_295] : memref<10000x128xf32, #tpu.memory_space<hbm>> -> memref<10000x128xf32, #tpu.memory_space<hbm>>
    tpu.enqueue_indirect_dma source(%dma_start3A_296 : memref<10000x128xf32, #tpu.memory_space<hbm>>) target(%arg10 : memref<96x128xf32, #tpu.memory_space<vmem>>) offsets(%dma_start3A_293 : memref<96xi32, #tpu.memory_space<vmem>>) semaphore(%arg15 : memref<!tpu.dma_semaphore, #tpu.memory_space<semaphore_mem>>)
    %scan3A_297 = arith.constant 0 : i32
    %scan3A_298 = arith.constant 0 : i32
    %scan3A_299 = arith.constant 12 : i32
    %scan3A_300 = arith.addi %scan3A_298, %scan3A_299 : i32
    %scan3A_301 = arith.constant 1 : i32
    scf.for %scan3A_437 = %scan3A_298 to %scan3A_300 step %scan3A_301  : i32 {
      %mul3A_438 = arith.constant 8 : i32
      %mul3A_439 = arith.muli %mul3A_438, %scan3A_437 : i32
      %add3A_440 = arith.constant 0 : i32
      %add3A_441 = arith.addi %mul3A_439, %add3A_440 : i32
      %dma_wait3A_442 = arith.constant 0 : i32
      %dma_wait3A_443 = tpu.memref_slice %arg5[%dma_wait3A_442] : memref<768xi32, #tpu.memory_space<vmem>> -> memref<96xi32, #tpu.memory_space<vmem>>
      %dma_wait3A_444 = arith.constant 0 : i32
      %dma_wait3A_445 = arith.constant 0 : i32
      %dma_wait3A_446 = tpu.memref_slice %arg2[%dma_wait3A_444, %dma_wait3A_445] : memref<10000x128xf32, #tpu.memory_space<hbm>> -> memref<10000x128xf32, #tpu.memory_space<hbm>>
      tpu.wait_indirect_dma semaphore(%arg12 : memref<!tpu.dma_semaphore, #tpu.memory_space<semaphore_mem>>) src(%dma_wait3A_446 : memref<10000x128xf32, #tpu.memory_space<hbm>>) dst(%arg7 : memref<96x128xf32, #tpu.memory_space<vmem>>)
      "tpu.region"() ({
        %run_scoped3A = tpu.sem_alloc : memref<!tpu.dma_semaphore, #tpu.memory_space<semaphore_mem>>
        %dma_start3A_856 = arith.constant 0 : i32
        %dma_start3A_857 = tpu.memref_slice %arg6[%dma_start3A_856] : memref<768xi32, #tpu.memory_space<vmem>> -> memref<96xi32, #tpu.memory_space<vmem>>
        %dma_start3A_858 = arith.constant 0 : i32
        %dma_start3A_859 = arith.constant 0 : i32
        %dma_start3A_860 = tpu.memref_slice %arg11[%dma_start3A_858, %dma_start3A_859] : memref<10000x128xf32, #tpu.memory_space<vmem_shared>> -> memref<10000x128xf32, #tpu.memory_space<vmem_shared>>
        tpu.enqueue_indirect_dma source(%arg7 : memref<96x128xf32, #tpu.memory_space<vmem>>) target(%dma_start3A_860 : memref<10000x128xf32, #tpu.memory_space<vmem_shared>>) offsets(%dma_start3A_857 : memref<96xi32, #tpu.memory_space<vmem>>) semaphore(%run_scoped3A : memref<!tpu.dma_semaphore, #tpu.memory_space<semaphore_mem>>) {add = true}
        %dma_wait3A_861 = arith.constant 0 : i32
        %dma_wait3A_862 = tpu.memref_slice %arg6[%dma_wait3A_861] : memref<768xi32, #tpu.memory_space<vmem>> -> memref<96xi32, #tpu.memory_space<vmem>>
        %dma_wait3A_863 = arith.constant 0 : i32
        %dma_wait3A_864 = arith.constant 0 : i32
        %dma_wait3A_865 = tpu.memref_slice %arg11[%dma_wait3A_863, %dma_wait3A_864] : memref<10000x128xf32, #tpu.memory_space<vmem_shared>> -> memref<10000x128xf32, #tpu.memory_space<vmem_shared>>
        tpu.wait_indirect_dma semaphore(%run_scoped3A : memref<!tpu.dma_semaphore, #tpu.memory_space<semaphore_mem>>) src(%arg7 : memref<96x128xf32, #tpu.memory_space<vmem>>) dst(%dma_wait3A_865 : memref<10000x128xf32, #tpu.memory_space<vmem_shared>>)
        tpu.yield
      }) : () -> ()
      %add3A_447 = arith.constant 4 : i32
      %add3A_448 = arith.addi %add3A_441, %add3A_447 : i32
      %mul3A_449 = arith.constant 96 : i32
      %mul3A_450 = arith.muli %add3A_448, %mul3A_449 : i32
      %add3A_451 = arith.addi %add3A_6, %mul3A_450 : i32
      %dma_wait3A_452 = arith.constant 384 : i32
      %dma_wait3A_453 = tpu.memref_slice %arg5[%dma_wait3A_452] : memref<768xi32, #tpu.memory_space<vmem>> -> memref<96xi32, #tpu.memory_space<vmem>>
      %dma_wait3A_454 = tpu.memref_slice %arg3[%add3A_451] : memref<640000xi32, #tpu.memory_space<hbm>> -> memref<96xi32, #tpu.memory_space<hbm>>
      %dma_wait3A_455 = arith.constant 384 : i32
      %dma_wait3A_456 = tpu.memref_slice %arg5[%dma_wait3A_455] : memref<768xi32, #tpu.memory_space<vmem>> -> memref<96xi32, #tpu.memory_space<vmem>>
      %dma_wait3A_457 = tpu.memref_slice %arg3[%add3A_451] : memref<640000xi32, #tpu.memory_space<hbm>> -> memref<96xi32, #tpu.memory_space<hbm>>
      tpu.wait_dma2 semaphore(%arg20 : memref<!tpu.dma_semaphore, #tpu.memory_space<semaphore_mem>>) src(%dma_wait3A_457 : memref<96xi32, #tpu.memory_space<hbm>>) dst(%dma_wait3A_456 : memref<96xi32, #tpu.memory_space<vmem>>)
      %mul3A_458 = arith.constant 96 : i32
      %mul3A_459 = arith.muli %add3A_448, %mul3A_458 : i32
      %add3A_460 = arith.addi %mul3A_2, %mul3A_459 : i32
      %dma_wait3A_461 = arith.constant 384 : i32
      %dma_wait3A_462 = tpu.memref_slice %arg6[%dma_wait3A_461] : memref<768xi32, #tpu.memory_space<vmem>> -> memref<96xi32, #tpu.memory_space<vmem>>
      %dma_wait3A_463 = tpu.memref_slice %arg3[%add3A_460] : memref<640000xi32, #tpu.memory_space<hbm>> -> memref<96xi32, #tpu.memory_space<hbm>>
      %dma_wait3A_464 = arith.constant 384 : i32
      %dma_wait3A_465 = tpu.memref_slice %arg6[%dma_wait3A_464] : memref<768xi32, #tpu.memory_space<vmem>> -> memref<96xi32, #tpu.memory_space<vmem>>
      %dma_wait3A_466 = tpu.memref_slice %arg3[%add3A_460] : memref<640000xi32, #tpu.memory_space<hbm>> -> memref<96xi32, #tpu.memory_space<hbm>>
      tpu.wait_dma2 semaphore(%arg20 : memref<!tpu.dma_semaphore, #tpu.memory_space<semaphore_mem>>) src(%dma_wait3A_466 : memref<96xi32, #tpu.memory_space<hbm>>) dst(%dma_wait3A_465 : memref<96xi32, #tpu.memory_space<vmem>>)
      %dma_start3A_467 = arith.constant 384 : i32
      %dma_start3A_468 = tpu.memref_slice %arg5[%dma_start3A_467] : memref<768xi32, #tpu.memory_space<vmem>> -> memref<96xi32, #tpu.memory_space<vmem>>
      %dma_start3A_469 = arith.constant 0 : i32
      %dma_start3A_470 = arith.constant 0 : i32
      %dma_start3A_471 = tpu.memref_slice %arg2[%dma_start3A_469, %dma_start3A_470] : memref<10000x128xf32, #tpu.memory_space<hbm>> -> memref<10000x128xf32, #tpu.memory_space<hbm>>
      tpu.enqueue_indirect_dma source(%dma_start3A_471 : memref<10000x128xf32, #tpu.memory_space<hbm>>) target(%arg7 : memref<96x128xf32, #tpu.memory_space<vmem>>) offsets(%dma_start3A_468 : memref<96xi32, #tpu.memory_space<vmem>>) semaphore(%arg12 : memref<!tpu.dma_semaphore, #tpu.memory_space<semaphore_mem>>)
      %add3A_472 = arith.constant 8 : i32
      %add3A_473 = arith.addi %add3A_441, %add3A_472 : i32
      %mul3A_474 = arith.constant 96 : i32
      %mul3A_475 = arith.muli %add3A_473, %mul3A_474 : i32
      %add3A_476 = arith.addi %add3A_6, %mul3A_475 : i32
      %dma_start3A_477 = arith.constant 0 : i32
      %dma_start3A_478 = tpu.memref_slice %arg5[%dma_start3A_477] : memref<768xi32, #tpu.memory_space<vmem>> -> memref<96xi32, #tpu.memory_space<vmem>>
      %dma_start3A_479 = tpu.memref_slice %arg3[%add3A_476] : memref<640000xi32, #tpu.memory_space<hbm>> -> memref<96xi32, #tpu.memory_space<hbm>>
      %dma_start3A_480 = arith.constant 0 : i32
      %dma_start3A_481 = tpu.memref_slice %arg5[%dma_start3A_480] : memref<768xi32, #tpu.memory_space<vmem>> -> memref<96xi32, #tpu.memory_space<vmem>>
      %dma_start3A_482 = tpu.memref_slice %arg3[%add3A_476] : memref<640000xi32, #tpu.memory_space<hbm>> -> memref<96xi32, #tpu.memory_space<hbm>>
      tpu.enqueue_dma source(%dma_start3A_482 : memref<96xi32, #tpu.memory_space<hbm>>) target(%dma_start3A_481 : memref<96xi32, #tpu.memory_space<vmem>>) target_semaphore(%arg16 : memref<!tpu.dma_semaphore, #tpu.memory_space<semaphore_mem>>)
      %mul3A_483 = arith.constant 96 : i32
      %mul3A_484 = arith.muli %add3A_473, %mul3A_483 : i32
      %add3A_485 = arith.addi %mul3A_2, %mul3A_484 : i32
      %dma_start3A_486 = arith.constant 0 : i32
      %dma_start3A_487 = tpu.memref_slice %arg6[%dma_start3A_486] : memref<768xi32, #tpu.memory_space<vmem>> -> memref<96xi32, #tpu.memory_space<vmem>>
      %dma_start3A_488 = tpu.memref_slice %arg3[%add3A_485] : memref<640000xi32, #tpu.memory_space<hbm>> -> memref<96xi32, #tpu.memory_space<hbm>>
      %dma_start3A_489 = arith.constant 0 : i32
      %dma_start3A_490 = tpu.memref_slice %arg6[%dma_start3A_489] : memref<768xi32, #tpu.memory_space<vmem>> -> memref<96xi32, #tpu.memory_space<vmem>>
      %dma_start3A_491 = tpu.memref_slice %arg3[%add3A_485] : memref<640000xi32, #tpu.memory_space<hbm>> -> memref<96xi32, #tpu.memory_space<hbm>>
      tpu.enqueue_dma source(%dma_start3A_491 : memref<96xi32, #tpu.memory_space<hbm>>) target(%dma_start3A_490 : memref<96xi32, #tpu.memory_space<vmem>>) target_semaphore(%arg16 : memref<!tpu.dma_semaphore, #tpu.memory_space<semaphore_mem>>)
      %add3A_492 = arith.constant 1 : i32
      %add3A_493 = arith.addi %mul3A_439, %add3A_492 : i32
      %dma_wait3A_494 = arith.constant 96 : i32
      %dma_wait3A_495 = tpu.memref_slice %arg5[%dma_wait3A_494] : memref<768xi32, #tpu.memory_space<vmem>> -> memref<96xi32, #tpu.memory_space<vmem>>
      %dma_wait3A_496 = arith.constant 0 : i32
      %dma_wait3A_497 = arith.constant 0 : i32
      %dma_wait3A_498 = tpu.memref_slice %arg2[%dma_wait3A_496, %dma_wait3A_497] : memref<10000x128xf32, #tpu.memory_space<hbm>> -> memref<10000x128xf32, #tpu.memory_space<hbm>>
      tpu.wait_indirect_dma semaphore(%arg13 : memref<!tpu.dma_semaphore, #tpu.memory_space<semaphore_mem>>) src(%dma_wait3A_498 : memref<10000x128xf32, #tpu.memory_space<hbm>>) dst(%arg8 : memref<96x128xf32, #tpu.memory_space<vmem>>)
      "tpu.region"() ({
        %run_scoped3A = tpu.sem_alloc : memref<!tpu.dma_semaphore, #tpu.memory_space<semaphore_mem>>
        %dma_start3A_856 = arith.constant 96 : i32
        %dma_start3A_857 = tpu.memref_slice %arg6[%dma_start3A_856] : memref<768xi32, #tpu.memory_space<vmem>> -> memref<96xi32, #tpu.memory_space<vmem>>
        %dma_start3A_858 = arith.constant 0 : i32
        %dma_start3A_859 = arith.constant 0 : i32
        %dma_start3A_860 = tpu.memref_slice %arg11[%dma_start3A_858, %dma_start3A_859] : memref<10000x128xf32, #tpu.memory_space<vmem_shared>> -> memref<10000x128xf32, #tpu.memory_space<vmem_shared>>
        tpu.enqueue_indirect_dma source(%arg8 : memref<96x128xf32, #tpu.memory_space<vmem>>) target(%dma_start3A_860 : memref<10000x128xf32, #tpu.memory_space<vmem_shared>>) offsets(%dma_start3A_857 : memref<96xi32, #tpu.memory_space<vmem>>) semaphore(%run_scoped3A : memref<!tpu.dma_semaphore, #tpu.memory_space<semaphore_mem>>) {add = true}
        %dma_wait3A_861 = arith.constant 96 : i32
        %dma_wait3A_862 = tpu.memref_slice %arg6[%dma_wait3A_861] : memref<768xi32, #tpu.memory_space<vmem>> -> memref<96xi32, #tpu.memory_space<vmem>>
        %dma_wait3A_863 = arith.constant 0 : i32
        %dma_wait3A_864 = arith.constant 0 : i32
        %dma_wait3A_865 = tpu.memref_slice %arg11[%dma_wait3A_863, %dma_wait3A_864] : memref<10000x128xf32, #tpu.memory_space<vmem_shared>> -> memref<10000x128xf32, #tpu.memory_space<vmem_shared>>
        tpu.wait_indirect_dma semaphore(%run_scoped3A : memref<!tpu.dma_semaphore, #tpu.memory_space<semaphore_mem>>) src(%arg8 : memref<96x128xf32, #tpu.memory_space<vmem>>) dst(%dma_wait3A_865 : memref<10000x128xf32, #tpu.memory_space<vmem_shared>>)
        tpu.yield
      }) : () -> ()
      %add3A_499 = arith.constant 4 : i32
      %add3A_500 = arith.addi %add3A_493, %add3A_499 : i32
      %mul3A_501 = arith.constant 96 : i32
      %mul3A_502 = arith.muli %add3A_500, %mul3A_501 : i32
      %add3A_503 = arith.addi %add3A_6, %mul3A_502 : i32
      %dma_wait3A_504 = arith.constant 480 : i32
      %dma_wait3A_505 = tpu.memref_slice %arg5[%dma_wait3A_504] : memref<768xi32, #tpu.memory_space<vmem>> -> memref<96xi32, #tpu.memory_space<vmem>>
      %dma_wait3A_506 = tpu.memref_slice %arg3[%add3A_503] : memref<640000xi32, #tpu.memory_space<hbm>> -> memref<96xi32, #tpu.memory_space<hbm>>
      %dma_wait3A_507 = arith.constant 480 : i32
      %dma_wait3A_508 = tpu.memref_slice %arg5[%dma_wait3A_507] : memref<768xi32, #tpu.memory_space<vmem>> -> memref<96xi32, #tpu.memory_space<vmem>>
      %dma_wait3A_509 = tpu.memref_slice %arg3[%add3A_503] : memref<640000xi32, #tpu.memory_space<hbm>> -> memref<96xi32, #tpu.memory_space<hbm>>
      tpu.wait_dma2 semaphore(%arg21 : memref<!tpu.dma_semaphore, #tpu.memory_space<semaphore_mem>>) src(%dma_wait3A_509 : memref<96xi32, #tpu.memory_space<hbm>>) dst(%dma_wait3A_508 : memref<96xi32, #tpu.memory_space<vmem>>)
      %mul3A_510 = arith.constant 96 : i32
      %mul3A_511 = arith.muli %add3A_500, %mul3A_510 : i32
      %add3A_512 = arith.addi %mul3A_2, %mul3A_511 : i32
      %dma_wait3A_513 = arith.constant 480 : i32
      %dma_wait3A_514 = tpu.memref_slice %arg6[%dma_wait3A_513] : memref<768xi32, #tpu.memory_space<vmem>> -> memref<96xi32, #tpu.memory_space<vmem>>
      %dma_wait3A_515 = tpu.memref_slice %arg3[%add3A_512] : memref<640000xi32, #tpu.memory_space<hbm>> -> memref<96xi32, #tpu.memory_space<hbm>>
      %dma_wait3A_516 = arith.constant 480 : i32
      %dma_wait3A_517 = tpu.memref_slice %arg6[%dma_wait3A_516] : memref<768xi32, #tpu.memory_space<vmem>> -> memref<96xi32, #tpu.memory_space<vmem>>
      %dma_wait3A_518 = tpu.memref_slice %arg3[%add3A_512] : memref<640000xi32, #tpu.memory_space<hbm>> -> memref<96xi32, #tpu.memory_space<hbm>>
      tpu.wait_dma2 semaphore(%arg21 : memref<!tpu.dma_semaphore, #tpu.memory_space<semaphore_mem>>) src(%dma_wait3A_518 : memref<96xi32, #tpu.memory_space<hbm>>) dst(%dma_wait3A_517 : memref<96xi32, #tpu.memory_space<vmem>>)
      %dma_start3A_519 = arith.constant 480 : i32
      %dma_start3A_520 = tpu.memref_slice %arg5[%dma_start3A_519] : memref<768xi32, #tpu.memory_space<vmem>> -> memref<96xi32, #tpu.memory_space<vmem>>
      %dma_start3A_521 = arith.constant 0 : i32
      %dma_start3A_522 = arith.constant 0 : i32
      %dma_start3A_523 = tpu.memref_slice %arg2[%dma_start3A_521, %dma_start3A_522] : memref<10000x128xf32, #tpu.memory_space<hbm>> -> memref<10000x128xf32, #tpu.memory_space<hbm>>
      tpu.enqueue_indirect_dma source(%dma_start3A_523 : memref<10000x128xf32, #tpu.memory_space<hbm>>) target(%arg8 : memref<96x128xf32, #tpu.memory_space<vmem>>) offsets(%dma_start3A_520 : memref<96xi32, #tpu.memory_space<vmem>>) semaphore(%arg13 : memref<!tpu.dma_semaphore, #tpu.memory_space<semaphore_mem>>)
      %add3A_524 = arith.constant 8 : i32
      %add3A_525 = arith.addi %add3A_493, %add3A_524 : i32
      %mul3A_526 = arith.constant 96 : i32
      %mul3A_527 = arith.muli %add3A_525, %mul3A_526 : i32
      %add3A_528 = arith.addi %add3A_6, %mul3A_527 : i32
      %dma_start3A_529 = arith.constant 96 : i32
      %dma_start3A_530 = tpu.memref_slice %arg5[%dma_start3A_529] : memref<768xi32, #tpu.memory_space<vmem>> -> memref<96xi32, #tpu.memory_space<vmem>>
      %dma_start3A_531 = tpu.memref_slice %arg3[%add3A_528] : memref<640000xi32, #tpu.memory_space<hbm>> -> memref<96xi32, #tpu.memory_space<hbm>>
      %dma_start3A_532 = arith.constant 96 : i32
      %dma_start3A_533 = tpu.memref_slice %arg5[%dma_start3A_532] : memref<768xi32, #tpu.memory_space<vmem>> -> memref<96xi32, #tpu.memory_space<vmem>>
      %dma_start3A_534 = tpu.memref_slice %arg3[%add3A_528] : memref<640000xi32, #tpu.memory_space<hbm>> -> memref<96xi32, #tpu.memory_space<hbm>>
      tpu.enqueue_dma source(%dma_start3A_534 : memref<96xi32, #tpu.memory_space<hbm>>) target(%dma_start3A_533 : memref<96xi32, #tpu.memory_space<vmem>>) target_semaphore(%arg17 : memref<!tpu.dma_semaphore, #tpu.memory_space<semaphore_mem>>)
      %mul3A_535 = arith.constant 96 : i32
      %mul3A_536 = arith.muli %add3A_525, %mul3A_535 : i32
      %add3A_537 = arith.addi %mul3A_2, %mul3A_536 : i32
      %dma_start3A_538 = arith.constant 96 : i32
      %dma_start3A_539 = tpu.memref_slice %arg6[%dma_start3A_538] : memref<768xi32, #tpu.memory_space<vmem>> -> memref<96xi32, #tpu.memory_space<vmem>>
      %dma_start3A_540 = tpu.memref_slice %arg3[%add3A_537] : memref<640000xi32, #tpu.memory_space<hbm>> -> memref<96xi32, #tpu.memory_space<hbm>>
      %dma_start3A_541 = arith.constant 96 : i32
      %dma_start3A_542 = tpu.memref_slice %arg6[%dma_start3A_541] : memref<768xi32, #tpu.memory_space<vmem>> -> memref<96xi32, #tpu.memory_space<vmem>>
      %dma_start3A_543 = tpu.memref_slice %arg3[%add3A_537] : memref<640000xi32, #tpu.memory_space<hbm>> -> memref<96xi32, #tpu.memory_space<hbm>>
      tpu.enqueue_dma source(%dma_start3A_543 : memref<96xi32, #tpu.memory_space<hbm>>) target(%dma_start3A_542 : memref<96xi32, #tpu.memory_space<vmem>>) target_semaphore(%arg17 : memref<!tpu.dma_semaphore, #tpu.memory_space<semaphore_mem>>)
      %add3A_544 = arith.constant 2 : i32
      %add3A_545 = arith.addi %mul3A_439, %add3A_544 : i32
      %dma_wait3A_546 = arith.constant 192 : i32
      %dma_wait3A_547 = tpu.memref_slice %arg5[%dma_wait3A_546] : memref<768xi32, #tpu.memory_space<vmem>> -> memref<96xi32, #tpu.memory_space<vmem>>
      %dma_wait3A_548 = arith.constant 0 : i32
      %dma_wait3A_549 = arith.constant 0 : i32
      %dma_wait3A_550 = tpu.memref_slice %arg2[%dma_wait3A_548, %dma_wait3A_549] : memref<10000x128xf32, #tpu.memory_space<hbm>> -> memref<10000x128xf32, #tpu.memory_space<hbm>>
      tpu.wait_indirect_dma semaphore(%arg14 : memref<!tpu.dma_semaphore, #tpu.memory_space<semaphore_mem>>) src(%dma_wait3A_550 : memref<10000x128xf32, #tpu.memory_space<hbm>>) dst(%arg9 : memref<96x128xf32, #tpu.memory_space<vmem>>)
      "tpu.region"() ({
        %run_scoped3A = tpu.sem_alloc : memref<!tpu.dma_semaphore, #tpu.memory_space<semaphore_mem>>
        %dma_start3A_856 = arith.constant 192 : i32
        %dma_start3A_857 = tpu.memref_slice %arg6[%dma_start3A_856] : memref<768xi32, #tpu.memory_space<vmem>> -> memref<96xi32, #tpu.memory_space<vmem>>
        %dma_start3A_858 = arith.constant 0 : i32
        %dma_start3A_859 = arith.constant 0 : i32
        %dma_start3A_860 = tpu.memref_slice %arg11[%dma_start3A_858, %dma_start3A_859] : memref<10000x128xf32, #tpu.memory_space<vmem_shared>> -> memref<10000x128xf32, #tpu.memory_space<vmem_shared>>
        tpu.enqueue_indirect_dma source(%arg9 : memref<96x128xf32, #tpu.memory_space<vmem>>) target(%dma_start3A_860 : memref<10000x128xf32, #tpu.memory_space<vmem_shared>>) offsets(%dma_start3A_857 : memref<96xi32, #tpu.memory_space<vmem>>) semaphore(%run_scoped3A : memref<!tpu.dma_semaphore, #tpu.memory_space<semaphore_mem>>) {add = true}
        %dma_wait3A_861 = arith.constant 192 : i32
        %dma_wait3A_862 = tpu.memref_slice %arg6[%dma_wait3A_861] : memref<768xi32, #tpu.memory_space<vmem>> -> memref<96xi32, #tpu.memory_space<vmem>>
        %dma_wait3A_863 = arith.constant 0 : i32
        %dma_wait3A_864 = arith.constant 0 : i32
        %dma_wait3A_865 = tpu.memref_slice %arg11[%dma_wait3A_863, %dma_wait3A_864] : memref<10000x128xf32, #tpu.memory_space<vmem_shared>> -> memref<10000x128xf32, #tpu.memory_space<vmem_shared>>
        tpu.wait_indirect_dma semaphore(%run_scoped3A : memref<!tpu.dma_semaphore, #tpu.memory_space<semaphore_mem>>) src(%arg9 : memref<96x128xf32, #tpu.memory_space<vmem>>) dst(%dma_wait3A_865 : memref<10000x128xf32, #tpu.memory_space<vmem_shared>>)
        tpu.yield
      }) : () -> ()
      %add3A_551 = arith.constant 4 : i32
      %add3A_552 = arith.addi %add3A_545, %add3A_551 : i32
      %mul3A_553 = arith.constant 96 : i32
      %mul3A_554 = arith.muli %add3A_552, %mul3A_553 : i32
      %add3A_555 = arith.addi %add3A_6, %mul3A_554 : i32
      %dma_wait3A_556 = arith.constant 576 : i32
      %dma_wait3A_557 = tpu.memref_slice %arg5[%dma_wait3A_556] : memref<768xi32, #tpu.memory_space<vmem>> -> memref<96xi32, #tpu.memory_space<vmem>>
      %dma_wait3A_558 = tpu.memref_slice %arg3[%add3A_555] : memref<640000xi32, #tpu.memory_space<hbm>> -> memref<96xi32, #tpu.memory_space<hbm>>
      %dma_wait3A_559 = arith.constant 576 : i32
      %dma_wait3A_560 = tpu.memref_slice %arg5[%dma_wait3A_559] : memref<768xi32, #tpu.memory_space<vmem>> -> memref<96xi32, #tpu.memory_space<vmem>>
      %dma_wait3A_561 = tpu.memref_slice %arg3[%add3A_555] : memref<640000xi32, #tpu.memory_space<hbm>> -> memref<96xi32, #tpu.memory_space<hbm>>
      tpu.wait_dma2 semaphore(%arg22 : memref<!tpu.dma_semaphore, #tpu.memory_space<semaphore_mem>>) src(%dma_wait3A_561 : memref<96xi32, #tpu.memory_space<hbm>>) dst(%dma_wait3A_560 : memref<96xi32, #tpu.memory_space<vmem>>)
      %mul3A_562 = arith.constant 96 : i32
      %mul3A_563 = arith.muli %add3A_552, %mul3A_562 : i32
      %add3A_564 = arith.addi %mul3A_2, %mul3A_563 : i32
      %dma_wait3A_565 = arith.constant 576 : i32
      %dma_wait3A_566 = tpu.memref_slice %arg6[%dma_wait3A_565] : memref<768xi32, #tpu.memory_space<vmem>> -> memref<96xi32, #tpu.memory_space<vmem>>
      %dma_wait3A_567 = tpu.memref_slice %arg3[%add3A_564] : memref<640000xi32, #tpu.memory_space<hbm>> -> memref<96xi32, #tpu.memory_space<hbm>>
      %dma_wait3A_568 = arith.constant 576 : i32
      %dma_wait3A_569 = tpu.memref_slice %arg6[%dma_wait3A_568] : memref<768xi32, #tpu.memory_space<vmem>> -> memref<96xi32, #tpu.memory_space<vmem>>
      %dma_wait3A_570 = tpu.memref_slice %arg3[%add3A_564] : memref<640000xi32, #tpu.memory_space<hbm>> -> memref<96xi32, #tpu.memory_space<hbm>>
      tpu.wait_dma2 semaphore(%arg22 : memref<!tpu.dma_semaphore, #tpu.memory_space<semaphore_mem>>) src(%dma_wait3A_570 : memref<96xi32, #tpu.memory_space<hbm>>) dst(%dma_wait3A_569 : memref<96xi32, #tpu.memory_space<vmem>>)
      %dma_start3A_571 = arith.constant 576 : i32
      %dma_start3A_572 = tpu.memref_slice %arg5[%dma_start3A_571] : memref<768xi32, #tpu.memory_space<vmem>> -> memref<96xi32, #tpu.memory_space<vmem>>
      %dma_start3A_573 = arith.constant 0 : i32
      %dma_start3A_574 = arith.constant 0 : i32
      %dma_start3A_575 = tpu.memref_slice %arg2[%dma_start3A_573, %dma_start3A_574] : memref<10000x128xf32, #tpu.memory_space<hbm>> -> memref<10000x128xf32, #tpu.memory_space<hbm>>
      tpu.enqueue_indirect_dma source(%dma_start3A_575 : memref<10000x128xf32, #tpu.memory_space<hbm>>) target(%arg9 : memref<96x128xf32, #tpu.memory_space<vmem>>) offsets(%dma_start3A_572 : memref<96xi32, #tpu.memory_space<vmem>>) semaphore(%arg14 : memref<!tpu.dma_semaphore, #tpu.memory_space<semaphore_mem>>)
      %add3A_576 = arith.constant 8 : i32
      %add3A_577 = arith.addi %add3A_545, %add3A_576 : i32
      %mul3A_578 = arith.constant 96 : i32
      %mul3A_579 = arith.muli %add3A_577, %mul3A_578 : i32
      %add3A_580 = arith.addi %add3A_6, %mul3A_579 : i32
      %dma_start3A_581 = arith.constant 192 : i32
      %dma_start3A_582 = tpu.memref_slice %arg5[%dma_start3A_581] : memref<768xi32, #tpu.memory_space<vmem>> -> memref<96xi32, #tpu.memory_space<vmem>>
      %dma_start3A_583 = tpu.memref_slice %arg3[%add3A_580] : memref<640000xi32, #tpu.memory_space<hbm>> -> memref<96xi32, #tpu.memory_space<hbm>>
      %dma_start3A_584 = arith.constant 192 : i32
      %dma_start3A_585 = tpu.memref_slice %arg5[%dma_start3A_584] : memref<768xi32, #tpu.memory_space<vmem>> -> memref<96xi32, #tpu.memory_space<vmem>>
      %dma_start3A_586 = tpu.memref_slice %arg3[%add3A_580] : memref<640000xi32, #tpu.memory_space<hbm>> -> memref<96xi32, #tpu.memory_space<hbm>>
      tpu.enqueue_dma source(%dma_start3A_586 : memref<96xi32, #tpu.memory_space<hbm>>) target(%dma_start3A_585 : memref<96xi32, #tpu.memory_space<vmem>>) target_semaphore(%arg18 : memref<!tpu.dma_semaphore, #tpu.memory_space<semaphore_mem>>)
      %mul3A_587 = arith.constant 96 : i32
      %mul3A_588 = arith.muli %add3A_577, %mul3A_587 : i32
      %add3A_589 = arith.addi %mul3A_2, %mul3A_588 : i32
      %dma_start3A_590 = arith.constant 192 : i32
      %dma_start3A_591 = tpu.memref_slice %arg6[%dma_start3A_590] : memref<768xi32, #tpu.memory_space<vmem>> -> memref<96xi32, #tpu.memory_space<vmem>>
      %dma_start3A_592 = tpu.memref_slice %arg3[%add3A_589] : memref<640000xi32, #tpu.memory_space<hbm>> -> memref<96xi32, #tpu.memory_space<hbm>>
      %dma_start3A_593 = arith.constant 192 : i32
      %dma_start3A_594 = tpu.memref_slice %arg6[%dma_start3A_593] : memref<768xi32, #tpu.memory_space<vmem>> -> memref<96xi32, #tpu.memory_space<vmem>>
      %dma_start3A_595 = tpu.memref_slice %arg3[%add3A_589] : memref<640000xi32, #tpu.memory_space<hbm>> -> memref<96xi32, #tpu.memory_space<hbm>>
      tpu.enqueue_dma source(%dma_start3A_595 : memref<96xi32, #tpu.memory_space<hbm>>) target(%dma_start3A_594 : memref<96xi32, #tpu.memory_space<vmem>>) target_semaphore(%arg18 : memref<!tpu.dma_semaphore, #tpu.memory_space<semaphore_mem>>)
      %add3A_596 = arith.constant 3 : i32
      %add3A_597 = arith.addi %mul3A_439, %add3A_596 : i32
      %dma_wait3A_598 = arith.constant 288 : i32
      %dma_wait3A_599 = tpu.memref_slice %arg5[%dma_wait3A_598] : memref<768xi32, #tpu.memory_space<vmem>> -> memref<96xi32, #tpu.memory_space<vmem>>
      %dma_wait3A_600 = arith.constant 0 : i32
      %dma_wait3A_601 = arith.constant 0 : i32
      %dma_wait3A_602 = tpu.memref_slice %arg2[%dma_wait3A_600, %dma_wait3A_601] : memref<10000x128xf32, #tpu.memory_space<hbm>> -> memref<10000x128xf32, #tpu.memory_space<hbm>>
      tpu.wait_indirect_dma semaphore(%arg15 : memref<!tpu.dma_semaphore, #tpu.memory_space<semaphore_mem>>) src(%dma_wait3A_602 : memref<10000x128xf32, #tpu.memory_space<hbm>>) dst(%arg10 : memref<96x128xf32, #tpu.memory_space<vmem>>)
      "tpu.region"() ({
        %run_scoped3A = tpu.sem_alloc : memref<!tpu.dma_semaphore, #tpu.memory_space<semaphore_mem>>
        %dma_start3A_856 = arith.constant 288 : i32
        %dma_start3A_857 = tpu.memref_slice %arg6[%dma_start3A_856] : memref<768xi32, #tpu.memory_space<vmem>> -> memref<96xi32, #tpu.memory_space<vmem>>
        %dma_start3A_858 = arith.constant 0 : i32
        %dma_start3A_859 = arith.constant 0 : i32
        %dma_start3A_860 = tpu.memref_slice %arg11[%dma_start3A_858, %dma_start3A_859] : memref<10000x128xf32, #tpu.memory_space<vmem_shared>> -> memref<10000x128xf32, #tpu.memory_space<vmem_shared>>
        tpu.enqueue_indirect_dma source(%arg10 : memref<96x128xf32, #tpu.memory_space<vmem>>) target(%dma_start3A_860 : memref<10000x128xf32, #tpu.memory_space<vmem_shared>>) offsets(%dma_start3A_857 : memref<96xi32, #tpu.memory_space<vmem>>) semaphore(%run_scoped3A : memref<!tpu.dma_semaphore, #tpu.memory_space<semaphore_mem>>) {add = true}
        %dma_wait3A_861 = arith.constant 288 : i32
        %dma_wait3A_862 = tpu.memref_slice %arg6[%dma_wait3A_861] : memref<768xi32, #tpu.memory_space<vmem>> -> memref<96xi32, #tpu.memory_space<vmem>>
        %dma_wait3A_863 = arith.constant 0 : i32
        %dma_wait3A_864 = arith.constant 0 : i32
        %dma_wait3A_865 = tpu.memref_slice %arg11[%dma_wait3A_863, %dma_wait3A_864] : memref<10000x128xf32, #tpu.memory_space<vmem_shared>> -> memref<10000x128xf32, #tpu.memory_space<vmem_shared>>
        tpu.wait_indirect_dma semaphore(%run_scoped3A : memref<!tpu.dma_semaphore, #tpu.memory_space<semaphore_mem>>) src(%arg10 : memref<96x128xf32, #tpu.memory_space<vmem>>) dst(%dma_wait3A_865 : memref<10000x128xf32, #tpu.memory_space<vmem_shared>>)
        tpu.yield
      }) : () -> ()
      %add3A_603 = arith.constant 4 : i32
      %add3A_604 = arith.addi %add3A_597, %add3A_603 : i32
      %mul3A_605 = arith.constant 96 : i32
      %mul3A_606 = arith.muli %add3A_604, %mul3A_605 : i32
      %add3A_607 = arith.addi %add3A_6, %mul3A_606 : i32
      %dma_wait3A_608 = arith.constant 672 : i32
      %dma_wait3A_609 = tpu.memref_slice %arg5[%dma_wait3A_608] : memref<768xi32, #tpu.memory_space<vmem>> -> memref<96xi32, #tpu.memory_space<vmem>>
      %dma_wait3A_610 = tpu.memref_slice %arg3[%add3A_607] : memref<640000xi32, #tpu.memory_space<hbm>> -> memref<96xi32, #tpu.memory_space<hbm>>
      %dma_wait3A_611 = arith.constant 672 : i32
      %dma_wait3A_612 = tpu.memref_slice %arg5[%dma_wait3A_611] : memref<768xi32, #tpu.memory_space<vmem>> -> memref<96xi32, #tpu.memory_space<vmem>>
      %dma_wait3A_613 = tpu.memref_slice %arg3[%add3A_607] : memref<640000xi32, #tpu.memory_space<hbm>> -> memref<96xi32, #tpu.memory_space<hbm>>
      tpu.wait_dma2 semaphore(%arg23 : memref<!tpu.dma_semaphore, #tpu.memory_space<semaphore_mem>>) src(%dma_wait3A_613 : memref<96xi32, #tpu.memory_space<hbm>>) dst(%dma_wait3A_612 : memref<96xi32, #tpu.memory_space<vmem>>)
      %mul3A_614 = arith.constant 96 : i32
      %mul3A_615 = arith.muli %add3A_604, %mul3A_614 : i32
      %add3A_616 = arith.addi %mul3A_2, %mul3A_615 : i32
      %dma_wait3A_617 = arith.constant 672 : i32
      %dma_wait3A_618 = tpu.memref_slice %arg6[%dma_wait3A_617] : memref<768xi32, #tpu.memory_space<vmem>> -> memref<96xi32, #tpu.memory_space<vmem>>
      %dma_wait3A_619 = tpu.memref_slice %arg3[%add3A_616] : memref<640000xi32, #tpu.memory_space<hbm>> -> memref<96xi32, #tpu.memory_space<hbm>>
      %dma_wait3A_620 = arith.constant 672 : i32
      %dma_wait3A_621 = tpu.memref_slice %arg6[%dma_wait3A_620] : memref<768xi32, #tpu.memory_space<vmem>> -> memref<96xi32, #tpu.memory_space<vmem>>
      %dma_wait3A_622 = tpu.memref_slice %arg3[%add3A_616] : memref<640000xi32, #tpu.memory_space<hbm>> -> memref<96xi32, #tpu.memory_space<hbm>>
      tpu.wait_dma2 semaphore(%arg23 : memref<!tpu.dma_semaphore, #tpu.memory_space<semaphore_mem>>) src(%dma_wait3A_622 : memref<96xi32, #tpu.memory_space<hbm>>) dst(%dma_wait3A_621 : memref<96xi32, #tpu.memory_space<vmem>>)
      %dma_start3A_623 = arith.constant 672 : i32
      %dma_start3A_624 = tpu.memref_slice %arg5[%dma_start3A_623] : memref<768xi32, #tpu.memory_space<vmem>> -> memref<96xi32, #tpu.memory_space<vmem>>
      %dma_start3A_625 = arith.constant 0 : i32
      %dma_start3A_626 = arith.constant 0 : i32
      %dma_start3A_627 = tpu.memref_slice %arg2[%dma_start3A_625, %dma_start3A_626] : memref<10000x128xf32, #tpu.memory_space<hbm>> -> memref<10000x128xf32, #tpu.memory_space<hbm>>
      tpu.enqueue_indirect_dma source(%dma_start3A_627 : memref<10000x128xf32, #tpu.memory_space<hbm>>) target(%arg10 : memref<96x128xf32, #tpu.memory_space<vmem>>) offsets(%dma_start3A_624 : memref<96xi32, #tpu.memory_space<vmem>>) semaphore(%arg15 : memref<!tpu.dma_semaphore, #tpu.memory_space<semaphore_mem>>)
      %add3A_628 = arith.constant 8 : i32
      %add3A_629 = arith.addi %add3A_597, %add3A_628 : i32
      %mul3A_630 = arith.constant 96 : i32
      %mul3A_631 = arith.muli %add3A_629, %mul3A_630 : i32
      %add3A_632 = arith.addi %add3A_6, %mul3A_631 : i32
      %dma_start3A_633 = arith.constant 288 : i32
      %dma_start3A_634 = tpu.memref_slice %arg5[%dma_start3A_633] : memref<768xi32, #tpu.memory_space<vmem>> -> memref<96xi32, #tpu.memory_space<vmem>>
      %dma_start3A_635 = tpu.memref_slice %arg3[%add3A_632] : memref<640000xi32, #tpu.memory_space<hbm>> -> memref<96xi32, #tpu.memory_space<hbm>>
      %dma_start3A_636 = arith.constant 288 : i32
      %dma_start3A_637 = tpu.memref_slice %arg5[%dma_start3A_636] : memref<768xi32, #tpu.memory_space<vmem>> -> memref<96xi32, #tpu.memory_space<vmem>>
      %dma_start3A_638 = tpu.memref_slice %arg3[%add3A_632] : memref<640000xi32, #tpu.memory_space<hbm>> -> memref<96xi32, #tpu.memory_space<hbm>>
      tpu.enqueue_dma source(%dma_start3A_638 : memref<96xi32, #tpu.memory_space<hbm>>) target(%dma_start3A_637 : memref<96xi32, #tpu.memory_space<vmem>>) target_semaphore(%arg19 : memref<!tpu.dma_semaphore, #tpu.memory_space<semaphore_mem>>)
      %mul3A_639 = arith.constant 96 : i32
      %mul3A_640 = arith.muli %add3A_629, %mul3A_639 : i32
      %add3A_641 = arith.addi %mul3A_2, %mul3A_640 : i32
      %dma_start3A_642 = arith.constant 288 : i32
      %dma_start3A_643 = tpu.memref_slice %arg6[%dma_start3A_642] : memref<768xi32, #tpu.memory_space<vmem>> -> memref<96xi32, #tpu.memory_space<vmem>>
      %dma_start3A_644 = tpu.memref_slice %arg3[%add3A_641] : memref<640000xi32, #tpu.memory_space<hbm>> -> memref<96xi32, #tpu.memory_space<hbm>>
      %dma_start3A_645 = arith.constant 288 : i32
      %dma_start3A_646 = tpu.memref_slice %arg6[%dma_start3A_645] : memref<768xi32, #tpu.memory_space<vmem>> -> memref<96xi32, #tpu.memory_space<vmem>>
      %dma_start3A_647 = tpu.memref_slice %arg3[%add3A_641] : memref<640000xi32, #tpu.memory_space<hbm>> -> memref<96xi32, #tpu.memory_space<hbm>>
      tpu.enqueue_dma source(%dma_start3A_647 : memref<96xi32, #tpu.memory_space<hbm>>) target(%dma_start3A_646 : memref<96xi32, #tpu.memory_space<vmem>>) target_semaphore(%arg19 : memref<!tpu.dma_semaphore, #tpu.memory_space<semaphore_mem>>)
      %add3A_648 = arith.constant 4 : i32
      %add3A_649 = arith.addi %mul3A_439, %add3A_648 : i32
      %dma_wait3A_650 = arith.constant 384 : i32
      %dma_wait3A_651 = tpu.memref_slice %arg5[%dma_wait3A_650] : memref<768xi32, #tpu.memory_space<vmem>> -> memref<96xi32, #tpu.memory_space<vmem>>
      %dma_wait3A_652 = arith.constant 0 : i32
      %dma_wait3A_653 = arith.constant 0 : i32
      %dma_wait3A_654 = tpu.memref_slice %arg2[%dma_wait3A_652, %dma_wait3A_653] : memref<10000x128xf32, #tpu.memory_space<hbm>> -> memref<10000x128xf32, #tpu.memory_space<hbm>>
      tpu.wait_indirect_dma semaphore(%arg12 : memref<!tpu.dma_semaphore, #tpu.memory_space<semaphore_mem>>) src(%dma_wait3A_654 : memref<10000x128xf32, #tpu.memory_space<hbm>>) dst(%arg7 : memref<96x128xf32, #tpu.memory_space<vmem>>)
      "tpu.region"() ({
        %run_scoped3A = tpu.sem_alloc : memref<!tpu.dma_semaphore, #tpu.memory_space<semaphore_mem>>
        %dma_start3A_856 = arith.constant 384 : i32
        %dma_start3A_857 = tpu.memref_slice %arg6[%dma_start3A_856] : memref<768xi32, #tpu.memory_space<vmem>> -> memref<96xi32, #tpu.memory_space<vmem>>
        %dma_start3A_858 = arith.constant 0 : i32
        %dma_start3A_859 = arith.constant 0 : i32
        %dma_start3A_860 = tpu.memref_slice %arg11[%dma_start3A_858, %dma_start3A_859] : memref<10000x128xf32, #tpu.memory_space<vmem_shared>> -> memref<10000x128xf32, #tpu.memory_space<vmem_shared>>
        tpu.enqueue_indirect_dma source(%arg7 : memref<96x128xf32, #tpu.memory_space<vmem>>) target(%dma_start3A_860 : memref<10000x128xf32, #tpu.memory_space<vmem_shared>>) offsets(%dma_start3A_857 : memref<96xi32, #tpu.memory_space<vmem>>) semaphore(%run_scoped3A : memref<!tpu.dma_semaphore, #tpu.memory_space<semaphore_mem>>) {add = true}
        %dma_wait3A_861 = arith.constant 384 : i32
        %dma_wait3A_862 = tpu.memref_slice %arg6[%dma_wait3A_861] : memref<768xi32, #tpu.memory_space<vmem>> -> memref<96xi32, #tpu.memory_space<vmem>>
        %dma_wait3A_863 = arith.constant 0 : i32
        %dma_wait3A_864 = arith.constant 0 : i32
        %dma_wait3A_865 = tpu.memref_slice %arg11[%dma_wait3A_863, %dma_wait3A_864] : memref<10000x128xf32, #tpu.memory_space<vmem_shared>> -> memref<10000x128xf32, #tpu.memory_space<vmem_shared>>
        tpu.wait_indirect_dma semaphore(%run_scoped3A : memref<!tpu.dma_semaphore, #tpu.memory_space<semaphore_mem>>) src(%arg7 : memref<96x128xf32, #tpu.memory_space<vmem>>) dst(%dma_wait3A_865 : memref<10000x128xf32, #tpu.memory_space<vmem_shared>>)
        tpu.yield
      }) : () -> ()
      %add3A_655 = arith.constant 4 : i32
      %add3A_656 = arith.addi %add3A_649, %add3A_655 : i32
      %mul3A_657 = arith.constant 96 : i32
      %mul3A_658 = arith.muli %add3A_656, %mul3A_657 : i32
      %add3A_659 = arith.addi %add3A_6, %mul3A_658 : i32
      %dma_wait3A_660 = arith.constant 0 : i32
      %dma_wait3A_661 = tpu.memref_slice %arg5[%dma_wait3A_660] : memref<768xi32, #tpu.memory_space<vmem>> -> memref<96xi32, #tpu.memory_space<vmem>>
      %dma_wait3A_662 = tpu.memref_slice %arg3[%add3A_659] : memref<640000xi32, #tpu.memory_space<hbm>> -> memref<96xi32, #tpu.memory_space<hbm>>
      %dma_wait3A_663 = arith.constant 0 : i32
      %dma_wait3A_664 = tpu.memref_slice %arg5[%dma_wait3A_663] : memref<768xi32, #tpu.memory_space<vmem>> -> memref<96xi32, #tpu.memory_space<vmem>>
      %dma_wait3A_665 = tpu.memref_slice %arg3[%add3A_659] : memref<640000xi32, #tpu.memory_space<hbm>> -> memref<96xi32, #tpu.memory_space<hbm>>
      tpu.wait_dma2 semaphore(%arg16 : memref<!tpu.dma_semaphore, #tpu.memory_space<semaphore_mem>>) src(%dma_wait3A_665 : memref<96xi32, #tpu.memory_space<hbm>>) dst(%dma_wait3A_664 : memref<96xi32, #tpu.memory_space<vmem>>)
      %mul3A_666 = arith.constant 96 : i32
      %mul3A_667 = arith.muli %add3A_656, %mul3A_666 : i32
      %add3A_668 = arith.addi %mul3A_2, %mul3A_667 : i32
      %dma_wait3A_669 = arith.constant 0 : i32
      %dma_wait3A_670 = tpu.memref_slice %arg6[%dma_wait3A_669] : memref<768xi32, #tpu.memory_space<vmem>> -> memref<96xi32, #tpu.memory_space<vmem>>
      %dma_wait3A_671 = tpu.memref_slice %arg3[%add3A_668] : memref<640000xi32, #tpu.memory_space<hbm>> -> memref<96xi32, #tpu.memory_space<hbm>>
      %dma_wait3A_672 = arith.constant 0 : i32
      %dma_wait3A_673 = tpu.memref_slice %arg6[%dma_wait3A_672] : memref<768xi32, #tpu.memory_space<vmem>> -> memref<96xi32, #tpu.memory_space<vmem>>
      %dma_wait3A_674 = tpu.memref_slice %arg3[%add3A_668] : memref<640000xi32, #tpu.memory_space<hbm>> -> memref<96xi32, #tpu.memory_space<hbm>>
      tpu.wait_dma2 semaphore(%arg16 : memref<!tpu.dma_semaphore, #tpu.memory_space<semaphore_mem>>) src(%dma_wait3A_674 : memref<96xi32, #tpu.memory_space<hbm>>) dst(%dma_wait3A_673 : memref<96xi32, #tpu.memory_space<vmem>>)
      %dma_start3A_675 = arith.constant 0 : i32
      %dma_start3A_676 = tpu.memref_slice %arg5[%dma_start3A_675] : memref<768xi32, #tpu.memory_space<vmem>> -> memref<96xi32, #tpu.memory_space<vmem>>
      %dma_start3A_677 = arith.constant 0 : i32
      %dma_start3A_678 = arith.constant 0 : i32
      %dma_start3A_679 = tpu.memref_slice %arg2[%dma_start3A_677, %dma_start3A_678] : memref<10000x128xf32, #tpu.memory_space<hbm>> -> memref<10000x128xf32, #tpu.memory_space<hbm>>
      tpu.enqueue_indirect_dma source(%dma_start3A_679 : memref<10000x128xf32, #tpu.memory_space<hbm>>) target(%arg7 : memref<96x128xf32, #tpu.memory_space<vmem>>) offsets(%dma_start3A_676 : memref<96xi32, #tpu.memory_space<vmem>>) semaphore(%arg12 : memref<!tpu.dma_semaphore, #tpu.memory_space<semaphore_mem>>)
      %add3A_680 = arith.constant 8 : i32
      %add3A_681 = arith.addi %add3A_649, %add3A_680 : i32
      %mul3A_682 = arith.constant 96 : i32
      %mul3A_683 = arith.muli %add3A_681, %mul3A_682 : i32
      %add3A_684 = arith.addi %add3A_6, %mul3A_683 : i32
      %dma_start3A_685 = arith.constant 384 : i32
      %dma_start3A_686 = tpu.memref_slice %arg5[%dma_start3A_685] : memref<768xi32, #tpu.memory_space<vmem>> -> memref<96xi32, #tpu.memory_space<vmem>>
      %dma_start3A_687 = tpu.memref_slice %arg3[%add3A_684] : memref<640000xi32, #tpu.memory_space<hbm>> -> memref<96xi32, #tpu.memory_space<hbm>>
      %dma_start3A_688 = arith.constant 384 : i32
      %dma_start3A_689 = tpu.memref_slice %arg5[%dma_start3A_688] : memref<768xi32, #tpu.memory_space<vmem>> -> memref<96xi32, #tpu.memory_space<vmem>>
      %dma_start3A_690 = tpu.memref_slice %arg3[%add3A_684] : memref<640000xi32, #tpu.memory_space<hbm>> -> memref<96xi32, #tpu.memory_space<hbm>>
      tpu.enqueue_dma source(%dma_start3A_690 : memref<96xi32, #tpu.memory_space<hbm>>) target(%dma_start3A_689 : memref<96xi32, #tpu.memory_space<vmem>>) target_semaphore(%arg20 : memref<!tpu.dma_semaphore, #tpu.memory_space<semaphore_mem>>)
      %mul3A_691 = arith.constant 96 : i32
      %mul3A_692 = arith.muli %add3A_681, %mul3A_691 : i32
      %add3A_693 = arith.addi %mul3A_2, %mul3A_692 : i32
      %dma_start3A_694 = arith.constant 384 : i32
      %dma_start3A_695 = tpu.memref_slice %arg6[%dma_start3A_694] : memref<768xi32, #tpu.memory_space<vmem>> -> memref<96xi32, #tpu.memory_space<vmem>>
      %dma_start3A_696 = tpu.memref_slice %arg3[%add3A_693] : memref<640000xi32, #tpu.memory_space<hbm>> -> memref<96xi32, #tpu.memory_space<hbm>>
      %dma_start3A_697 = arith.constant 384 : i32
      %dma_start3A_698 = tpu.memref_slice %arg6[%dma_start3A_697] : memref<768xi32, #tpu.memory_space<vmem>> -> memref<96xi32, #tpu.memory_space<vmem>>
      %dma_start3A_699 = tpu.memref_slice %arg3[%add3A_693] : memref<640000xi32, #tpu.memory_space<hbm>> -> memref<96xi32, #tpu.memory_space<hbm>>
      tpu.enqueue_dma source(%dma_start3A_699 : memref<96xi32, #tpu.memory_space<hbm>>) target(%dma_start3A_698 : memref<96xi32, #tpu.memory_space<vmem>>) target_semaphore(%arg20 : memref<!tpu.dma_semaphore, #tpu.memory_space<semaphore_mem>>)
      %add3A_700 = arith.constant 5 : i32
      %add3A_701 = arith.addi %mul3A_439, %add3A_700 : i32
      %dma_wait3A_702 = arith.constant 480 : i32
      %dma_wait3A_703 = tpu.memref_slice %arg5[%dma_wait3A_702] : memref<768xi32, #tpu.memory_space<vmem>> -> memref<96xi32, #tpu.memory_space<vmem>>
      %dma_wait3A_704 = arith.constant 0 : i32
      %dma_wait3A_705 = arith.constant 0 : i32
      %dma_wait3A_706 = tpu.memref_slice %arg2[%dma_wait3A_704, %dma_wait3A_705] : memref<10000x128xf32, #tpu.memory_space<hbm>> -> memref<10000x128xf32, #tpu.memory_space<hbm>>
      tpu.wait_indirect_dma semaphore(%arg13 : memref<!tpu.dma_semaphore, #tpu.memory_space<semaphore_mem>>) src(%dma_wait3A_706 : memref<10000x128xf32, #tpu.memory_space<hbm>>) dst(%arg8 : memref<96x128xf32, #tpu.memory_space<vmem>>)
      "tpu.region"() ({
        %run_scoped3A = tpu.sem_alloc : memref<!tpu.dma_semaphore, #tpu.memory_space<semaphore_mem>>
        %dma_start3A_856 = arith.constant 480 : i32
        %dma_start3A_857 = tpu.memref_slice %arg6[%dma_start3A_856] : memref<768xi32, #tpu.memory_space<vmem>> -> memref<96xi32, #tpu.memory_space<vmem>>
        %dma_start3A_858 = arith.constant 0 : i32
        %dma_start3A_859 = arith.constant 0 : i32
        %dma_start3A_860 = tpu.memref_slice %arg11[%dma_start3A_858, %dma_start3A_859] : memref<10000x128xf32, #tpu.memory_space<vmem_shared>> -> memref<10000x128xf32, #tpu.memory_space<vmem_shared>>
        tpu.enqueue_indirect_dma source(%arg8 : memref<96x128xf32, #tpu.memory_space<vmem>>) target(%dma_start3A_860 : memref<10000x128xf32, #tpu.memory_space<vmem_shared>>) offsets(%dma_start3A_857 : memref<96xi32, #tpu.memory_space<vmem>>) semaphore(%run_scoped3A : memref<!tpu.dma_semaphore, #tpu.memory_space<semaphore_mem>>) {add = true}
        %dma_wait3A_861 = arith.constant 480 : i32
        %dma_wait3A_862 = tpu.memref_slice %arg6[%dma_wait3A_861] : memref<768xi32, #tpu.memory_space<vmem>> -> memref<96xi32, #tpu.memory_space<vmem>>
        %dma_wait3A_863 = arith.constant 0 : i32
        %dma_wait3A_864 = arith.constant 0 : i32
        %dma_wait3A_865 = tpu.memref_slice %arg11[%dma_wait3A_863, %dma_wait3A_864] : memref<10000x128xf32, #tpu.memory_space<vmem_shared>> -> memref<10000x128xf32, #tpu.memory_space<vmem_shared>>
        tpu.wait_indirect_dma semaphore(%run_scoped3A : memref<!tpu.dma_semaphore, #tpu.memory_space<semaphore_mem>>) src(%arg8 : memref<96x128xf32, #tpu.memory_space<vmem>>) dst(%dma_wait3A_865 : memref<10000x128xf32, #tpu.memory_space<vmem_shared>>)
        tpu.yield
      }) : () -> ()
      %add3A_707 = arith.constant 4 : i32
      %add3A_708 = arith.addi %add3A_701, %add3A_707 : i32
      %mul3A_709 = arith.constant 96 : i32
      %mul3A_710 = arith.muli %add3A_708, %mul3A_709 : i32
      %add3A_711 = arith.addi %add3A_6, %mul3A_710 : i32
      %dma_wait3A_712 = arith.constant 96 : i32
      %dma_wait3A_713 = tpu.memref_slice %arg5[%dma_wait3A_712] : memref<768xi32, #tpu.memory_space<vmem>> -> memref<96xi32, #tpu.memory_space<vmem>>
      %dma_wait3A_714 = tpu.memref_slice %arg3[%add3A_711] : memref<640000xi32, #tpu.memory_space<hbm>> -> memref<96xi32, #tpu.memory_space<hbm>>
      %dma_wait3A_715 = arith.constant 96 : i32
      %dma_wait3A_716 = tpu.memref_slice %arg5[%dma_wait3A_715] : memref<768xi32, #tpu.memory_space<vmem>> -> memref<96xi32, #tpu.memory_space<vmem>>
      %dma_wait3A_717 = tpu.memref_slice %arg3[%add3A_711] : memref<640000xi32, #tpu.memory_space<hbm>> -> memref<96xi32, #tpu.memory_space<hbm>>
      tpu.wait_dma2 semaphore(%arg17 : memref<!tpu.dma_semaphore, #tpu.memory_space<semaphore_mem>>) src(%dma_wait3A_717 : memref<96xi32, #tpu.memory_space<hbm>>) dst(%dma_wait3A_716 : memref<96xi32, #tpu.memory_space<vmem>>)
      %mul3A_718 = arith.constant 96 : i32
      %mul3A_719 = arith.muli %add3A_708, %mul3A_718 : i32
      %add3A_720 = arith.addi %mul3A_2, %mul3A_719 : i32
      %dma_wait3A_721 = arith.constant 96 : i32
      %dma_wait3A_722 = tpu.memref_slice %arg6[%dma_wait3A_721] : memref<768xi32, #tpu.memory_space<vmem>> -> memref<96xi32, #tpu.memory_space<vmem>>
      %dma_wait3A_723 = tpu.memref_slice %arg3[%add3A_720] : memref<640000xi32, #tpu.memory_space<hbm>> -> memref<96xi32, #tpu.memory_space<hbm>>
      %dma_wait3A_724 = arith.constant 96 : i32
      %dma_wait3A_725 = tpu.memref_slice %arg6[%dma_wait3A_724] : memref<768xi32, #tpu.memory_space<vmem>> -> memref<96xi32, #tpu.memory_space<vmem>>
      %dma_wait3A_726 = tpu.memref_slice %arg3[%add3A_720] : memref<640000xi32, #tpu.memory_space<hbm>> -> memref<96xi32, #tpu.memory_space<hbm>>
      tpu.wait_dma2 semaphore(%arg17 : memref<!tpu.dma_semaphore, #tpu.memory_space<semaphore_mem>>) src(%dma_wait3A_726 : memref<96xi32, #tpu.memory_space<hbm>>) dst(%dma_wait3A_725 : memref<96xi32, #tpu.memory_space<vmem>>)
      %dma_start3A_727 = arith.constant 96 : i32
      %dma_start3A_728 = tpu.memref_slice %arg5[%dma_start3A_727] : memref<768xi32, #tpu.memory_space<vmem>> -> memref<96xi32, #tpu.memory_space<vmem>>
      %dma_start3A_729 = arith.constant 0 : i32
      %dma_start3A_730 = arith.constant 0 : i32
      %dma_start3A_731 = tpu.memref_slice %arg2[%dma_start3A_729, %dma_start3A_730] : memref<10000x128xf32, #tpu.memory_space<hbm>> -> memref<10000x128xf32, #tpu.memory_space<hbm>>
      tpu.enqueue_indirect_dma source(%dma_start3A_731 : memref<10000x128xf32, #tpu.memory_space<hbm>>) target(%arg8 : memref<96x128xf32, #tpu.memory_space<vmem>>) offsets(%dma_start3A_728 : memref<96xi32, #tpu.memory_space<vmem>>) semaphore(%arg13 : memref<!tpu.dma_semaphore, #tpu.memory_space<semaphore_mem>>)
      %add3A_732 = arith.constant 8 : i32
      %add3A_733 = arith.addi %add3A_701, %add3A_732 : i32
      %mul3A_734 = arith.constant 96 : i32
      %mul3A_735 = arith.muli %add3A_733, %mul3A_734 : i32
      %add3A_736 = arith.addi %add3A_6, %mul3A_735 : i32
      %dma_start3A_737 = arith.constant 480 : i32
      %dma_start3A_738 = tpu.memref_slice %arg5[%dma_start3A_737] : memref<768xi32, #tpu.memory_space<vmem>> -> memref<96xi32, #tpu.memory_space<vmem>>
      %dma_start3A_739 = tpu.memref_slice %arg3[%add3A_736] : memref<640000xi32, #tpu.memory_space<hbm>> -> memref<96xi32, #tpu.memory_space<hbm>>
      %dma_start3A_740 = arith.constant 480 : i32
      %dma_start3A_741 = tpu.memref_slice %arg5[%dma_start3A_740] : memref<768xi32, #tpu.memory_space<vmem>> -> memref<96xi32, #tpu.memory_space<vmem>>
      %dma_start3A_742 = tpu.memref_slice %arg3[%add3A_736] : memref<640000xi32, #tpu.memory_space<hbm>> -> memref<96xi32, #tpu.memory_space<hbm>>
      tpu.enqueue_dma source(%dma_start3A_742 : memref<96xi32, #tpu.memory_space<hbm>>) target(%dma_start3A_741 : memref<96xi32, #tpu.memory_space<vmem>>) target_semaphore(%arg21 : memref<!tpu.dma_semaphore, #tpu.memory_space<semaphore_mem>>)
      %mul3A_743 = arith.constant 96 : i32
      %mul3A_744 = arith.muli %add3A_733, %mul3A_743 : i32
      %add3A_745 = arith.addi %mul3A_2, %mul3A_744 : i32
      %dma_start3A_746 = arith.constant 480 : i32
      %dma_start3A_747 = tpu.memref_slice %arg6[%dma_start3A_746] : memref<768xi32, #tpu.memory_space<vmem>> -> memref<96xi32, #tpu.memory_space<vmem>>
      %dma_start3A_748 = tpu.memref_slice %arg3[%add3A_745] : memref<640000xi32, #tpu.memory_space<hbm>> -> memref<96xi32, #tpu.memory_space<hbm>>
      %dma_start3A_749 = arith.constant 480 : i32
      %dma_start3A_750 = tpu.memref_slice %arg6[%dma_start3A_749] : memref<768xi32, #tpu.memory_space<vmem>> -> memref<96xi32, #tpu.memory_space<vmem>>
      %dma_start3A_751 = tpu.memref_slice %arg3[%add3A_745] : memref<640000xi32, #tpu.memory_space<hbm>> -> memref<96xi32, #tpu.memory_space<hbm>>
      tpu.enqueue_dma source(%dma_start3A_751 : memref<96xi32, #tpu.memory_space<hbm>>) target(%dma_start3A_750 : memref<96xi32, #tpu.memory_space<vmem>>) target_semaphore(%arg21 : memref<!tpu.dma_semaphore, #tpu.memory_space<semaphore_mem>>)
      %add3A_752 = arith.constant 6 : i32
      %add3A_753 = arith.addi %mul3A_439, %add3A_752 : i32
      %dma_wait3A_754 = arith.constant 576 : i32
      %dma_wait3A_755 = tpu.memref_slice %arg5[%dma_wait3A_754] : memref<768xi32, #tpu.memory_space<vmem>> -> memref<96xi32, #tpu.memory_space<vmem>>
      %dma_wait3A_756 = arith.constant 0 : i32
      %dma_wait3A_757 = arith.constant 0 : i32
      %dma_wait3A_758 = tpu.memref_slice %arg2[%dma_wait3A_756, %dma_wait3A_757] : memref<10000x128xf32, #tpu.memory_space<hbm>> -> memref<10000x128xf32, #tpu.memory_space<hbm>>
      tpu.wait_indirect_dma semaphore(%arg14 : memref<!tpu.dma_semaphore, #tpu.memory_space<semaphore_mem>>) src(%dma_wait3A_758 : memref<10000x128xf32, #tpu.memory_space<hbm>>) dst(%arg9 : memref<96x128xf32, #tpu.memory_space<vmem>>)
      "tpu.region"() ({
        %run_scoped3A = tpu.sem_alloc : memref<!tpu.dma_semaphore, #tpu.memory_space<semaphore_mem>>
        %dma_start3A_856 = arith.constant 576 : i32
        %dma_start3A_857 = tpu.memref_slice %arg6[%dma_start3A_856] : memref<768xi32, #tpu.memory_space<vmem>> -> memref<96xi32, #tpu.memory_space<vmem>>
        %dma_start3A_858 = arith.constant 0 : i32
        %dma_start3A_859 = arith.constant 0 : i32
        %dma_start3A_860 = tpu.memref_slice %arg11[%dma_start3A_858, %dma_start3A_859] : memref<10000x128xf32, #tpu.memory_space<vmem_shared>> -> memref<10000x128xf32, #tpu.memory_space<vmem_shared>>
        tpu.enqueue_indirect_dma source(%arg9 : memref<96x128xf32, #tpu.memory_space<vmem>>) target(%dma_start3A_860 : memref<10000x128xf32, #tpu.memory_space<vmem_shared>>) offsets(%dma_start3A_857 : memref<96xi32, #tpu.memory_space<vmem>>) semaphore(%run_scoped3A : memref<!tpu.dma_semaphore, #tpu.memory_space<semaphore_mem>>) {add = true}
        %dma_wait3A_861 = arith.constant 576 : i32
        %dma_wait3A_862 = tpu.memref_slice %arg6[%dma_wait3A_861] : memref<768xi32, #tpu.memory_space<vmem>> -> memref<96xi32, #tpu.memory_space<vmem>>
        %dma_wait3A_863 = arith.constant 0 : i32
        %dma_wait3A_864 = arith.constant 0 : i32
        %dma_wait3A_865 = tpu.memref_slice %arg11[%dma_wait3A_863, %dma_wait3A_864] : memref<10000x128xf32, #tpu.memory_space<vmem_shared>> -> memref<10000x128xf32, #tpu.memory_space<vmem_shared>>
        tpu.wait_indirect_dma semaphore(%run_scoped3A : memref<!tpu.dma_semaphore, #tpu.memory_space<semaphore_mem>>) src(%arg9 : memref<96x128xf32, #tpu.memory_space<vmem>>) dst(%dma_wait3A_865 : memref<10000x128xf32, #tpu.memory_space<vmem_shared>>)
        tpu.yield
      }) : () -> ()
      %add3A_759 = arith.constant 4 : i32
      %add3A_760 = arith.addi %add3A_753, %add3A_759 : i32
      %mul3A_761 = arith.constant 96 : i32
      %mul3A_762 = arith.muli %add3A_760, %mul3A_761 : i32
      %add3A_763 = arith.addi %add3A_6, %mul3A_762 : i32
      %dma_wait3A_764 = arith.constant 192 : i32
      %dma_wait3A_765 = tpu.memref_slice %arg5[%dma_wait3A_764] : memref<768xi32, #tpu.memory_space<vmem>> -> memref<96xi32, #tpu.memory_space<vmem>>
      %dma_wait3A_766 = tpu.memref_slice %arg3[%add3A_763] : memref<640000xi32, #tpu.memory_space<hbm>> -> memref<96xi32, #tpu.memory_space<hbm>>
      %dma_wait3A_767 = arith.constant 192 : i32
      %dma_wait3A_768 = tpu.memref_slice %arg5[%dma_wait3A_767] : memref<768xi32, #tpu.memory_space<vmem>> -> memref<96xi32, #tpu.memory_space<vmem>>
      %dma_wait3A_769 = tpu.memref_slice %arg3[%add3A_763] : memref<640000xi32, #tpu.memory_space<hbm>> -> memref<96xi32, #tpu.memory_space<hbm>>
      tpu.wait_dma2 semaphore(%arg18 : memref<!tpu.dma_semaphore, #tpu.memory_space<semaphore_mem>>) src(%dma_wait3A_769 : memref<96xi32, #tpu.memory_space<hbm>>) dst(%dma_wait3A_768 : memref<96xi32, #tpu.memory_space<vmem>>)
      %mul3A_770 = arith.constant 96 : i32
      %mul3A_771 = arith.muli %add3A_760, %mul3A_770 : i32
      %add3A_772 = arith.addi %mul3A_2, %mul3A_771 : i32
      %dma_wait3A_773 = arith.constant 192 : i32
      %dma_wait3A_774 = tpu.memref_slice %arg6[%dma_wait3A_773] : memref<768xi32, #tpu.memory_space<vmem>> -> memref<96xi32, #tpu.memory_space<vmem>>
      %dma_wait3A_775 = tpu.memref_slice %arg3[%add3A_772] : memref<640000xi32, #tpu.memory_space<hbm>> -> memref<96xi32, #tpu.memory_space<hbm>>
      %dma_wait3A_776 = arith.constant 192 : i32
      %dma_wait3A_777 = tpu.memref_slice %arg6[%dma_wait3A_776] : memref<768xi32, #tpu.memory_space<vmem>> -> memref<96xi32, #tpu.memory_space<vmem>>
      %dma_wait3A_778 = tpu.memref_slice %arg3[%add3A_772] : memref<640000xi32, #tpu.memory_space<hbm>> -> memref<96xi32, #tpu.memory_space<hbm>>
      tpu.wait_dma2 semaphore(%arg18 : memref<!tpu.dma_semaphore, #tpu.memory_space<semaphore_mem>>) src(%dma_wait3A_778 : memref<96xi32, #tpu.memory_space<hbm>>) dst(%dma_wait3A_777 : memref<96xi32, #tpu.memory_space<vmem>>)
      %dma_start3A_779 = arith.constant 192 : i32
      %dma_start3A_780 = tpu.memref_slice %arg5[%dma_start3A_779] : memref<768xi32, #tpu.memory_space<vmem>> -> memref<96xi32, #tpu.memory_space<vmem>>
      %dma_start3A_781 = arith.constant 0 : i32
      %dma_start3A_782 = arith.constant 0 : i32
      %dma_start3A_783 = tpu.memref_slice %arg2[%dma_start3A_781, %dma_start3A_782] : memref<10000x128xf32, #tpu.memory_space<hbm>> -> memref<10000x128xf32, #tpu.memory_space<hbm>>
      tpu.enqueue_indirect_dma source(%dma_start3A_783 : memref<10000x128xf32, #tpu.memory_space<hbm>>) target(%arg9 : memref<96x128xf32, #tpu.memory_space<vmem>>) offsets(%dma_start3A_780 : memref<96xi32, #tpu.memory_space<vmem>>) semaphore(%arg14 : memref<!tpu.dma_semaphore, #tpu.memory_space<semaphore_mem>>)
      %add3A_784 = arith.constant 8 : i32
      %add3A_785 = arith.addi %add3A_753, %add3A_784 : i32
      %mul3A_786 = arith.constant 96 : i32
      %mul3A_787 = arith.muli %add3A_785, %mul3A_786 : i32
      %add3A_788 = arith.addi %add3A_6, %mul3A_787 : i32
      %dma_start3A_789 = arith.constant 576 : i32
      %dma_start3A_790 = tpu.memref_slice %arg5[%dma_start3A_789] : memref<768xi32, #tpu.memory_space<vmem>> -> memref<96xi32, #tpu.memory_space<vmem>>
      %dma_start3A_791 = tpu.memref_slice %arg3[%add3A_788] : memref<640000xi32, #tpu.memory_space<hbm>> -> memref<96xi32, #tpu.memory_space<hbm>>
      %dma_start3A_792 = arith.constant 576 : i32
      %dma_start3A_793 = tpu.memref_slice %arg5[%dma_start3A_792] : memref<768xi32, #tpu.memory_space<vmem>> -> memref<96xi32, #tpu.memory_space<vmem>>
      %dma_start3A_794 = tpu.memref_slice %arg3[%add3A_788] : memref<640000xi32, #tpu.memory_space<hbm>> -> memref<96xi32, #tpu.memory_space<hbm>>
      tpu.enqueue_dma source(%dma_start3A_794 : memref<96xi32, #tpu.memory_space<hbm>>) target(%dma_start3A_793 : memref<96xi32, #tpu.memory_space<vmem>>) target_semaphore(%arg22 : memref<!tpu.dma_semaphore, #tpu.memory_space<semaphore_mem>>)
      %mul3A_795 = arith.constant 96 : i32
      %mul3A_796 = arith.muli %add3A_785, %mul3A_795 : i32
      %add3A_797 = arith.addi %mul3A_2, %mul3A_796 : i32
      %dma_start3A_798 = arith.constant 576 : i32
      %dma_start3A_799 = tpu.memref_slice %arg6[%dma_start3A_798] : memref<768xi32, #tpu.memory_space<vmem>> -> memref<96xi32, #tpu.memory_space<vmem>>
      %dma_start3A_800 = tpu.memref_slice %arg3[%add3A_797] : memref<640000xi32, #tpu.memory_space<hbm>> -> memref<96xi32, #tpu.memory_space<hbm>>
      %dma_start3A_801 = arith.constant 576 : i32
      %dma_start3A_802 = tpu.memref_slice %arg6[%dma_start3A_801] : memref<768xi32, #tpu.memory_space<vmem>> -> memref<96xi32, #tpu.memory_space<vmem>>
      %dma_start3A_803 = tpu.memref_slice %arg3[%add3A_797] : memref<640000xi32, #tpu.memory_space<hbm>> -> memref<96xi32, #tpu.memory_space<hbm>>
      tpu.enqueue_dma source(%dma_start3A_803 : memref<96xi32, #tpu.memory_space<hbm>>) target(%dma_start3A_802 : memref<96xi32, #tpu.memory_space<vmem>>) target_semaphore(%arg22 : memref<!tpu.dma_semaphore, #tpu.memory_space<semaphore_mem>>)
      %add3A_804 = arith.constant 7 : i32
      %add3A_805 = arith.addi %mul3A_439, %add3A_804 : i32
      %dma_wait3A_806 = arith.constant 672 : i32
      %dma_wait3A_807 = tpu.memref_slice %arg5[%dma_wait3A_806] : memref<768xi32, #tpu.memory_space<vmem>> -> memref<96xi32, #tpu.memory_space<vmem>>
      %dma_wait3A_808 = arith.constant 0 : i32
      %dma_wait3A_809 = arith.constant 0 : i32
      %dma_wait3A_810 = tpu.memref_slice %arg2[%dma_wait3A_808, %dma_wait3A_809] : memref<10000x128xf32, #tpu.memory_space<hbm>> -> memref<10000x128xf32, #tpu.memory_space<hbm>>
      tpu.wait_indirect_dma semaphore(%arg15 : memref<!tpu.dma_semaphore, #tpu.memory_space<semaphore_mem>>) src(%dma_wait3A_810 : memref<10000x128xf32, #tpu.memory_space<hbm>>) dst(%arg10 : memref<96x128xf32, #tpu.memory_space<vmem>>)
      "tpu.region"() ({
        %run_scoped3A = tpu.sem_alloc : memref<!tpu.dma_semaphore, #tpu.memory_space<semaphore_mem>>
        %dma_start3A_856 = arith.constant 672 : i32
        %dma_start3A_857 = tpu.memref_slice %arg6[%dma_start3A_856] : memref<768xi32, #tpu.memory_space<vmem>> -> memref<96xi32, #tpu.memory_space<vmem>>
        %dma_start3A_858 = arith.constant 0 : i32
        %dma_start3A_859 = arith.constant 0 : i32
        %dma_start3A_860 = tpu.memref_slice %arg11[%dma_start3A_858, %dma_start3A_859] : memref<10000x128xf32, #tpu.memory_space<vmem_shared>> -> memref<10000x128xf32, #tpu.memory_space<vmem_shared>>
        tpu.enqueue_indirect_dma source(%arg10 : memref<96x128xf32, #tpu.memory_space<vmem>>) target(%dma_start3A_860 : memref<10000x128xf32, #tpu.memory_space<vmem_shared>>) offsets(%dma_start3A_857 : memref<96xi32, #tpu.memory_space<vmem>>) semaphore(%run_scoped3A : memref<!tpu.dma_semaphore, #tpu.memory_space<semaphore_mem>>) {add = true}
        %dma_wait3A_861 = arith.constant 672 : i32
        %dma_wait3A_862 = tpu.memref_slice %arg6[%dma_wait3A_861] : memref<768xi32, #tpu.memory_space<vmem>> -> memref<96xi32, #tpu.memory_space<vmem>>
        %dma_wait3A_863 = arith.constant 0 : i32
        %dma_wait3A_864 = arith.constant 0 : i32
        %dma_wait3A_865 = tpu.memref_slice %arg11[%dma_wait3A_863, %dma_wait3A_864] : memref<10000x128xf32, #tpu.memory_space<vmem_shared>> -> memref<10000x128xf32, #tpu.memory_space<vmem_shared>>
        tpu.wait_indirect_dma semaphore(%run_scoped3A : memref<!tpu.dma_semaphore, #tpu.memory_space<semaphore_mem>>) src(%arg10 : memref<96x128xf32, #tpu.memory_space<vmem>>) dst(%dma_wait3A_865 : memref<10000x128xf32, #tpu.memory_space<vmem_shared>>)
        tpu.yield
      }) : () -> ()
      %add3A_811 = arith.constant 4 : i32
      %add3A_812 = arith.addi %add3A_805, %add3A_811 : i32
      %mul3A_813 = arith.constant 96 : i32
      %mul3A_814 = arith.muli %add3A_812, %mul3A_813 : i32
      %add3A_815 = arith.addi %add3A_6, %mul3A_814 : i32
      %dma_wait3A_816 = arith.constant 288 : i32
      %dma_wait3A_817 = tpu.memref_slice %arg5[%dma_wait3A_816] : memref<768xi32, #tpu.memory_space<vmem>> -> memref<96xi32, #tpu.memory_space<vmem>>
      %dma_wait3A_818 = tpu.memref_slice %arg3[%add3A_815] : memref<640000xi32, #tpu.memory_space<hbm>> -> memref<96xi32, #tpu.memory_space<hbm>>
      %dma_wait3A_819 = arith.constant 288 : i32
      %dma_wait3A_820 = tpu.memref_slice %arg5[%dma_wait3A_819] : memref<768xi32, #tpu.memory_space<vmem>> -> memref<96xi32, #tpu.memory_space<vmem>>
      %dma_wait3A_821 = tpu.memref_slice %arg3[%add3A_815] : memref<640000xi32, #tpu.memory_space<hbm>> -> memref<96xi32, #tpu.memory_space<hbm>>
      tpu.wait_dma2 semaphore(%arg19 : memref<!tpu.dma_semaphore, #tpu.memory_space<semaphore_mem>>) src(%dma_wait3A_821 : memref<96xi32, #tpu.memory_space<hbm>>) dst(%dma_wait3A_820 : memref<96xi32, #tpu.memory_space<vmem>>)
      %mul3A_822 = arith.constant 96 : i32
      %mul3A_823 = arith.muli %add3A_812, %mul3A_822 : i32
      %add3A_824 = arith.addi %mul3A_2, %mul3A_823 : i32
      %dma_wait3A_825 = arith.constant 288 : i32
      %dma_wait3A_826 = tpu.memref_slice %arg6[%dma_wait3A_825] : memref<768xi32, #tpu.memory_space<vmem>> -> memref<96xi32, #tpu.memory_space<vmem>>
      %dma_wait3A_827 = tpu.memref_slice %arg3[%add3A_824] : memref<640000xi32, #tpu.memory_space<hbm>> -> memref<96xi32, #tpu.memory_space<hbm>>
      %dma_wait3A_828 = arith.constant 288 : i32
      %dma_wait3A_829 = tpu.memref_slice %arg6[%dma_wait3A_828] : memref<768xi32, #tpu.memory_space<vmem>> -> memref<96xi32, #tpu.memory_space<vmem>>
      %dma_wait3A_830 = tpu.memref_slice %arg3[%add3A_824] : memref<640000xi32, #tpu.memory_space<hbm>> -> memref<96xi32, #tpu.memory_space<hbm>>
      tpu.wait_dma2 semaphore(%arg19 : memref<!tpu.dma_semaphore, #tpu.memory_space<semaphore_mem>>) src(%dma_wait3A_830 : memref<96xi32, #tpu.memory_space<hbm>>) dst(%dma_wait3A_829 : memref<96xi32, #tpu.memory_space<vmem>>)
      %dma_start3A_831 = arith.constant 288 : i32
      %dma_start3A_832 = tpu.memref_slice %arg5[%dma_start3A_831] : memref<768xi32, #tpu.memory_space<vmem>> -> memref<96xi32, #tpu.memory_space<vmem>>
      %dma_start3A_833 = arith.constant 0 : i32
      %dma_start3A_834 = arith.constant 0 : i32
      %dma_start3A_835 = tpu.memref_slice %arg2[%dma_start3A_833, %dma_start3A_834] : memref<10000x128xf32, #tpu.memory_space<hbm>> -> memref<10000x128xf32, #tpu.memory_space<hbm>>
      tpu.enqueue_indirect_dma source(%dma_start3A_835 : memref<10000x128xf32, #tpu.memory_space<hbm>>) target(%arg10 : memref<96x128xf32, #tpu.memory_space<vmem>>) offsets(%dma_start3A_832 : memref<96xi32, #tpu.memory_space<vmem>>) semaphore(%arg15 : memref<!tpu.dma_semaphore, #tpu.memory_space<semaphore_mem>>)
      %add3A_836 = arith.constant 8 : i32
      %add3A_837 = arith.addi %add3A_805, %add3A_836 : i32
      %mul3A_838 = arith.constant 96 : i32
      %mul3A_839 = arith.muli %add3A_837, %mul3A_838 : i32
      %add3A_840 = arith.addi %add3A_6, %mul3A_839 : i32
      %dma_start3A_841 = arith.constant 672 : i32
      %dma_start3A_842 = tpu.memref_slice %arg5[%dma_start3A_841] : memref<768xi32, #tpu.memory_space<vmem>> -> memref<96xi32, #tpu.memory_space<vmem>>
      %dma_start3A_843 = tpu.memref_slice %arg3[%add3A_840] : memref<640000xi32, #tpu.memory_space<hbm>> -> memref<96xi32, #tpu.memory_space<hbm>>
      %dma_start3A_844 = arith.constant 672 : i32
      %dma_start3A_845 = tpu.memref_slice %arg5[%dma_start3A_844] : memref<768xi32, #tpu.memory_space<vmem>> -> memref<96xi32, #tpu.memory_space<vmem>>
      %dma_start3A_846 = tpu.memref_slice %arg3[%add3A_840] : memref<640000xi32, #tpu.memory_space<hbm>> -> memref<96xi32, #tpu.memory_space<hbm>>
      tpu.enqueue_dma source(%dma_start3A_846 : memref<96xi32, #tpu.memory_space<hbm>>) target(%dma_start3A_845 : memref<96xi32, #tpu.memory_space<vmem>>) target_semaphore(%arg23 : memref<!tpu.dma_semaphore, #tpu.memory_space<semaphore_mem>>)
      %mul3A_847 = arith.constant 96 : i32
      %mul3A_848 = arith.muli %add3A_837, %mul3A_847 : i32
      %add3A_849 = arith.addi %mul3A_2, %mul3A_848 : i32
      %dma_start3A_850 = arith.constant 672 : i32
      %dma_start3A_851 = tpu.memref_slice %arg6[%dma_start3A_850] : memref<768xi32, #tpu.memory_space<vmem>> -> memref<96xi32, #tpu.memory_space<vmem>>
      %dma_start3A_852 = tpu.memref_slice %arg3[%add3A_849] : memref<640000xi32, #tpu.memory_space<hbm>> -> memref<96xi32, #tpu.memory_space<hbm>>
      %dma_start3A_853 = arith.constant 672 : i32
      %dma_start3A_854 = tpu.memref_slice %arg6[%dma_start3A_853] : memref<768xi32, #tpu.memory_space<vmem>> -> memref<96xi32, #tpu.memory_space<vmem>>
      %dma_start3A_855 = tpu.memref_slice %arg3[%add3A_849] : memref<640000xi32, #tpu.memory_space<hbm>> -> memref<96xi32, #tpu.memory_space<hbm>>
      tpu.enqueue_dma source(%dma_start3A_855 : memref<96xi32, #tpu.memory_space<hbm>>) target(%dma_start3A_854 : memref<96xi32, #tpu.memory_space<vmem>>) target_semaphore(%arg23 : memref<!tpu.dma_semaphore, #tpu.memory_space<semaphore_mem>>)
    }
    %scan3A_302 = arith.constant 12 : i32
    %dma_wait3A_303 = arith.constant 0 : i32
    %dma_wait3A_304 = tpu.memref_slice %arg5[%dma_wait3A_303] : memref<768xi32, #tpu.memory_space<vmem>> -> memref<96xi32, #tpu.memory_space<vmem>>
    %dma_wait3A_305 = arith.constant 0 : i32
    %dma_wait3A_306 = arith.constant 0 : i32
    %dma_wait3A_307 = tpu.memref_slice %arg2[%dma_wait3A_305, %dma_wait3A_306] : memref<10000x128xf32, #tpu.memory_space<hbm>> -> memref<10000x128xf32, #tpu.memory_space<hbm>>
    tpu.wait_indirect_dma semaphore(%arg12 : memref<!tpu.dma_semaphore, #tpu.memory_space<semaphore_mem>>) src(%dma_wait3A_307 : memref<10000x128xf32, #tpu.memory_space<hbm>>) dst(%arg7 : memref<96x128xf32, #tpu.memory_space<vmem>>)
    "tpu.region"() ({
      %run_scoped3A = tpu.sem_alloc : memref<!tpu.dma_semaphore, #tpu.memory_space<semaphore_mem>>
      %dma_start3A_437 = arith.constant 0 : i32
      %dma_start3A_438 = tpu.memref_slice %arg6[%dma_start3A_437] : memref<768xi32, #tpu.memory_space<vmem>> -> memref<96xi32, #tpu.memory_space<vmem>>
      %dma_start3A_439 = arith.constant 0 : i32
      %dma_start3A_440 = arith.constant 0 : i32
      %dma_start3A_441 = tpu.memref_slice %arg11[%dma_start3A_439, %dma_start3A_440] : memref<10000x128xf32, #tpu.memory_space<vmem_shared>> -> memref<10000x128xf32, #tpu.memory_space<vmem_shared>>
      tpu.enqueue_indirect_dma source(%arg7 : memref<96x128xf32, #tpu.memory_space<vmem>>) target(%dma_start3A_441 : memref<10000x128xf32, #tpu.memory_space<vmem_shared>>) offsets(%dma_start3A_438 : memref<96xi32, #tpu.memory_space<vmem>>) semaphore(%run_scoped3A : memref<!tpu.dma_semaphore, #tpu.memory_space<semaphore_mem>>) {add = true}
      %dma_wait3A_442 = arith.constant 0 : i32
      %dma_wait3A_443 = tpu.memref_slice %arg6[%dma_wait3A_442] : memref<768xi32, #tpu.memory_space<vmem>> -> memref<96xi32, #tpu.memory_space<vmem>>
      %dma_wait3A_444 = arith.constant 0 : i32
      %dma_wait3A_445 = arith.constant 0 : i32
      %dma_wait3A_446 = tpu.memref_slice %arg11[%dma_wait3A_444, %dma_wait3A_445] : memref<10000x128xf32, #tpu.memory_space<vmem_shared>> -> memref<10000x128xf32, #tpu.memory_space<vmem_shared>>
      tpu.wait_indirect_dma semaphore(%run_scoped3A : memref<!tpu.dma_semaphore, #tpu.memory_space<semaphore_mem>>) src(%arg7 : memref<96x128xf32, #tpu.memory_space<vmem>>) dst(%dma_wait3A_446 : memref<10000x128xf32, #tpu.memory_space<vmem_shared>>)
      tpu.yield
    }) : () -> ()
    %add3A_308 = arith.constant 9600 : i32
    %add3A_309 = arith.addi %add3A_6, %add3A_308 : i32
    %dma_wait3A_310 = arith.constant 384 : i32
    %dma_wait3A_311 = tpu.memref_slice %arg5[%dma_wait3A_310] : memref<768xi32, #tpu.memory_space<vmem>> -> memref<96xi32, #tpu.memory_space<vmem>>
    %dma_wait3A_312 = tpu.memref_slice %arg3[%add3A_309] : memref<640000xi32, #tpu.memory_space<hbm>> -> memref<96xi32, #tpu.memory_space<hbm>>
    %dma_wait3A_313 = arith.constant 384 : i32
    %dma_wait3A_314 = tpu.memref_slice %arg5[%dma_wait3A_313] : memref<768xi32, #tpu.memory_space<vmem>> -> memref<96xi32, #tpu.memory_space<vmem>>
    %dma_wait3A_315 = tpu.memref_slice %arg3[%add3A_309] : memref<640000xi32, #tpu.memory_space<hbm>> -> memref<96xi32, #tpu.memory_space<hbm>>
    tpu.wait_dma2 semaphore(%arg20 : memref<!tpu.dma_semaphore, #tpu.memory_space<semaphore_mem>>) src(%dma_wait3A_315 : memref<96xi32, #tpu.memory_space<hbm>>) dst(%dma_wait3A_314 : memref<96xi32, #tpu.memory_space<vmem>>)
    %add3A_316 = arith.constant 9600 : i32
    %add3A_317 = arith.addi %mul3A_2, %add3A_316 : i32
    %dma_wait3A_318 = arith.constant 384 : i32
    %dma_wait3A_319 = tpu.memref_slice %arg6[%dma_wait3A_318] : memref<768xi32, #tpu.memory_space<vmem>> -> memref<96xi32, #tpu.memory_space<vmem>>
    %dma_wait3A_320 = tpu.memref_slice %arg3[%add3A_317] : memref<640000xi32, #tpu.memory_space<hbm>> -> memref<96xi32, #tpu.memory_space<hbm>>
    %dma_wait3A_321 = arith.constant 384 : i32
    %dma_wait3A_322 = tpu.memref_slice %arg6[%dma_wait3A_321] : memref<768xi32, #tpu.memory_space<vmem>> -> memref<96xi32, #tpu.memory_space<vmem>>
    %dma_wait3A_323 = tpu.memref_slice %arg3[%add3A_317] : memref<640000xi32, #tpu.memory_space<hbm>> -> memref<96xi32, #tpu.memory_space<hbm>>
    tpu.wait_dma2 semaphore(%arg20 : memref<!tpu.dma_semaphore, #tpu.memory_space<semaphore_mem>>) src(%dma_wait3A_323 : memref<96xi32, #tpu.memory_space<hbm>>) dst(%dma_wait3A_322 : memref<96xi32, #tpu.memory_space<vmem>>)
    %dma_start3A_324 = arith.constant 384 : i32
    %dma_start3A_325 = tpu.memref_slice %arg5[%dma_start3A_324] : memref<768xi32, #tpu.memory_space<vmem>> -> memref<96xi32, #tpu.memory_space<vmem>>
    %dma_start3A_326 = arith.constant 0 : i32
    %dma_start3A_327 = arith.constant 0 : i32
    %dma_start3A_328 = tpu.memref_slice %arg2[%dma_start3A_326, %dma_start3A_327] : memref<10000x128xf32, #tpu.memory_space<hbm>> -> memref<10000x128xf32, #tpu.memory_space<hbm>>
    tpu.enqueue_indirect_dma source(%dma_start3A_328 : memref<10000x128xf32, #tpu.memory_space<hbm>>) target(%arg7 : memref<96x128xf32, #tpu.memory_space<vmem>>) offsets(%dma_start3A_325 : memref<96xi32, #tpu.memory_space<vmem>>) semaphore(%arg12 : memref<!tpu.dma_semaphore, #tpu.memory_space<semaphore_mem>>)
    %dma_wait3A_329 = arith.constant 96 : i32
    %dma_wait3A_330 = tpu.memref_slice %arg5[%dma_wait3A_329] : memref<768xi32, #tpu.memory_space<vmem>> -> memref<96xi32, #tpu.memory_space<vmem>>
    %dma_wait3A_331 = arith.constant 0 : i32
    %dma_wait3A_332 = arith.constant 0 : i32
    %dma_wait3A_333 = tpu.memref_slice %arg2[%dma_wait3A_331, %dma_wait3A_332] : memref<10000x128xf32, #tpu.memory_space<hbm>> -> memref<10000x128xf32, #tpu.memory_space<hbm>>
    tpu.wait_indirect_dma semaphore(%arg13 : memref<!tpu.dma_semaphore, #tpu.memory_space<semaphore_mem>>) src(%dma_wait3A_333 : memref<10000x128xf32, #tpu.memory_space<hbm>>) dst(%arg8 : memref<96x128xf32, #tpu.memory_space<vmem>>)
    "tpu.region"() ({
      %run_scoped3A = tpu.sem_alloc : memref<!tpu.dma_semaphore, #tpu.memory_space<semaphore_mem>>
      %dma_start3A_437 = arith.constant 96 : i32
      %dma_start3A_438 = tpu.memref_slice %arg6[%dma_start3A_437] : memref<768xi32, #tpu.memory_space<vmem>> -> memref<96xi32, #tpu.memory_space<vmem>>
      %dma_start3A_439 = arith.constant 0 : i32
      %dma_start3A_440 = arith.constant 0 : i32
      %dma_start3A_441 = tpu.memref_slice %arg11[%dma_start3A_439, %dma_start3A_440] : memref<10000x128xf32, #tpu.memory_space<vmem_shared>> -> memref<10000x128xf32, #tpu.memory_space<vmem_shared>>
      tpu.enqueue_indirect_dma source(%arg8 : memref<96x128xf32, #tpu.memory_space<vmem>>) target(%dma_start3A_441 : memref<10000x128xf32, #tpu.memory_space<vmem_shared>>) offsets(%dma_start3A_438 : memref<96xi32, #tpu.memory_space<vmem>>) semaphore(%run_scoped3A : memref<!tpu.dma_semaphore, #tpu.memory_space<semaphore_mem>>) {add = true}
      %dma_wait3A_442 = arith.constant 96 : i32
      %dma_wait3A_443 = tpu.memref_slice %arg6[%dma_wait3A_442] : memref<768xi32, #tpu.memory_space<vmem>> -> memref<96xi32, #tpu.memory_space<vmem>>
      %dma_wait3A_444 = arith.constant 0 : i32
      %dma_wait3A_445 = arith.constant 0 : i32
      %dma_wait3A_446 = tpu.memref_slice %arg11[%dma_wait3A_444, %dma_wait3A_445] : memref<10000x128xf32, #tpu.memory_space<vmem_shared>> -> memref<10000x128xf32, #tpu.memory_space<vmem_shared>>
      tpu.wait_indirect_dma semaphore(%run_scoped3A : memref<!tpu.dma_semaphore, #tpu.memory_space<semaphore_mem>>) src(%arg8 : memref<96x128xf32, #tpu.memory_space<vmem>>) dst(%dma_wait3A_446 : memref<10000x128xf32, #tpu.memory_space<vmem_shared>>)
      tpu.yield
    }) : () -> ()
    %add3A_334 = arith.constant 9696 : i32
    %add3A_335 = arith.addi %add3A_6, %add3A_334 : i32
    %dma_wait3A_336 = arith.constant 480 : i32
    %dma_wait3A_337 = tpu.memref_slice %arg5[%dma_wait3A_336] : memref<768xi32, #tpu.memory_space<vmem>> -> memref<96xi32, #tpu.memory_space<vmem>>
    %dma_wait3A_338 = tpu.memref_slice %arg3[%add3A_335] : memref<640000xi32, #tpu.memory_space<hbm>> -> memref<96xi32, #tpu.memory_space<hbm>>
    %dma_wait3A_339 = arith.constant 480 : i32
    %dma_wait3A_340 = tpu.memref_slice %arg5[%dma_wait3A_339] : memref<768xi32, #tpu.memory_space<vmem>> -> memref<96xi32, #tpu.memory_space<vmem>>
    %dma_wait3A_341 = tpu.memref_slice %arg3[%add3A_335] : memref<640000xi32, #tpu.memory_space<hbm>> -> memref<96xi32, #tpu.memory_space<hbm>>
    tpu.wait_dma2 semaphore(%arg21 : memref<!tpu.dma_semaphore, #tpu.memory_space<semaphore_mem>>) src(%dma_wait3A_341 : memref<96xi32, #tpu.memory_space<hbm>>) dst(%dma_wait3A_340 : memref<96xi32, #tpu.memory_space<vmem>>)
    %add3A_342 = arith.constant 9696 : i32
    %add3A_343 = arith.addi %mul3A_2, %add3A_342 : i32
    %dma_wait3A_344 = arith.constant 480 : i32
    %dma_wait3A_345 = tpu.memref_slice %arg6[%dma_wait3A_344] : memref<768xi32, #tpu.memory_space<vmem>> -> memref<96xi32, #tpu.memory_space<vmem>>
    %dma_wait3A_346 = tpu.memref_slice %arg3[%add3A_343] : memref<640000xi32, #tpu.memory_space<hbm>> -> memref<96xi32, #tpu.memory_space<hbm>>
    %dma_wait3A_347 = arith.constant 480 : i32
    %dma_wait3A_348 = tpu.memref_slice %arg6[%dma_wait3A_347] : memref<768xi32, #tpu.memory_space<vmem>> -> memref<96xi32, #tpu.memory_space<vmem>>
    %dma_wait3A_349 = tpu.memref_slice %arg3[%add3A_343] : memref<640000xi32, #tpu.memory_space<hbm>> -> memref<96xi32, #tpu.memory_space<hbm>>
    tpu.wait_dma2 semaphore(%arg21 : memref<!tpu.dma_semaphore, #tpu.memory_space<semaphore_mem>>) src(%dma_wait3A_349 : memref<96xi32, #tpu.memory_space<hbm>>) dst(%dma_wait3A_348 : memref<96xi32, #tpu.memory_space<vmem>>)
    %dma_start3A_350 = arith.constant 480 : i32
    %dma_start3A_351 = tpu.memref_slice %arg5[%dma_start3A_350] : memref<768xi32, #tpu.memory_space<vmem>> -> memref<96xi32, #tpu.memory_space<vmem>>
    %dma_start3A_352 = arith.constant 0 : i32
    %dma_start3A_353 = arith.constant 0 : i32
    %dma_start3A_354 = tpu.memref_slice %arg2[%dma_start3A_352, %dma_start3A_353] : memref<10000x128xf32, #tpu.memory_space<hbm>> -> memref<10000x128xf32, #tpu.memory_space<hbm>>
    tpu.enqueue_indirect_dma source(%dma_start3A_354 : memref<10000x128xf32, #tpu.memory_space<hbm>>) target(%arg8 : memref<96x128xf32, #tpu.memory_space<vmem>>) offsets(%dma_start3A_351 : memref<96xi32, #tpu.memory_space<vmem>>) semaphore(%arg13 : memref<!tpu.dma_semaphore, #tpu.memory_space<semaphore_mem>>)
    %dma_wait3A_355 = arith.constant 192 : i32
    %dma_wait3A_356 = tpu.memref_slice %arg5[%dma_wait3A_355] : memref<768xi32, #tpu.memory_space<vmem>> -> memref<96xi32, #tpu.memory_space<vmem>>
    %dma_wait3A_357 = arith.constant 0 : i32
    %dma_wait3A_358 = arith.constant 0 : i32
    %dma_wait3A_359 = tpu.memref_slice %arg2[%dma_wait3A_357, %dma_wait3A_358] : memref<10000x128xf32, #tpu.memory_space<hbm>> -> memref<10000x128xf32, #tpu.memory_space<hbm>>
    tpu.wait_indirect_dma semaphore(%arg14 : memref<!tpu.dma_semaphore, #tpu.memory_space<semaphore_mem>>) src(%dma_wait3A_359 : memref<10000x128xf32, #tpu.memory_space<hbm>>) dst(%arg9 : memref<96x128xf32, #tpu.memory_space<vmem>>)
    "tpu.region"() ({
      %run_scoped3A = tpu.sem_alloc : memref<!tpu.dma_semaphore, #tpu.memory_space<semaphore_mem>>
      %dma_start3A_437 = arith.constant 192 : i32
      %dma_start3A_438 = tpu.memref_slice %arg6[%dma_start3A_437] : memref<768xi32, #tpu.memory_space<vmem>> -> memref<96xi32, #tpu.memory_space<vmem>>
      %dma_start3A_439 = arith.constant 0 : i32
      %dma_start3A_440 = arith.constant 0 : i32
      %dma_start3A_441 = tpu.memref_slice %arg11[%dma_start3A_439, %dma_start3A_440] : memref<10000x128xf32, #tpu.memory_space<vmem_shared>> -> memref<10000x128xf32, #tpu.memory_space<vmem_shared>>
      tpu.enqueue_indirect_dma source(%arg9 : memref<96x128xf32, #tpu.memory_space<vmem>>) target(%dma_start3A_441 : memref<10000x128xf32, #tpu.memory_space<vmem_shared>>) offsets(%dma_start3A_438 : memref<96xi32, #tpu.memory_space<vmem>>) semaphore(%run_scoped3A : memref<!tpu.dma_semaphore, #tpu.memory_space<semaphore_mem>>) {add = true}
      %dma_wait3A_442 = arith.constant 192 : i32
      %dma_wait3A_443 = tpu.memref_slice %arg6[%dma_wait3A_442] : memref<768xi32, #tpu.memory_space<vmem>> -> memref<96xi32, #tpu.memory_space<vmem>>
      %dma_wait3A_444 = arith.constant 0 : i32
      %dma_wait3A_445 = arith.constant 0 : i32
      %dma_wait3A_446 = tpu.memref_slice %arg11[%dma_wait3A_444, %dma_wait3A_445] : memref<10000x128xf32, #tpu.memory_space<vmem_shared>> -> memref<10000x128xf32, #tpu.memory_space<vmem_shared>>
      tpu.wait_indirect_dma semaphore(%run_scoped3A : memref<!tpu.dma_semaphore, #tpu.memory_space<semaphore_mem>>) src(%arg9 : memref<96x128xf32, #tpu.memory_space<vmem>>) dst(%dma_wait3A_446 : memref<10000x128xf32, #tpu.memory_space<vmem_shared>>)
      tpu.yield
    }) : () -> ()
    %add3A_360 = arith.constant 9792 : i32
    %add3A_361 = arith.addi %add3A_6, %add3A_360 : i32
    %dma_wait3A_362 = arith.constant 576 : i32
    %dma_wait3A_363 = tpu.memref_slice %arg5[%dma_wait3A_362] : memref<768xi32, #tpu.memory_space<vmem>> -> memref<96xi32, #tpu.memory_space<vmem>>
    %dma_wait3A_364 = tpu.memref_slice %arg3[%add3A_361] : memref<640000xi32, #tpu.memory_space<hbm>> -> memref<96xi32, #tpu.memory_space<hbm>>
    %dma_wait3A_365 = arith.constant 576 : i32
    %dma_wait3A_366 = tpu.memref_slice %arg5[%dma_wait3A_365] : memref<768xi32, #tpu.memory_space<vmem>> -> memref<96xi32, #tpu.memory_space<vmem>>
    %dma_wait3A_367 = tpu.memref_slice %arg3[%add3A_361] : memref<640000xi32, #tpu.memory_space<hbm>> -> memref<96xi32, #tpu.memory_space<hbm>>
    tpu.wait_dma2 semaphore(%arg22 : memref<!tpu.dma_semaphore, #tpu.memory_space<semaphore_mem>>) src(%dma_wait3A_367 : memref<96xi32, #tpu.memory_space<hbm>>) dst(%dma_wait3A_366 : memref<96xi32, #tpu.memory_space<vmem>>)
    %add3A_368 = arith.constant 9792 : i32
    %add3A_369 = arith.addi %mul3A_2, %add3A_368 : i32
    %dma_wait3A_370 = arith.constant 576 : i32
    %dma_wait3A_371 = tpu.memref_slice %arg6[%dma_wait3A_370] : memref<768xi32, #tpu.memory_space<vmem>> -> memref<96xi32, #tpu.memory_space<vmem>>
    %dma_wait3A_372 = tpu.memref_slice %arg3[%add3A_369] : memref<640000xi32, #tpu.memory_space<hbm>> -> memref<96xi32, #tpu.memory_space<hbm>>
    %dma_wait3A_373 = arith.constant 576 : i32
    %dma_wait3A_374 = tpu.memref_slice %arg6[%dma_wait3A_373] : memref<768xi32, #tpu.memory_space<vmem>> -> memref<96xi32, #tpu.memory_space<vmem>>
    %dma_wait3A_375 = tpu.memref_slice %arg3[%add3A_369] : memref<640000xi32, #tpu.memory_space<hbm>> -> memref<96xi32, #tpu.memory_space<hbm>>
    tpu.wait_dma2 semaphore(%arg22 : memref<!tpu.dma_semaphore, #tpu.memory_space<semaphore_mem>>) src(%dma_wait3A_375 : memref<96xi32, #tpu.memory_space<hbm>>) dst(%dma_wait3A_374 : memref<96xi32, #tpu.memory_space<vmem>>)
    %dma_start3A_376 = arith.constant 576 : i32
    %dma_start3A_377 = tpu.memref_slice %arg5[%dma_start3A_376] : memref<768xi32, #tpu.memory_space<vmem>> -> memref<96xi32, #tpu.memory_space<vmem>>
    %dma_start3A_378 = arith.constant 0 : i32
    %dma_start3A_379 = arith.constant 0 : i32
    %dma_start3A_380 = tpu.memref_slice %arg2[%dma_start3A_378, %dma_start3A_379] : memref<10000x128xf32, #tpu.memory_space<hbm>> -> memref<10000x128xf32, #tpu.memory_space<hbm>>
    tpu.enqueue_indirect_dma source(%dma_start3A_380 : memref<10000x128xf32, #tpu.memory_space<hbm>>) target(%arg9 : memref<96x128xf32, #tpu.memory_space<vmem>>) offsets(%dma_start3A_377 : memref<96xi32, #tpu.memory_space<vmem>>) semaphore(%arg14 : memref<!tpu.dma_semaphore, #tpu.memory_space<semaphore_mem>>)
    %dma_wait3A_381 = arith.constant 288 : i32
    %dma_wait3A_382 = tpu.memref_slice %arg5[%dma_wait3A_381] : memref<768xi32, #tpu.memory_space<vmem>> -> memref<96xi32, #tpu.memory_space<vmem>>
    %dma_wait3A_383 = arith.constant 0 : i32
    %dma_wait3A_384 = arith.constant 0 : i32
    %dma_wait3A_385 = tpu.memref_slice %arg2[%dma_wait3A_383, %dma_wait3A_384] : memref<10000x128xf32, #tpu.memory_space<hbm>> -> memref<10000x128xf32, #tpu.memory_space<hbm>>
    tpu.wait_indirect_dma semaphore(%arg15 : memref<!tpu.dma_semaphore, #tpu.memory_space<semaphore_mem>>) src(%dma_wait3A_385 : memref<10000x128xf32, #tpu.memory_space<hbm>>) dst(%arg10 : memref<96x128xf32, #tpu.memory_space<vmem>>)
    "tpu.region"() ({
      %run_scoped3A = tpu.sem_alloc : memref<!tpu.dma_semaphore, #tpu.memory_space<semaphore_mem>>
      %dma_start3A_437 = arith.constant 288 : i32
      %dma_start3A_438 = tpu.memref_slice %arg6[%dma_start3A_437] : memref<768xi32, #tpu.memory_space<vmem>> -> memref<96xi32, #tpu.memory_space<vmem>>
      %dma_start3A_439 = arith.constant 0 : i32
      %dma_start3A_440 = arith.constant 0 : i32
      %dma_start3A_441 = tpu.memref_slice %arg11[%dma_start3A_439, %dma_start3A_440] : memref<10000x128xf32, #tpu.memory_space<vmem_shared>> -> memref<10000x128xf32, #tpu.memory_space<vmem_shared>>
      tpu.enqueue_indirect_dma source(%arg10 : memref<96x128xf32, #tpu.memory_space<vmem>>) target(%dma_start3A_441 : memref<10000x128xf32, #tpu.memory_space<vmem_shared>>) offsets(%dma_start3A_438 : memref<96xi32, #tpu.memory_space<vmem>>) semaphore(%run_scoped3A : memref<!tpu.dma_semaphore, #tpu.memory_space<semaphore_mem>>) {add = true}
      %dma_wait3A_442 = arith.constant 288 : i32
      %dma_wait3A_443 = tpu.memref_slice %arg6[%dma_wait3A_442] : memref<768xi32, #tpu.memory_space<vmem>> -> memref<96xi32, #tpu.memory_space<vmem>>
      %dma_wait3A_444 = arith.constant 0 : i32
      %dma_wait3A_445 = arith.constant 0 : i32
      %dma_wait3A_446 = tpu.memref_slice %arg11[%dma_wait3A_444, %dma_wait3A_445] : memref<10000x128xf32, #tpu.memory_space<vmem_shared>> -> memref<10000x128xf32, #tpu.memory_space<vmem_shared>>
      tpu.wait_indirect_dma semaphore(%run_scoped3A : memref<!tpu.dma_semaphore, #tpu.memory_space<semaphore_mem>>) src(%arg10 : memref<96x128xf32, #tpu.memory_space<vmem>>) dst(%dma_wait3A_446 : memref<10000x128xf32, #tpu.memory_space<vmem_shared>>)
      tpu.yield
    }) : () -> ()
    %add3A_386 = arith.constant 9888 : i32
    %add3A_387 = arith.addi %add3A_6, %add3A_386 : i32
    %dma_wait3A_388 = arith.constant 672 : i32
    %dma_wait3A_389 = tpu.memref_slice %arg5[%dma_wait3A_388] : memref<768xi32, #tpu.memory_space<vmem>> -> memref<96xi32, #tpu.memory_space<vmem>>
    %dma_wait3A_390 = tpu.memref_slice %arg3[%add3A_387] : memref<640000xi32, #tpu.memory_space<hbm>> -> memref<96xi32, #tpu.memory_space<hbm>>
    %dma_wait3A_391 = arith.constant 672 : i32
    %dma_wait3A_392 = tpu.memref_slice %arg5[%dma_wait3A_391] : memref<768xi32, #tpu.memory_space<vmem>> -> memref<96xi32, #tpu.memory_space<vmem>>
    %dma_wait3A_393 = tpu.memref_slice %arg3[%add3A_387] : memref<640000xi32, #tpu.memory_space<hbm>> -> memref<96xi32, #tpu.memory_space<hbm>>
    tpu.wait_dma2 semaphore(%arg23 : memref<!tpu.dma_semaphore, #tpu.memory_space<semaphore_mem>>) src(%dma_wait3A_393 : memref<96xi32, #tpu.memory_space<hbm>>) dst(%dma_wait3A_392 : memref<96xi32, #tpu.memory_space<vmem>>)
    %add3A_394 = arith.constant 9888 : i32
    %add3A_395 = arith.addi %mul3A_2, %add3A_394 : i32
    %dma_wait3A_396 = arith.constant 672 : i32
    %dma_wait3A_397 = tpu.memref_slice %arg6[%dma_wait3A_396] : memref<768xi32, #tpu.memory_space<vmem>> -> memref<96xi32, #tpu.memory_space<vmem>>
    %dma_wait3A_398 = tpu.memref_slice %arg3[%add3A_395] : memref<640000xi32, #tpu.memory_space<hbm>> -> memref<96xi32, #tpu.memory_space<hbm>>
    %dma_wait3A_399 = arith.constant 672 : i32
    %dma_wait3A_400 = tpu.memref_slice %arg6[%dma_wait3A_399] : memref<768xi32, #tpu.memory_space<vmem>> -> memref<96xi32, #tpu.memory_space<vmem>>
    %dma_wait3A_401 = tpu.memref_slice %arg3[%add3A_395] : memref<640000xi32, #tpu.memory_space<hbm>> -> memref<96xi32, #tpu.memory_space<hbm>>
    tpu.wait_dma2 semaphore(%arg23 : memref<!tpu.dma_semaphore, #tpu.memory_space<semaphore_mem>>) src(%dma_wait3A_401 : memref<96xi32, #tpu.memory_space<hbm>>) dst(%dma_wait3A_400 : memref<96xi32, #tpu.memory_space<vmem>>)
    %dma_start3A_402 = arith.constant 672 : i32
    %dma_start3A_403 = tpu.memref_slice %arg5[%dma_start3A_402] : memref<768xi32, #tpu.memory_space<vmem>> -> memref<96xi32, #tpu.memory_space<vmem>>
    %dma_start3A_404 = arith.constant 0 : i32
    %dma_start3A_405 = arith.constant 0 : i32
    %dma_start3A_406 = tpu.memref_slice %arg2[%dma_start3A_404, %dma_start3A_405] : memref<10000x128xf32, #tpu.memory_space<hbm>> -> memref<10000x128xf32, #tpu.memory_space<hbm>>
    tpu.enqueue_indirect_dma source(%dma_start3A_406 : memref<10000x128xf32, #tpu.memory_space<hbm>>) target(%arg10 : memref<96x128xf32, #tpu.memory_space<vmem>>) offsets(%dma_start3A_403 : memref<96xi32, #tpu.memory_space<vmem>>) semaphore(%arg15 : memref<!tpu.dma_semaphore, #tpu.memory_space<semaphore_mem>>)
    %dma_wait3A_407 = arith.constant 384 : i32
    %dma_wait3A_408 = tpu.memref_slice %arg5[%dma_wait3A_407] : memref<768xi32, #tpu.memory_space<vmem>> -> memref<96xi32, #tpu.memory_space<vmem>>
    %dma_wait3A_409 = arith.constant 0 : i32
    %dma_wait3A_410 = arith.constant 0 : i32
    %dma_wait3A_411 = tpu.memref_slice %arg2[%dma_wait3A_409, %dma_wait3A_410] : memref<10000x128xf32, #tpu.memory_space<hbm>> -> memref<10000x128xf32, #tpu.memory_space<hbm>>
    tpu.wait_indirect_dma semaphore(%arg12 : memref<!tpu.dma_semaphore, #tpu.memory_space<semaphore_mem>>) src(%dma_wait3A_411 : memref<10000x128xf32, #tpu.memory_space<hbm>>) dst(%arg7 : memref<96x128xf32, #tpu.memory_space<vmem>>)
    "tpu.region"() ({
      %run_scoped3A = tpu.sem_alloc : memref<!tpu.dma_semaphore, #tpu.memory_space<semaphore_mem>>
      %dma_start3A_437 = arith.constant 384 : i32
      %dma_start3A_438 = tpu.memref_slice %arg6[%dma_start3A_437] : memref<768xi32, #tpu.memory_space<vmem>> -> memref<96xi32, #tpu.memory_space<vmem>>
      %dma_start3A_439 = arith.constant 0 : i32
      %dma_start3A_440 = arith.constant 0 : i32
      %dma_start3A_441 = tpu.memref_slice %arg11[%dma_start3A_439, %dma_start3A_440] : memref<10000x128xf32, #tpu.memory_space<vmem_shared>> -> memref<10000x128xf32, #tpu.memory_space<vmem_shared>>
      tpu.enqueue_indirect_dma source(%arg7 : memref<96x128xf32, #tpu.memory_space<vmem>>) target(%dma_start3A_441 : memref<10000x128xf32, #tpu.memory_space<vmem_shared>>) offsets(%dma_start3A_438 : memref<96xi32, #tpu.memory_space<vmem>>) semaphore(%run_scoped3A : memref<!tpu.dma_semaphore, #tpu.memory_space<semaphore_mem>>) {add = true}
      %dma_wait3A_442 = arith.constant 384 : i32
      %dma_wait3A_443 = tpu.memref_slice %arg6[%dma_wait3A_442] : memref<768xi32, #tpu.memory_space<vmem>> -> memref<96xi32, #tpu.memory_space<vmem>>
      %dma_wait3A_444 = arith.constant 0 : i32
      %dma_wait3A_445 = arith.constant 0 : i32
      %dma_wait3A_446 = tpu.memref_slice %arg11[%dma_wait3A_444, %dma_wait3A_445] : memref<10000x128xf32, #tpu.memory_space<vmem_shared>> -> memref<10000x128xf32, #tpu.memory_space<vmem_shared>>
      tpu.wait_indirect_dma semaphore(%run_scoped3A : memref<!tpu.dma_semaphore, #tpu.memory_space<semaphore_mem>>) src(%arg7 : memref<96x128xf32, #tpu.memory_space<vmem>>) dst(%dma_wait3A_446 : memref<10000x128xf32, #tpu.memory_space<vmem_shared>>)
      tpu.yield
    }) : () -> ()
    %dma_wait3A_412 = arith.constant 480 : i32
    %dma_wait3A_413 = tpu.memref_slice %arg5[%dma_wait3A_412] : memref<768xi32, #tpu.memory_space<vmem>> -> memref<96xi32, #tpu.memory_space<vmem>>
    %dma_wait3A_414 = arith.constant 0 : i32
    %dma_wait3A_415 = arith.constant 0 : i32
    %dma_wait3A_416 = tpu.memref_slice %arg2[%dma_wait3A_414, %dma_wait3A_415] : memref<10000x128xf32, #tpu.memory_space<hbm>> -> memref<10000x128xf32, #tpu.memory_space<hbm>>
    tpu.wait_indirect_dma semaphore(%arg13 : memref<!tpu.dma_semaphore, #tpu.memory_space<semaphore_mem>>) src(%dma_wait3A_416 : memref<10000x128xf32, #tpu.memory_space<hbm>>) dst(%arg8 : memref<96x128xf32, #tpu.memory_space<vmem>>)
    "tpu.region"() ({
      %run_scoped3A = tpu.sem_alloc : memref<!tpu.dma_semaphore, #tpu.memory_space<semaphore_mem>>
      %dma_start3A_437 = arith.constant 480 : i32
      %dma_start3A_438 = tpu.memref_slice %arg6[%dma_start3A_437] : memref<768xi32, #tpu.memory_space<vmem>> -> memref<96xi32, #tpu.memory_space<vmem>>
      %dma_start3A_439 = arith.constant 0 : i32
      %dma_start3A_440 = arith.constant 0 : i32
      %dma_start3A_441 = tpu.memref_slice %arg11[%dma_start3A_439, %dma_start3A_440] : memref<10000x128xf32, #tpu.memory_space<vmem_shared>> -> memref<10000x128xf32, #tpu.memory_space<vmem_shared>>
      tpu.enqueue_indirect_dma source(%arg8 : memref<96x128xf32, #tpu.memory_space<vmem>>) target(%dma_start3A_441 : memref<10000x128xf32, #tpu.memory_space<vmem_shared>>) offsets(%dma_start3A_438 : memref<96xi32, #tpu.memory_space<vmem>>) semaphore(%run_scoped3A : memref<!tpu.dma_semaphore, #tpu.memory_space<semaphore_mem>>) {add = true}
      %dma_wait3A_442 = arith.constant 480 : i32
      %dma_wait3A_443 = tpu.memref_slice %arg6[%dma_wait3A_442] : memref<768xi32, #tpu.memory_space<vmem>> -> memref<96xi32, #tpu.memory_space<vmem>>
      %dma_wait3A_444 = arith.constant 0 : i32
      %dma_wait3A_445 = arith.constant 0 : i32
      %dma_wait3A_446 = tpu.memref_slice %arg11[%dma_wait3A_444, %dma_wait3A_445] : memref<10000x128xf32, #tpu.memory_space<vmem_shared>> -> memref<10000x128xf32, #tpu.memory_space<vmem_shared>>
      tpu.wait_indirect_dma semaphore(%run_scoped3A : memref<!tpu.dma_semaphore, #tpu.memory_space<semaphore_mem>>) src(%arg8 : memref<96x128xf32, #tpu.memory_space<vmem>>) dst(%dma_wait3A_446 : memref<10000x128xf32, #tpu.memory_space<vmem_shared>>)
      tpu.yield
    }) : () -> ()
    %dma_wait3A_417 = arith.constant 576 : i32
    %dma_wait3A_418 = tpu.memref_slice %arg5[%dma_wait3A_417] : memref<768xi32, #tpu.memory_space<vmem>> -> memref<96xi32, #tpu.memory_space<vmem>>
    %dma_wait3A_419 = arith.constant 0 : i32
    %dma_wait3A_420 = arith.constant 0 : i32
    %dma_wait3A_421 = tpu.memref_slice %arg2[%dma_wait3A_419, %dma_wait3A_420] : memref<10000x128xf32, #tpu.memory_space<hbm>> -> memref<10000x128xf32, #tpu.memory_space<hbm>>
    tpu.wait_indirect_dma semaphore(%arg14 : memref<!tpu.dma_semaphore, #tpu.memory_space<semaphore_mem>>) src(%dma_wait3A_421 : memref<10000x128xf32, #tpu.memory_space<hbm>>) dst(%arg9 : memref<96x128xf32, #tpu.memory_space<vmem>>)
    "tpu.region"() ({
      %run_scoped3A = tpu.sem_alloc : memref<!tpu.dma_semaphore, #tpu.memory_space<semaphore_mem>>
      %dma_start3A_437 = arith.constant 576 : i32
      %dma_start3A_438 = tpu.memref_slice %arg6[%dma_start3A_437] : memref<768xi32, #tpu.memory_space<vmem>> -> memref<96xi32, #tpu.memory_space<vmem>>
      %dma_start3A_439 = arith.constant 0 : i32
      %dma_start3A_440 = arith.constant 0 : i32
      %dma_start3A_441 = tpu.memref_slice %arg11[%dma_start3A_439, %dma_start3A_440] : memref<10000x128xf32, #tpu.memory_space<vmem_shared>> -> memref<10000x128xf32, #tpu.memory_space<vmem_shared>>
      tpu.enqueue_indirect_dma source(%arg9 : memref<96x128xf32, #tpu.memory_space<vmem>>) target(%dma_start3A_441 : memref<10000x128xf32, #tpu.memory_space<vmem_shared>>) offsets(%dma_start3A_438 : memref<96xi32, #tpu.memory_space<vmem>>) semaphore(%run_scoped3A : memref<!tpu.dma_semaphore, #tpu.memory_space<semaphore_mem>>) {add = true}
      %dma_wait3A_442 = arith.constant 576 : i32
      %dma_wait3A_443 = tpu.memref_slice %arg6[%dma_wait3A_442] : memref<768xi32, #tpu.memory_space<vmem>> -> memref<96xi32, #tpu.memory_space<vmem>>
      %dma_wait3A_444 = arith.constant 0 : i32
      %dma_wait3A_445 = arith.constant 0 : i32
      %dma_wait3A_446 = tpu.memref_slice %arg11[%dma_wait3A_444, %dma_wait3A_445] : memref<10000x128xf32, #tpu.memory_space<vmem_shared>> -> memref<10000x128xf32, #tpu.memory_space<vmem_shared>>
      tpu.wait_indirect_dma semaphore(%run_scoped3A : memref<!tpu.dma_semaphore, #tpu.memory_space<semaphore_mem>>) src(%arg9 : memref<96x128xf32, #tpu.memory_space<vmem>>) dst(%dma_wait3A_446 : memref<10000x128xf32, #tpu.memory_space<vmem_shared>>)
      tpu.yield
    }) : () -> ()
    %dma_wait3A_422 = arith.constant 672 : i32
    %dma_wait3A_423 = tpu.memref_slice %arg5[%dma_wait3A_422] : memref<768xi32, #tpu.memory_space<vmem>> -> memref<96xi32, #tpu.memory_space<vmem>>
    %dma_wait3A_424 = arith.constant 0 : i32
    %dma_wait3A_425 = arith.constant 0 : i32
    %dma_wait3A_426 = tpu.memref_slice %arg2[%dma_wait3A_424, %dma_wait3A_425] : memref<10000x128xf32, #tpu.memory_space<hbm>> -> memref<10000x128xf32, #tpu.memory_space<hbm>>
    tpu.wait_indirect_dma semaphore(%arg15 : memref<!tpu.dma_semaphore, #tpu.memory_space<semaphore_mem>>) src(%dma_wait3A_426 : memref<10000x128xf32, #tpu.memory_space<hbm>>) dst(%arg10 : memref<96x128xf32, #tpu.memory_space<vmem>>)
    "tpu.region"() ({
      %run_scoped3A = tpu.sem_alloc : memref<!tpu.dma_semaphore, #tpu.memory_space<semaphore_mem>>
      %dma_start3A_437 = arith.constant 672 : i32
      %dma_start3A_438 = tpu.memref_slice %arg6[%dma_start3A_437] : memref<768xi32, #tpu.memory_space<vmem>> -> memref<96xi32, #tpu.memory_space<vmem>>
      %dma_start3A_439 = arith.constant 0 : i32
      %dma_start3A_440 = arith.constant 0 : i32
      %dma_start3A_441 = tpu.memref_slice %arg11[%dma_start3A_439, %dma_start3A_440] : memref<10000x128xf32, #tpu.memory_space<vmem_shared>> -> memref<10000x128xf32, #tpu.memory_space<vmem_shared>>
      tpu.enqueue_indirect_dma source(%arg10 : memref<96x128xf32, #tpu.memory_space<vmem>>) target(%dma_start3A_441 : memref<10000x128xf32, #tpu.memory_space<vmem_shared>>) offsets(%dma_start3A_438 : memref<96xi32, #tpu.memory_space<vmem>>) semaphore(%run_scoped3A : memref<!tpu.dma_semaphore, #tpu.memory_space<semaphore_mem>>) {add = true}
      %dma_wait3A_442 = arith.constant 672 : i32
      %dma_wait3A_443 = tpu.memref_slice %arg6[%dma_wait3A_442] : memref<768xi32, #tpu.memory_space<vmem>> -> memref<96xi32, #tpu.memory_space<vmem>>
      %dma_wait3A_444 = arith.constant 0 : i32
      %dma_wait3A_445 = arith.constant 0 : i32
      %dma_wait3A_446 = tpu.memref_slice %arg11[%dma_wait3A_444, %dma_wait3A_445] : memref<10000x128xf32, #tpu.memory_space<vmem_shared>> -> memref<10000x128xf32, #tpu.memory_space<vmem_shared>>
      tpu.wait_indirect_dma semaphore(%run_scoped3A : memref<!tpu.dma_semaphore, #tpu.memory_space<semaphore_mem>>) src(%arg10 : memref<96x128xf32, #tpu.memory_space<vmem>>) dst(%dma_wait3A_446 : memref<10000x128xf32, #tpu.memory_space<vmem_shared>>)
      tpu.yield
    }) : () -> ()
    %barrier3A_427 = arith.constant 0 : index
    tpu.barrier barrier_id(%barrier3A_427)
    %mul3A_428 = arith.constant 624 : i32
    %mul3A_429 = arith.muli %arg1, %mul3A_428 : i32
    %mul3A_430 = arith.constant 624 : i32
    %mul3A_431 = arith.muli %arg1, %mul3A_430 : i32
    "tpu.region"() ({
      %run_scoped3A = tpu.sem_alloc : memref<!tpu.dma_semaphore, #tpu.memory_space<semaphore_mem>>
      %dma_start3A_437 = arith.constant 0 : i32
      %dma_start3A_438 = tpu.memref_slice %arg4[%arg0, %mul3A_431, %dma_start3A_437] : memref<2x10000x128xf32, #tpu.memory_space<hbm>> -> memref<1x624x128xf32, #tpu.memory_space<hbm>>
      %dma_start3A_439 = tpu.memref_squeeze %dma_start3A_438 : memref<1x624x128xf32, #tpu.memory_space<hbm>> -> memref<624x128xf32, #tpu.memory_space<hbm>>
      %dma_start3A_440 = arith.constant 0 : i32
      %dma_start3A_441 = tpu.memref_slice %arg11[%mul3A_429, %dma_start3A_440] : memref<10000x128xf32, #tpu.memory_space<vmem_shared>> -> memref<624x128xf32, #tpu.memory_space<vmem_shared>>
      tpu.enqueue_dma source(%dma_start3A_441 : memref<624x128xf32, #tpu.memory_space<vmem_shared>>) target(%dma_start3A_439 : memref<624x128xf32, #tpu.memory_space<hbm>>) target_semaphore(%run_scoped3A : memref<!tpu.dma_semaphore, #tpu.memory_space<semaphore_mem>>)
      %dma_wait3A_442 = arith.constant 0 : i32
      %dma_wait3A_443 = tpu.memref_slice %arg4[%arg0, %mul3A_431, %dma_wait3A_442] : memref<2x10000x128xf32, #tpu.memory_space<hbm>> -> memref<1x624x128xf32, #tpu.memory_space<hbm>>
      %dma_wait3A_444 = tpu.memref_squeeze %dma_wait3A_443 : memref<1x624x128xf32, #tpu.memory_space<hbm>> -> memref<624x128xf32, #tpu.memory_space<hbm>>
      %dma_wait3A_445 = arith.constant 0 : i32
      %dma_wait3A_446 = tpu.memref_slice %arg11[%mul3A_429, %dma_wait3A_445] : memref<10000x128xf32, #tpu.memory_space<vmem_shared>> -> memref<624x128xf32, #tpu.memory_space<vmem_shared>>
      tpu.wait_dma2 semaphore(%run_scoped3A : memref<!tpu.dma_semaphore, #tpu.memory_space<semaphore_mem>>) src(%dma_wait3A_446 : memref<624x128xf32, #tpu.memory_space<vmem_shared>>) dst(%dma_wait3A_444 : memref<624x128xf32, #tpu.memory_space<hbm>>)
      tpu.yield
    }) : () -> ()
    %eq3A_432 = arith.constant 15 : i32
    %eq3A_433 = arith.cmpi eq, %arg1, %eq3A_432 : i32
    %convert_element_type3A_434 = arith.extui %eq3A_433 : i1 to i32
    %cond3A_435 = arith.constant 0 : i32
    %cond3A_436 = arith.cmpi ne, %convert_element_type3A_434, %cond3A_435 : i32
    scf.if %cond3A_436 {
      "tpu.region"() ({
        %run_scoped3A = tpu.sem_alloc : memref<!tpu.dma_semaphore, #tpu.memory_space<semaphore_mem>>
        %dma_start3A_437 = arith.constant 9984 : i32
        %dma_start3A_438 = arith.constant 0 : i32
        %dma_start3A_439 = tpu.memref_slice %arg4[%arg0, %dma_start3A_437, %dma_start3A_438] : memref<2x10000x128xf32, #tpu.memory_space<hbm>> -> memref<1x16x128xf32, #tpu.memory_space<hbm>>
        %dma_start3A_440 = tpu.memref_squeeze %dma_start3A_439 : memref<1x16x128xf32, #tpu.memory_space<hbm>> -> memref<16x128xf32, #tpu.memory_space<hbm>>
        %dma_start3A_441 = arith.constant 9984 : i32
        %dma_start3A_442 = arith.constant 0 : i32
        %dma_start3A_443 = tpu.memref_slice %arg11[%dma_start3A_441, %dma_start3A_442] : memref<10000x128xf32, #tpu.memory_space<vmem_shared>> -> memref<16x128xf32, #tpu.memory_space<vmem_shared>>
        tpu.enqueue_dma source(%dma_start3A_443 : memref<16x128xf32, #tpu.memory_space<vmem_shared>>) target(%dma_start3A_440 : memref<16x128xf32, #tpu.memory_space<hbm>>) target_semaphore(%run_scoped3A : memref<!tpu.dma_semaphore, #tpu.memory_space<semaphore_mem>>)
        %dma_wait3A_444 = arith.constant 9984 : i32
        %dma_wait3A_445 = arith.constant 0 : i32
        %dma_wait3A_446 = tpu.memref_slice %arg4[%arg0, %dma_wait3A_444, %dma_wait3A_445] : memref<2x10000x128xf32, #tpu.memory_space<hbm>> -> memref<1x16x128xf32, #tpu.memory_space<hbm>>
        %dma_wait3A_447 = tpu.memref_squeeze %dma_wait3A_446 : memref<1x16x128xf32, #tpu.memory_space<hbm>> -> memref<16x128xf32, #tpu.memory_space<hbm>>
        %dma_wait3A_448 = arith.constant 9984 : i32
        %dma_wait3A_449 = arith.constant 0 : i32
        %dma_wait3A_450 = tpu.memref_slice %arg11[%dma_wait3A_448, %dma_wait3A_449] : memref<10000x128xf32, #tpu.memory_space<vmem_shared>> -> memref<16x128xf32, #tpu.memory_space<vmem_shared>>
        tpu.wait_dma2 semaphore(%run_scoped3A : memref<!tpu.dma_semaphore, #tpu.memory_space<semaphore_mem>>) src(%dma_wait3A_450 : memref<16x128xf32, #tpu.memory_space<vmem_shared>>) dst(%dma_wait3A_447 : memref<16x128xf32, #tpu.memory_space<hbm>>)
        tpu.yield
      }) : () -> ()
    } else {
    }
    return
  }
}

module attributes {stable_mosaic.version = 14 : i64} {
  func.func @_tc_mlp_body(%arg0: memref<1xf32, #tpu.memory_space<smem>>, %arg1: memref<10000x128xf32, #tpu.memory_space<vmem>>, %arg2: memref<10000x128xf32, #tpu.memory_space<vmem>>, %arg3: memref<10000x128xf32, #tpu.memory_space<vmem>>, %arg4: memref<128x128xf32, #tpu.memory_space<vmem>>, %arg5: memref<1x128xf32, #tpu.memory_space<vmem>>, %arg6: memref<1x128xf32, #tpu.memory_space<vmem>>, %arg7: memref<1x128xf32, #tpu.memory_space<vmem>>, %arg8: memref<128x128xf32, #tpu.memory_space<vmem>>, %arg9: memref<1x128xf32, #tpu.memory_space<vmem>>, %arg10: memref<10000x128xf32, #tpu.memory_space<vmem>>) attributes {dimension_semantics = [], scalar_prefetch = 0 : i64, scratch_operands = 0 : i64, tpu.core_type = #tpu.core_type<tc>} {
    %get3A = arith.constant 0 : index
    %get3A_0 = memref.load %arg0[%get3A] : memref<1xf32, #tpu.memory_space<smem>>
    %add3A = arith.constant 1.000000e+00 : f32
    %add3A_1 = arith.addf %add3A, %get3A_0 : f32
    %get3A_2 = arith.constant 0 : index
    %get3A_3 = arith.constant 0 : index
    %get3A_4 = vector.load %arg1[%get3A_2, %get3A_3] : memref<10000x128xf32, #tpu.memory_space<vmem>>, vector<10000x128xf32>
    %mul3A = vector.broadcast %add3A_1 : f32 to vector<10000x128xf32>
    %mul3A_5 = arith.mulf %mul3A, %get3A_4 : vector<10000x128xf32>
    %get3A_6 = arith.constant 0 : index
    %get3A_7 = arith.constant 0 : index
    %get3A_8 = vector.load %arg2[%get3A_6, %get3A_7] : memref<10000x128xf32, #tpu.memory_space<vmem>>, vector<10000x128xf32>
    %add3A_9 = arith.addf %mul3A_5, %get3A_8 : vector<10000x128xf32>
    %get3A_10 = arith.constant 0 : index
    %get3A_11 = arith.constant 0 : index
    %get3A_12 = vector.load %arg3[%get3A_10, %get3A_11] : memref<10000x128xf32, #tpu.memory_space<vmem>>, vector<10000x128xf32>
    %add3A_13 = arith.addf %add3A_9, %get3A_12 : vector<10000x128xf32>
    %get3A_14 = arith.constant 0 : index
    %get3A_15 = arith.constant 0 : index
    %get3A_16 = vector.load %arg4[%get3A_14, %get3A_15] : memref<128x128xf32, #tpu.memory_space<vmem>>, vector<128x128xf32>
    %dot_general3A = arith.constant dense<0.000000e+00> : vector<10000x128xf32>
    %dot_general3A_17 = tpu.matmul %add3A_13, %get3A_16, %dot_general3A {dimension_numbers = #tpu.dot_dimension_numbers<[1], [1], [0], [0], [0, 0, 1, 0], [], []>, transpose_lhs_hint = false} : vector<10000x128xf32>, vector<128x128xf32>, vector<10000x128xf32> -> vector<10000x128xf32>
    %get3A_18 = arith.constant 0 : index
    %get3A_19 = arith.constant 0 : index
    %get3A_20 = vector.load %arg5[%get3A_18, %get3A_19] : memref<1x128xf32, #tpu.memory_space<vmem>>, vector<1x128xf32>
    %add3A_21 = vector.broadcast %get3A_20 : vector<1x128xf32> to vector<10000x128xf32>
    %add3A_22 = arith.addf %dot_general3A_17, %add3A_21 : vector<10000x128xf32>
    %reduce_sum3A = arith.constant dense<0.000000e+00> : vector<128xf32>
    %reduce_sum3A_23 = vector.multi_reduction <add>, %add3A_22, %reduce_sum3A [0] : vector<10000x128xf32> to vector<128xf32>
    %broadcast_in_dim3A = vector.shape_cast %reduce_sum3A_23 : vector<128xf32> to vector<1x128xf32>
    %div3A = arith.constant 1.000000e+04 : f32
    %div3A_24 = vector.broadcast %div3A : f32 to vector<1x128xf32>
    %div3A_25 = arith.divf %broadcast_in_dim3A, %div3A_24 : vector<1x128xf32>
    %mul3A_26 = arith.mulf %add3A_22, %add3A_22 : vector<10000x128xf32>
    %reduce_sum3A_27 = arith.constant dense<0.000000e+00> : vector<128xf32>
    %reduce_sum3A_28 = vector.multi_reduction <add>, %mul3A_26, %reduce_sum3A_27 [0] : vector<10000x128xf32> to vector<128xf32>
    %broadcast_in_dim3A_29 = vector.shape_cast %reduce_sum3A_28 : vector<128xf32> to vector<1x128xf32>
    %div3A_30 = arith.constant 1.000000e+04 : f32
    %div3A_31 = vector.broadcast %div3A_30 : f32 to vector<1x128xf32>
    %div3A_32 = arith.divf %broadcast_in_dim3A_29, %div3A_31 : vector<1x128xf32>
    %mul3A_33 = arith.mulf %div3A_25, %div3A_25 : vector<1x128xf32>
    %sub3A = arith.subf %div3A_32, %mul3A_33 : vector<1x128xf32>
    %sub3A_34 = vector.broadcast %div3A_25 : vector<1x128xf32> to vector<10000x128xf32>
    %sub3A_35 = arith.subf %add3A_22, %sub3A_34 : vector<10000x128xf32>
    %add3A_36 = arith.constant 9.99999974E-6 : f32
    %add3A_37 = vector.broadcast %add3A_36 : f32 to vector<1x128xf32>
    %add3A_38 = arith.addf %sub3A, %add3A_37 : vector<1x128xf32>
    %rsqrt3A = math.rsqrt %add3A_38 : vector<1x128xf32>
    %mul3A_39 = vector.broadcast %rsqrt3A : vector<1x128xf32> to vector<10000x128xf32>
    %mul3A_40 = arith.mulf %sub3A_35, %mul3A_39 : vector<10000x128xf32>
    %get3A_41 = arith.constant 0 : index
    %get3A_42 = arith.constant 0 : index
    %get3A_43 = vector.load %arg6[%get3A_41, %get3A_42] : memref<1x128xf32, #tpu.memory_space<vmem>>, vector<1x128xf32>
    %mul3A_44 = vector.broadcast %get3A_43 : vector<1x128xf32> to vector<10000x128xf32>
    %mul3A_45 = arith.mulf %mul3A_40, %mul3A_44 : vector<10000x128xf32>
    %get3A_46 = arith.constant 0 : index
    %get3A_47 = arith.constant 0 : index
    %get3A_48 = vector.load %arg7[%get3A_46, %get3A_47] : memref<1x128xf32, #tpu.memory_space<vmem>>, vector<1x128xf32>
    %add3A_49 = vector.broadcast %get3A_48 : vector<1x128xf32> to vector<10000x128xf32>
    %add3A_50 = arith.addf %mul3A_45, %add3A_49 : vector<10000x128xf32>
    %max3A = arith.constant 0.000000e+00 : f32
    %max3A_51 = vector.broadcast %max3A : f32 to vector<10000x128xf32>
    %max3A_52 = arith.maximumf %add3A_50, %max3A_51 : vector<10000x128xf32>
    %get3A_53 = arith.constant 0 : index
    %get3A_54 = arith.constant 0 : index
    %get3A_55 = vector.load %arg8[%get3A_53, %get3A_54] : memref<128x128xf32, #tpu.memory_space<vmem>>, vector<128x128xf32>
    %dot_general3A_56 = arith.constant dense<0.000000e+00> : vector<10000x128xf32>
    %dot_general3A_57 = tpu.matmul %max3A_52, %get3A_55, %dot_general3A_56 {dimension_numbers = #tpu.dot_dimension_numbers<[1], [1], [0], [0], [0, 0, 1, 0], [], []>, transpose_lhs_hint = false} : vector<10000x128xf32>, vector<128x128xf32>, vector<10000x128xf32> -> vector<10000x128xf32>
    %get3A_58 = arith.constant 0 : index
    %get3A_59 = arith.constant 0 : index
    %get3A_60 = vector.load %arg9[%get3A_58, %get3A_59] : memref<1x128xf32, #tpu.memory_space<vmem>>, vector<1x128xf32>
    %add3A_61 = vector.broadcast %get3A_60 : vector<1x128xf32> to vector<10000x128xf32>
    %add3A_62 = arith.addf %dot_general3A_57, %add3A_61 : vector<10000x128xf32>
    %swap3A = arith.constant 0 : index
    %swap3A_63 = arith.constant 0 : index
    %swap3A_64 = vector.load %arg10[%swap3A, %swap3A_63] : memref<10000x128xf32, #tpu.memory_space<vmem>>, vector<10000x128xf32>
    tpu.vector_store %arg10[%swap3A, %swap3A_63], %add3A_62 {strides = array<i32>} : memref<10000x128xf32, #tpu.memory_space<vmem>>, vector<10000x128xf32>,
    return
  }
}

</mosaic_0001>

<sc_bundles>
// kernel: kernel.4.cloned.1.call-start
scs
__scs_entry_jumppad:
0x0: {  	(pc) =	sbr.rel $0x88, $3  }
0x1: {  	(tag) =	ssettag $0x0;
	lr =	simm.s32 $0x1  }
0x2: {  	[smem:$0x3F98] =	sst lr;
	_ =	strace $0xD0000000  }
0x3: {  	_ = 	snop  }
0x4: {  	_ = 	snop  }
0x5: {  	_ = 	snop  }
0x6: {  	_ = 	snop  }
0x7: {  	_ = 	snop  }
__scs_overlays_trampoline_lowered:
0x8: {  	[smem:$0x3FA7] =	sst s0  }
0x9: {  	[smem:$0x3FA8] =	sst s1  }
0xa: {  	[smem:$0x3FA9] =	sst s2  }
0xb: {  	[smem:$0x3FAA] =	sst s3  }
0xc: {  	[smem:$0x3FAB] =	sst s4  }
0xd: {  	[smem:$0x3FAC] =	sst s5  }
0xe: {  	[smem:$0x3FAD] =	sst s6  }
0xf: {  	[smem:$0x3FAE] =	sst s7  }
0x10: {  	[smem:$0x3FAF] =	sst s8  }
0x11: {  	[smem:$0x3FB0] =	sst s9;
	s0 =	simm.s32 @!p0 $0x0  }
0x12: {  	s1 =	sld [smem:$0x3F96];
	s0 =	simm.s32 @p0 $0x1  }
0x13: {  	[smem:$0x3FB1] =	sst s0;
	s0 =	simm.s32 @!p1 $0x0  }
0x14: {  	s2 =	sld [smem:$0x3F95];
	s0 =	simm.s32 @p1 $0x1  }
0x15: {  	[smem:$0x3FB2] =	sst s0;
	s0 =	simm.s32 @!p2 $0x0  }
0x16: {  	s3 =	sld [smem:$0x3FDB];
	s0 =	simm.s32 @p2 $0x1  }
0x17: {  	s4 =	simm.s32 $0x1BF5;
	[smem:$0x3FB4] =	sst s0  }
0x18: {  	s0 =	sld [smem:$0x3F97];
	_ =	swait.ge [sflag:s4], $0x0  }
0x19: {  	s7 =	sld [smem:$0x3F98]  }
0x1a: {  	s8 =	sadd.s32 $0xFFFFE003, lr  }
0x1b: {  	s9 =	sadd.s32 $0xFFFFFEF7, lr;
	s5 =	simm.s32 $0xFFFFFFFF;
	p2 =	slt.u32 s8, $0xFFFFF086  }
0x1c: {  	p1 =	slt.u32 s9, $0xF7A;
	s5 =	simm.s32 @!p2 $0x0  }
0x1d: {  	s5 =	simm.s32 @p1 $0x1;
	p0 =	seq.s32 s7, s2  }
0x1e: {  	s7 =	smul.u32 @!p0 $0xF7A, s2;
	p2 =	seq.s32 @!p0 s5, $0x0  }
0x1f: {  	s9 =	smul.u32 $0xF7A, s1;
	s8 =	simm.s32 @!p0 $0x1BF5;
	p2 =	por !p2, p0  }
0x20: {  	[sflag:s8] =	ssyncset.s32 @!p0 $0xFFFFF086;
	s6 =	sadd.s32 @!p0 s3, s7;
	s7 =	simm.s32 @!p0 $0x108  }
0x21: {  	s3 =	sadd.s32 s3, s9;
	s6 =	sadd.s32 @!p0 $0x88, s6;
	s7 =	simm.s32 @p2 $0x1082  }
0x22: {  	[simem:s7], [sflag:s8] =	dma.local @!p0 [hbm:s6], $0xF7A  }
0x23: {  	s9 =	sor.u32 $0xD0000000, s2;
	s6 =	simm.s32 $0x108;
	_ =	swait.ge @!p0 [sflag:s8], $0x0  }
0x24: {  	s3 =	sadd.s32 $0x88, s3;
	s6 =	simm.s32 @!p1 $0x1082;
	[sflag:s4] =	ssyncset.s32 $0xFFFFF086  }
0x25: {  	[simem:s6], [sflag:s4] =	dma.local [hbm:s3], $0xF7A  }
0x26: {  	[smem:$0x3F98] =	sst s1;
	(tag) =	ssettag s2;
	_ =	strace s9  }
0x27: {  	s1 =	sld [smem:$0x3FA8]  }
0x28: {  	s2 =	sld [smem:$0x3FA9]  }
0x29: {  	s4 =	sld [smem:$0x3FAB]  }
0x2a: {  	p0 =	seq.s32 s5, $0x0;
	s5 =	sld [smem:$0x3FAC]  }
0x2b: {  	s6 =	sld [smem:$0x3FAD]  }
0x2c: {  	s7 =	sld [smem:$0x3FAE]  }
0x2d: {  	s3 =	simm.s32 $0x108;
	s8 =	sld [smem:$0x3FAF]  }
0x2e: {  	s3 =	simm.s32 @!p0 $0x1082;
	s9 =	sld [smem:$0x3FB0]  }
0x2f: {  	lr =	sadd.s32 s0, s3;
	s0 =	sld [smem:$0x3FA7]  }
0x30: {  	s3 =	sld [smem:$0x3FAA]  }
0x31: {  	[smem:$0x3FB3] =	sst s10  }
0x32: {  	s10 =	sld [smem:$0x3FB1];
	_ =	sdelay $0x3  }
0x33: {  	p0 =	seq.s32 s10, $0x1;
	s10 =	sld [smem:$0x3FB3];
	_ =	sdelay $0x3  }
0x34: {  	[smem:$0x3FB3] =	sst s10  }
0x35: {  	s10 =	sld [smem:$0x3FB2];
	_ =	sdelay $0x3  }
0x36: {  	p1 =	seq.s32 s10, $0x1;
	s10 =	sld [smem:$0x3FB3];
	_ =	sdelay $0x3  }
0x37: {  	[smem:$0x3FB3] =	sst s10  }
0x38: {  	s10 =	sld [smem:$0x3FB4]  }
0x39: {  	_ = 	snop;
	(pc) =	sbr.ind lr, $3  }
0x3a: {  	_ = 	snop  }
0x3b: {  	_ = 	snop  }
0x3c: {  	p2 =	seq.s32 s10, $0x1;
	s10 =	sld [smem:$0x3FB3]  }
0x3d: {  	_ =	shalt  }
0x3e: {  	_ =	shalt  }
0x3f: {  	_ =	shalt  }
0x40: {  	_ =	shalt  }
0x41: {  	_ =	shalt  }
0x42: {  	_ =	shalt  }
0x43: {  	_ =	shalt  }
0x44: {  	_ =	shalt  }
0x45: {  	_ =	shalt  }
0x46: {  	_ =	shalt  }
0x47: {  	_ =	shalt  }
0x48: {  	_ =	shalt  }
0x49: {  	_ =	shalt  }
0x4a: {  	_ =	shalt  }
0x4b: {  	_ =	shalt  }
0x4c: {  	_ =	shalt  }
0x4d: {  	_ =	shalt  }
0x4e: {  	_ =	shalt  }
0x4f: {  	_ =	shalt  }
0x50: {  	_ =	shalt  }
0x51: {  	_ =	shalt  }
0x52: {  	_ =	shalt  }
0x53: {  	_ =	shalt  }
0x54: {  	_ =	shalt  }
0x55: {  	_ =	shalt  }
0x56: {  	_ =	shalt  }
0x57: {  	_ =	shalt  }
0x58: {  	_ =	shalt  }
0x59: {  	_ =	shalt  }
0x5a: {  	_ =	shalt  }
0x5b: {  	_ =	shalt  }
0x5c: {  	_ =	shalt  }
0x5d: {  	_ =	shalt  }
0x5e: {  	_ =	shalt  }
0x5f: {  	_ =	shalt  }
0x60: {  	_ =	shalt  }
0x61: {  	_ =	shalt  }
0x62: {  	_ =	shalt  }
0x63: {  	_ =	shalt  }
0x64: {  	_ =	shalt  }
0x65: {  	_ =	shalt  }
0x66: {  	_ =	shalt  }
0x67: {  	_ =	shalt  }
0x68: {  	_ =	shalt  }
0x69: {  	_ =	shalt  }
0x6a: {  	_ =	shalt  }
0x6b: {  	_ =	shalt  }
0x6c: {  	_ =	shalt  }
0x6d: {  	_ =	shalt  }
0x6e: {  	_ =	shalt  }
0x6f: {  	_ =	shalt  }
0x70: {  	_ =	shalt  }
0x71: {  	_ =	shalt  }
0x72: {  	_ =	shalt  }
0x73: {  	_ =	shalt  }
0x74: {  	_ =	shalt  }
0x75: {  	_ =	shalt  }
0x76: {  	_ =	shalt  }
0x77: {  	_ =	shalt  }
0x78: {  	_ =	shalt  }
0x79: {  	_ =	shalt  }
0x7a: {  	_ =	shalt  }
0x7b: {  	_ =	shalt  }
0x7c: {  	_ =	shalt  }
0x7d: {  	_ =	shalt  }
0x7e: {  	_ =	shalt  }
0x7f: {  	_ =	shalt  }
0x80: {  	_ =	shalt  }
0x81: {  	_ =	shalt  }
0x82: {  	_ =	shalt  }
0x83: {  	_ =	shalt  }
0x84: {  	_ =	shalt  }
0x85: {  	_ =	shalt  }
0x86: {  	_ =	shalt  }
0x87: {  	_ =	shalt  }
.Lfunc_end0:
.L_simem_size_0:
called_computation_lowered:
.L_overlay_start_0:
0x88: {  	s2 =	sld [smem:$0x3FD9]  }
0x89: {  	s3 =	sld [smem:$0x3FFE];
	_ =	sdelay $0x1  }
0x8a: {  	s1 =	srdreg.scid  }
0x8b: {  	s0 =	sand.u32 $0x1, s1  }
0x8c: {  	s17 =	sshll.u32 s0, $0xA;
	s2 =	sadd.s32 s3, s2  }
0x8d: {  	s2 =	sadd.s32 s2, s17  }
0x8e: {  	[smem:$0x3FBF] =	sst s2  }
0x8f: {  	_ = 	snop  }
0x90: {  	s2 =	sld [smem:$0x3FC9]  }
0x91: {  	s18 =	sld [smem:$0x3FD0];
	(tm) =	ssettm $0x1  }
0x92: {  	s4 =	sld [smem:$0x3FFB];
	_ =	sdelay $0x3  }
0x93: {  	_ =	strace s4  }
0x94: {  	s4 =	sld [smem:$0x3FFC];
	_ =	sdelay $0x3  }
0x95: {  	_ =	strace s4  }
0x96: {  	s4 =	sld [smem:$0x3FFD];
	_ =	sdelay $0x3  }
0x97: {  	_ =	strace s4  }
0x98: {  	_ =	strace $0x8FFFFFFF  }
0x99: {  	s19 =	sld [smem:$0x3FDB];
	_ =	sdelay $0x1  }
0x9a: {  	s5 =	simm.s32 $_scs_section_size  }
0x9b: {  	s6 =	simm.s32 $_size__tile_overlayer_lowered;
	s7 =	simm.s32 $_tile_overlayer_lowered  }
0x9c: {  	s22 =	simm.s32 $0x1BFF;
	s21 =	sshll.u32 s7, $0x1;
	s4 =	sadd.s32 s5, s19  }
0x9d: {  	s8 =	simm.s32 $0x0;
	s20 =	sshll.u32 s6, $0x1;
	s6 =	sadd.s32 s21, s4  }
0x9e: {  	[timem:s8], [sflag:s22] =	dma.local [hbm:s6], s20  }
0x9f: {  	_ =	swait.ge [sflag:s22], s20  }
0xa0: {  	s5 =	ssub.s32 $0x0, s20;
	[sflag:s22] =	ssyncset.done $0x0  }
0xa1: {  	[sflag:s22] =	ssyncadd.s32 s5;
	_ =	sdelay $0x1  }
0xa2: {  	s23 =	simm.s32 $0x1B8B  }
0xa3: {  	_ =	swait.ge [sflag:s23], $0x1  }
0xa4: {  	[sflag:s23] =	ssyncset.done $0x0  }
0xa5: {  	s25 =	simm.s32 $0x1B8E;
	s24 =	sld [smem:$0x3FFE];
	[sflag:s23] =	ssyncadd.s32 $0xFFFFFFFF  }
0xa6: {  	s26 =	simm.s32 $execute0_lowered;
	[smem:$0x3FD2] =	sst s25  }
0xa7: {  	s6 =	sshll.u32 s26, $0x1;
	_ =	strace $0x80000046;
	[dreg:$0x1] =	wrdreg $0xFFFFFFFF  }
0xa8: {  	s28 =	simm.s32 $_size_execute0_lowered;
	s4 =	sadd.s32 s4, s6;
	[dreg:$0x0] =	wrdreg $0x0  }
0xa9: {  	s6 =	sshll.u32 s28, $0x1;
	[dreg:$0x2] =	wrdreg s4  }
0xaa: {  	[dreg:$0x3] =	wrdreg s6  }
0xab: {  	[dreg:$0x4] =	wrdreg $0xC0  }
0xac: {  	_ =	task [dreg:s8], $0x5FFFF  }
0xad: {  	[dreg:$0x1] =	wrdreg $0xFFFFFFFF  }
0xae: {  	[dreg:$0x0] =	wrdreg $0x60  }
0xaf: {  	[dreg:$0x2] =	wrdreg s2  }
0xb0: {  	[dreg:$0x3] =	wrdreg s18  }
0xb1: {  	[dreg:$0x4] =	wrdreg s24  }
0xb2: {  	[dreg:$0x5] =	wrdreg $0xC6000  }
0xb3: {  	[dreg:$0x6] =	wrdreg $0x9  }
0xb4: {  	_ =	task.clear_ibuf [dreg:s8], $0x7FFFF;
	_ =	strace $0x90000046  }
0xb5: {  	s29 =	simm.s32 $0x9;
	_ =	strace $0x80000048  }
0xb6: {  	_ =	swait.ge [sflag:s29], $0x1  }
0xb7: {  	[sflag:s29] =	ssyncadd.s32 $0xFFFFFFFF  }
0xb8: {  	_ =	strace $0x90000048  }
0xb9: {  	_ =	sfence  }
0xba: {  	s30 =	sld [smem:$0x0];
	_ =	sdelay $0x2  }
0xbb: {  	s31 =	sshll.u32 s1, $0xD;
	s1 =	sshrl.u32 s1, $0x2  }
0xbc: {  	s3 =	sand.u32 $0x4000, s31;
	s1 =	sadd.s32 s1, s30  }
0xbd: {  	s0 =	sor.u32 s3, s0;
	s1 =	sshll.u32 s1, $0x11  }
0xbe: {  	s0 =	sor.u32 s1, s0  }
0xbf: {  	s0 =	sadd.s32 $0x8F2B, s0  }
0xc0: {  	[sflag:s0] =	ssyncadd.remote.s32 $0x1  }
0xc1: {  	_ =	sfence.sel $0xFFFF  }
0xc2: {  	[dreg:$0x0] =	wrdreg $0xFFFFFFFF;
	(pc) =	sbr.abs _section_cstart, $3  }
0xc3: {  	[dreg:$0x1] =	wrdreg $0xFFFFFFFF  }
0xc4: {  	_ =	task.clear_ibuf [dreg:s8], $0x2FFFF;
	_ =	strace $0x9FFFFFFF  }
0xc5: {  	(tm) =	ssettm $0x7FFFFFFF  }
tec
execute0_lowered:
.L_overlay_start_1:
0x0: {  	(tag) =	ssettag $0x1  }
0x1: {  	s22 =	rddreg [dreg:$0x0]  }
0x2: {  	s18 =	rddreg [dreg:$0x1]  }
0x3: {  	s0 =	rddreg [dreg:$0x2]  }
0x4: {  	s1 =	rddreg [dreg:$0x3];
	s5 =	simm.s32 $0x0  }
0x5: {  	s2 =	srdreg.scid;
	s10 =	stileid.u32;
	s31 =	simm.s32 $0x4E0  }
0x6: {  	s29 =	simm.s32 $0x0;
	[smem:$0x7FF] =	sst s5;
	s12 =	smul.u32 $0x4E000, s10  }
0x7: {  	s3 =	sand.u32 $0x1, s2;
	s6 =	sadd.s32 $0x1A00, s0;
	s17 =	smul.u32 $0x13800, s10  }
0x8: {  	s24 =	smul.u32 $0x2710, s10;
	p0 =	sne.s32 s10, $0xF;
	_ =	strace $0x80000047  }
0x9: {  	s13 =	sshll.u32 s3, $0x4;
	s15 =	smul.u32 $0x138800, s3;
	s8 =	sshrl.u32 s12, $0x2  }
0xa: {  	s7 =	ssub.s32 $0x2, s3;
	s3 =	smul.u32 $0x27100, s3;
	s11 =	sadd.s32 s8, s1  }
0xb: {  	s0 =	sor.u32 s10, s13;
	s14 =	sadd.s32 $0x1800, s11;
	[dreg:$0x14] =	wrdreg s11  }
0xc: {  	s9 =	sshrl.u32 s7, $0x1;
	s8 =	sadd.s32 $0x3000, s11;
	[dreg:$0x15] =	wrdreg s14  }
0xd: {  	s2 =	smul.u32 $0x2710, s0;
	s16 =	sadd.s32 $0x4800, s11;
	[dreg:$0x16] =	wrdreg s8  }
0xe: {  	s0 =	ssub.s32 s7, s9;
	s19 =	sadd.s32 $0x6000, s11;
	[dreg:$0x17] =	wrdreg s16  }
0xf: {  	s3 =	sadd.s32 s24, s3;
	s20 =	sadd.s32 $0x7800, s11;
	[dreg:$0x18] =	wrdreg s19  }
0x10: {  	s7 =	sshrl.u32 s15, $0x3;
	s21 =	sadd.s32 $0x9000, s11;
	[dreg:$0x19] =	wrdreg s20  }
0x11: {  	s23 =	sadd.s32 $0xA800, s11;
	s12 =	sadd.s32 $0xC000, s11;
	[dreg:$0x1a] =	wrdreg s21  }
0x12: {  	s25 =	sadd.s32 $0xD800, s11;
	s26 =	sadd.s32 $0xF000, s11;
	[dreg:$0x1b] =	wrdreg s23  }
0x13: {  	s28 =	sadd.s32 $0x10800, s11;
	s30 =	sadd.s32 $0x4E7A0, s3;
	[dreg:$0x1c] =	wrdreg s12  }
0x14: {  	s4 =	sadd.s32 $0x5A0, s3;
	s13 =	sadd.s32 $0x4E740, s3;
	[dreg:$0x1d] =	wrdreg s25  }
0x15: {  	s0 =	smax.u32 s0, $0x1;
	s8 =	sadd.s32 s17, s15;
	[dreg:$0x1e] =	wrdreg s26  }
0x16: {  	[dreg:$0x1f] =	wrdreg s28;
	s9 =	sshrl.u32 s4, $0x3;
	s14 =	sshrl.u32 s13, $0x3  }
0x17: {  	s16 =	sadd.s32 $0x4E6E0, s3;
	s21 =	sadd.s32 $0x4E0, s3;
	s25 =	sadd.s32 $0x480, s3  }
0x18: {  	[smem:$0x7EB] =	sst s0;
	s8 =	sshrl.u32 s8, $0x3;
	s12 =	sadd.s32 s9, s18  }
0x19: {  	s23 =	sshrl.u32 s21, $0x3;
	s21 =	sadd.s32 $0x12000, s11;
	[dreg:$0x6] =	wrdreg s12  }
0x1a: {  	s19 =	sshrl.u32 s16, $0x3;
	s8 =	sadd.s32 s6, s8;
	[smem:$0x7E7] =	sst s21  }
0x1b: {  	s6 =	sadd.s32 s6, s7;
	s7 =	sadd.s32 s14, s18;
	[smem:$0x7E6] =	sst s8  }
0x1c: {  	s4 =	sadd.s32 $0x4E620, s3;
	s20 =	sadd.s32 s19, s18;
	[dreg:$0x7] =	wrdreg s7  }
0x1d: {  	s28 =	sshrl.u32 s25, $0x3;
	[dreg:$0x9] =	wrdreg s20;
	s7 =	sadd.s32 s23, s18  }
0x1e: {  	s8 =	sshrl.u32 s30, $0x3;
	s30 =	sadd.s32 s28, s18;
	[dreg:$0xa] =	wrdreg s7  }
0x1f: {  	s9 =	sshrl.u32 s4, $0x3;
	s8 =	sadd.s32 s8, s18;
	[dreg:$0xc] =	wrdreg s30  }
0x20: {  	s10 =	simm.s32 $0x1;
	s7 =	sadd.s32 s9, s18;
	[dreg:$0x5] =	wrdreg s8  }
0x21: {  	s2 =	sshrl.u32 s2, $0x3;
	s30 =	sadd.s32 $0x138000, s1;
	[dreg:$0xd] =	wrdreg s7  }
0x22: {  	s15 =	sadd.s32 $0x540, s3;
	s9 =	sadd.s32 s18, s2;
	[smem:$0x7E8] =	sst s30  }
0x23: {  	s13 =	sadd.s32 $0x4E5C0, s3;
	s4 =	sadd.s32 $0xA120, s9;
	[smem:$0x7FC] =	sst s9  }
0x24: {  	s8 =	sshrl.u32 s15, $0x3;
	s11 =	sadd.s32 $0x4E0, s9;
	[smem:$0x7E9] =	sst s4  }
0x25: {  	s15 =	sshrl.u32 s13, $0x3;
	s13 =	sadd.s32 $0x9C4C, s9;
	[smem:$0x7ED] =	sst s11  }
0x26: {  	s24 =	sadd.s32 $0x4E680, s3;
	s21 =	sadd.s32 $0x30, s9;
	[smem:$0x7EF] =	sst s13  }
0x27: {  	s12 =	sadd.s32 $0x420, s3;
	s30 =	sadd.s32 $0x54, s9;
	[smem:$0x7F6] =	sst s21  }
0x28: {  	s20 =	sadd.s32 $0x4E560, s3;
	s17 =	sadd.s32 s8, s18;
	[smem:$0x7FD] =	sst s30  }
0x29: {  	s8 =	sshrl.u32 s24, $0x3;
	s16 =	sadd.s32 s15, s18;
	[dreg:$0x8] =	wrdreg s17  }
0x2a: {  	s24 =	sadd.s32 $0x360, s3;
	s15 =	sadd.s32 $0x9C58, s9;
	[dreg:$0xf] =	wrdreg s16  }
0x2b: {  	s13 =	simm.s32 $0x600;
	s26 =	sadd.s32 s8, s18;
	[smem:$0x7F1] =	sst s15  }
0x2c: {  	s8 =	sshrl.u32 s12, $0x3;
	s12 =	sadd.s32 $0x9C40, s9;
	[dreg:$0xb] =	wrdreg s26  }
0x2d: {  	s21 =	simm.s32 $0x8;
	s16 =	sadd.s32 $0x18, s9;
	[smem:$0x7EE] =	sst s12  }
0x2e: {  	s25 =	sshrl.u32 s24, $0x3;
	s24 =	sadd.s32 $0x3C, s9;
	[smem:$0x7F2] =	sst s16  }
0x2f: {  	s17 =	sadd.s32 $0x3C0, s3;
	s14 =	sadd.s32 s8, s18;
	[smem:$0x7F8] =	sst s24  }
0x30: {  	s19 =	sshrl.u32 s17, $0x3;
	s17 =	sadd.s32 $0x9C64, s9;
	[dreg:$0xe] =	wrdreg s14  }
0x31: {  	s8 =	sshrl.u32 s20, $0x3;
	s20 =	sadd.s32 $0x9C70, s9;
	[smem:$0x7F3] =	sst s17  }
0x32: {  	s15 =	simm.s32 $0x120;
	s7 =	sadd.s32 s19, s18;
	[smem:$0x7F5] =	sst s20  }
0x33: {  	s26 =	sadd.s32 $0x4E500, s3;
	s23 =	sadd.s32 s8, s18;
	[dreg:$0x10] =	wrdreg s7  }
0x34: {  	s16 =	simm.s32 $0x480;
	s14 =	sadd.s32 $0xC, s9;
	[dreg:$0x11] =	wrdreg s23  }
0x35: {  	s12 =	simm.s32 $0x5;
	s19 =	sadd.s32 $0x24, s9;
	[smem:$0x7F0] =	sst s14  }
0x36: {  	s8 =	sshrl.u32 s26, $0x3;
	s26 =	sadd.s32 $0x48, s9;
	[smem:$0x7F4] =	sst s19  }
0x37: {  	s17 =	simm.s32 $0xD;
	s7 =	sadd.s32 s25, s18;
	[smem:$0x7FA] =	sst s26  }
0x38: {  	s20 =	simm.s32 $0x7;
	s28 =	sadd.s32 s8, s18;
	[dreg:$0x12] =	wrdreg s7  }
0x39: {  	s8 =	sadd.s32 $0x300, s3;
	s23 =	sadd.s32 $0x9C7C, s9;
	[dreg:$0x13] =	wrdreg s28  }
0x3a: {  	s25 =	sadd.s32 $0x9C88, s9;
	s3 =	simm.s32 $0xC0;
	[smem:$0x7EC] =	sst s8  }
0x3b: {  	s14 =	simm.s32 $0x6;
	s26 =	simm.s32 $0xB;
	[smem:$0x7F7] =	sst s23  }
0x3c: {  	s7 =	sadd.s32 $0x27000, s6;
	[smem:$0x7F9] =	sst s25;
	s28 =	sadd.s32 $0x9C94, s9  }
0x3d: {  	s23 =	simm.s32 $0x60;
	s9 =	simm.s32 $0x3C0;
	[smem:$0x7EA] =	sst s7  }
0x3e: {  	v0 =	vimm.f32 $0.0e+00;
	s25 =	simm.s32 $0x8;
	[smem:$0x7FB] =	sst s28;
	s7 =	simm.s32 $0x420  }
.LBB2_1:
0x3f: {  	[smem:$0x7E5] =	sst s29;
	s29 =	simm.s32 $0x0;
	s30 =	simm.s32 $0x200  }
.LBB2_2:
0x40: {  	p1 =	sne.s32 s30, $0x5E00;
	[tilespmem:s29+$0x670] =	vst v0  }
0x41: {  	[tilespmem:s29+$0x600] =	vst v0  }
0x42: {  	[tilespmem:s29+$0x610] =	vst v0  }
.Ltmp0:
0x43: {  	[tilespmem:s29+$0x620] =	vst v0;
	(pc) =	sbr.rel @p1 .LBB2_2-.Ltmp0, $4  }
0x44: {  	[tilespmem:s29+$0x630] =	vst v0  }
0x45: {  	[tilespmem:s29+$0x640] =	vst v0  }
0x46: {  	[tilespmem:s29+$0x650] =	vst v0  }
0x47: {  	[tilespmem:s29+$0x660] =	vst v0;
	s29 =	sshra.s32 s30, $0x2;
	s30 =	sadd.s32 $0x200, s30  }
0x48: {  	[tilespmem:s29+$0x670] =	vst v0  }
0x49: {  	[tilespmem:s29+$0x600] =	vst v0  }
0x4a: {  	[tilespmem:s29+$0x610] =	vst v0  }
0x4b: {  	[tilespmem:s29+$0x620] =	vst v0  }
0x4c: {  	[tilespmem:s29+$0x630] =	vst v0  }
0x4d: {  	[tilespmem:s29+$0x640] =	vst v0  }
0x4e: {  	[tilespmem:s29+$0x650] =	vst v0  }
0x4f: {  	[tilespmem:s29+$0x660] =	vst v0;
	s0 =	rddreg [dreg:$0x14]  }
0x50: {  	[spmem:s0] =	stream.linear.scatter [tilespmem:s13], [sflag:$0xD], $0x1800, $0x38;
	[tilespmem:$0x1FE80] =	vst v63  }
0x51: {  	_ =	swait.ge [sflag:s17], $0x1800  }
0x52: {  	[sflag:s17] =	ssyncset.done $0x0  }
0x53: {  	s28 =	rddreg [dreg:$0x15];
	[sflag:s17] =	ssyncadd.s32 $0xFFFFE800  }
0x54: {  	[spmem:s28] =	stream.linear.scatter [tilespmem:s13], [sflag:$0xD], $0x1800, $0x38;
	[tilespmem:$0x1FE80] =	vst v63  }
0x55: {  	_ =	swait.ge [sflag:s17], $0x1800  }
0x56: {  	[sflag:s17] =	ssyncset.done $0x0  }
0x57: {  	s2 =	rddreg [dreg:$0x16];
	[sflag:s17] =	ssyncadd.s32 $0xFFFFE800  }
0x58: {  	[spmem:s2] =	stream.linear.scatter [tilespmem:s13], [sflag:$0xD], $0x1800, $0x38;
	[tilespmem:$0x1FE80] =	vst v63  }
0x59: {  	_ =	swait.ge [sflag:s17], $0x1800  }
0x5a: {  	[sflag:s17] =	ssyncset.done $0x0  }
0x5b: {  	s4 =	rddreg [dreg:$0x17];
	[sflag:s17] =	ssyncadd.s32 $0xFFFFE800  }
0x5c: {  	[spmem:s4] =	stream.linear.scatter [tilespmem:s13], [sflag:$0xD], $0x1800, $0x38;
	[tilespmem:$0x1FE80] =	vst v63  }
0x5d: {  	_ =	swait.ge [sflag:s17], $0x1800  }
0x5e: {  	[sflag:s17] =	ssyncset.done $0x0  }
0x5f: {  	s6 =	rddreg [dreg:$0x18];
	[sflag:s17] =	ssyncadd.s32 $0xFFFFE800  }
0x60: {  	[spmem:s6] =	stream.linear.scatter [tilespmem:s13], [sflag:$0xD], $0x1800, $0x38;
	[tilespmem:$0x1FE80] =	vst v63  }
0x61: {  	_ =	swait.ge [sflag:s17], $0x1800  }
0x62: {  	[sflag:s17] =	ssyncset.done $0x0  }
0x63: {  	s8 =	rddreg [dreg:$0x19];
	[sflag:s17] =	ssyncadd.s32 $0xFFFFE800  }
0x64: {  	[spmem:s8] =	stream.linear.scatter [tilespmem:s13], [sflag:$0xD], $0x1800, $0x38;
	[tilespmem:$0x1FE80] =	vst v63  }
0x65: {  	_ =	swait.ge [sflag:s17], $0x1800  }
0x66: {  	[sflag:s17] =	ssyncset.done $0x0  }
0x67: {  	s11 =	rddreg [dreg:$0x1a];
	[sflag:s17] =	ssyncadd.s32 $0xFFFFE800  }
0x68: {  	[spmem:s11] =	stream.linear.scatter [tilespmem:s13], [sflag:$0xD], $0x1800, $0x38;
	[tilespmem:$0x1FE80] =	vst v63  }
0x69: {  	_ =	swait.ge [sflag:s17], $0x1800  }
0x6a: {  	[sflag:s17] =	ssyncset.done $0x0  }
0x6b: {  	s19 =	rddreg [dreg:$0x1b];
	[sflag:s17] =	ssyncadd.s32 $0xFFFFE800  }
0x6c: {  	[spmem:s19] =	stream.linear.scatter [tilespmem:s13], [sflag:$0xD], $0x1800, $0x38;
	[tilespmem:$0x1FE80] =	vst v63  }
0x6d: {  	_ =	swait.ge [sflag:s17], $0x1800  }
0x6e: {  	[sflag:s17] =	ssyncset.done $0x0  }
0x6f: {  	s24 =	rddreg [dreg:$0x1c];
	[sflag:s17] =	ssyncadd.s32 $0xFFFFE800  }
0x70: {  	[spmem:s24] =	stream.linear.scatter [tilespmem:s13], [sflag:$0xD], $0x1800, $0x38;
	[tilespmem:$0x1FE80] =	vst v63  }
0x71: {  	_ =	swait.ge [sflag:s17], $0x1800  }
0x72: {  	[sflag:s17] =	ssyncset.done $0x0  }
0x73: {  	s28 =	rddreg [dreg:$0x1d];
	[sflag:s17] =	ssyncadd.s32 $0xFFFFE800  }
0x74: {  	[spmem:s28] =	stream.linear.scatter [tilespmem:s13], [sflag:$0xD], $0x1800, $0x38;
	[tilespmem:$0x1FE80] =	vst v63  }
0x75: {  	_ =	swait.ge [sflag:s17], $0x1800  }
0x76: {  	[sflag:s17] =	ssyncset.done $0x0  }
0x77: {  	s2 =	rddreg [dreg:$0x1e];
	[sflag:s17] =	ssyncadd.s32 $0xFFFFE800  }
0x78: {  	[spmem:s2] =	stream.linear.scatter [tilespmem:s13], [sflag:$0xD], $0x1800, $0x38;
	[tilespmem:$0x1FE80] =	vst v63  }
0x79: {  	_ =	swait.ge [sflag:s17], $0x1800  }
0x7a: {  	[sflag:s17] =	ssyncset.done $0x0  }
0x7b: {  	s4 =	rddreg [dreg:$0x1f];
	[sflag:s17] =	ssyncadd.s32 $0xFFFFE800  }
0x7c: {  	[spmem:s4] =	stream.linear.scatter [tilespmem:s13], [sflag:$0xD], $0x1800, $0x38;
	[tilespmem:$0x1FE80] =	vst v63  }
0x7d: {  	_ =	swait.ge [sflag:s17], $0x1800  }
0x7e: {  	s6 =	sld [smem:$0x7E7]  }
0x7f: {  	[sflag:s17] =	ssyncset.done $0x0  }
0x80: {  	[sflag:s17] =	ssyncadd.s32 $0xFFFFE800  }
0x81: {  	[spmem:s6] =	stream.linear.scatter [tilespmem:s13], [sflag:$0xD], $0x1800, $0x38;
	[tilespmem:$0x1FE80] =	vst v63  }
0x82: {  	_ =	swait.ge [sflag:s17], $0x1800  }
0x83: {  	s0 =	sld [smem:$0x7E8]  }
0x84: {  	[sflag:s17] =	ssyncset.done $0x0  }
0x85: {  	s29 =	simm.s32 @!p0 $0x600;
	[sflag:s17] =	ssyncadd.s32 $0xFFFFE800  }
0x86: {  	[spmem:s0] =	stream.linear.scatter @!p0 [tilespmem:s29], [sflag:$0xD], $0x800, $0x38;
	[tilespmem:$0x1FE80] =	vst v63  }
0x87: {  	s29 =	simm.s32 @!p0 $0xD  }
0x88: {  	_ =	swait.ge @!p0 [sflag:s29], $0x800  }
0x89: {  	s8 =	sld [smem:$0x7E9]  }
0x8a: {  	[sflag:s29] =	ssyncset.done @!p0 $0x0  }
0x8b: {  	[sflag:s29] =	ssyncadd.s32 @!p0 $0xFFFFF800;
	s29 =	simm.s32 $0x0  }
0x8c: {  	[tilespmem:s29], [sflag:$0xD] =	stream.linear.gather [hbm4b:s8+s29], $0x10, $0x38;
	[tilespmem:$0x1FE80] =	vst v63  }
0x8d: {  	_ =	swait.ge [sflag:s17], $0x10  }
0x8e: {  	s11 =	sld [smem:$0x7ED]  }
0x8f: {  	[sflag:s17] =	ssyncset.done $0x0  }
0x90: {  	s2 =	simm.s32 $0x300;
	[sflag:s17] =	ssyncadd.s32 $0xFFFFFFF0  }
0x91: {  	[tilespmem:s2], [sflag:$0xD] =	stream.linear.gather [hbm4b:s11+s29], $0x10, $0x38;
	[tilespmem:$0x1FE80] =	vst v63  }
0x92: {  	_ =	swait.ge [sflag:s17], $0x10  }
0x93: {  	[sflag:s17] =	ssyncset.done $0x0  }
0x94: {  	[sflag:s17] =	ssyncadd.s32 $0xFFFFFFF0  }
0x95: {  	s19 =	simm.s32 $0x10;
	[bflag:$0x0] =	sbarrier.arrive $0xFFFF  }
0x96: {  	[tilespmem:s13], [sflag:$0x1] =	stream.indirect.gather [hbm4b:s22+s19], $0x80, s29, s19, $0xb8;
	[tilespmem:$0x1FE80] =	vst v63  }
0x97: {  	_ =	swait.ge [sflag:s10], $0x800  }
0x98: {  	[sflag:s10] =	ssyncset.done $0x0  }
0x99: {  	[sflag:s10] =	ssyncadd.s32 $0xFFFFF800  }
0x9a: {  	[spmem:s1] =	stream.indirect.scatter.add.f32 [tilespmem:s13], [sflag:$0xD], $0x80, s2, s19, $0xb8;
	[tilespmem:$0x1FE80] =	vst v63  }
0x9b: {  	_ =	swait.ge [sflag:s17], $0x800  }
0x9c: {  	s24 =	sld [smem:$0x7EE]  }
0x9d: {  	[sflag:s17] =	ssyncset.done $0x0  }
0x9e: {  	s28 =	sld [smem:$0x7FC];
	[sflag:s17] =	ssyncadd.s32 $0xFFFFF800  }
0x9f: {  	[tilespmem:s29], [sflag:$0x5] =	stream.linear.gather [hbm4b:s24+s29], $0x60, $0x38;
	[tilespmem:$0x1FE80] =	vst v63  }
0xa0: {  	s4 =	sld [smem:$0x7EF]  }
0xa1: {  	[tilespmem:s2], [sflag:$0x5] =	stream.linear.gather [hbm4b:s28+s29], $0x60, $0x38;
	[tilespmem:$0x1FE80] =	vst v63  }
0xa2: {  	s6 =	sld [smem:$0x7F0]  }
0xa3: {  	[tilespmem:s23], [sflag:$0x6] =	stream.linear.gather [hbm4b:s4+s29], $0x60, $0x38;
	[tilespmem:$0x1FE80] =	vst v63  }
0xa4: {  	s10 =	simm.s32 $0x360;
	s8 =	sld [smem:$0x7F1]  }
0xa5: {  	[tilespmem:s10], [sflag:$0x6] =	stream.linear.gather [hbm4b:s6+s29], $0x60, $0x38;
	[tilespmem:$0x1FE80] =	vst v63  }
0xa6: {  	s11 =	sld [smem:$0x7F2]  }
0xa7: {  	[tilespmem:s3], [sflag:$0x7] =	stream.linear.gather [hbm4b:s8+s29], $0x60, $0x38;
	[tilespmem:$0x1FE80] =	vst v63  }
0xa8: {  	s19 =	sld [smem:$0x7F3]  }
0xa9: {  	[tilespmem:s9], [sflag:$0x7] =	stream.linear.gather [hbm4b:s11+s29], $0x60, $0x38;
	[tilespmem:$0x1FE80] =	vst v63  }
0xaa: {  	s24 =	sld [smem:$0x7F4]  }
0xab: {  	[tilespmem:s15], [sflag:$0x8] =	stream.linear.gather [hbm4b:s19+s29], $0x60, $0x38;
	[tilespmem:$0x1FE80] =	vst v63  }
0xac: {  	s28 =	sld [smem:$0x7F5]  }
0xad: {  	[tilespmem:s7], [sflag:$0x8] =	stream.linear.gather [hbm4b:s24+s29], $0x60, $0x38;
	[tilespmem:$0x1FE80] =	vst v63  }
0xae: {  	s4 =	simm.s32 $0x180  }
0xaf: {  	[tilespmem:s4], [sflag:$0x9] =	stream.linear.gather [hbm4b:s28+s29], $0x60, $0x38;
	[tilespmem:$0x1FE80] =	vst v63  }
0xb0: {  	s4 =	sld [smem:$0x7F6];
	_ =	sdelay $0x1  }
0xb1: {  	s6 =	sld [smem:$0x7F7]  }
0xb2: {  	[tilespmem:s16], [sflag:$0x9] =	stream.linear.gather [hbm4b:s4+s29], $0x60, $0x38;
	[tilespmem:$0x1FE80] =	vst v63  }
0xb3: {  	s8 =	simm.s32 $0x1E0;
	s11 =	sld [smem:$0x7F8]  }
0xb4: {  	[tilespmem:s8], [sflag:$0xA] =	stream.linear.gather [hbm4b:s6+s29], $0x60, $0x38;
	[tilespmem:$0x1FE80] =	vst v63  }
0xb5: {  	s4 =	sld [smem:$0x7F9]  }
0xb6: {  	[tilespmem:s31], [sflag:$0xA] =	stream.linear.gather [hbm4b:s11+s29], $0x60, $0x38;
	[tilespmem:$0x1FE80] =	vst v63  }
0xb7: {  	s6 =	simm.s32 $0x240;
	s8 =	sld [smem:$0x7FA]  }
0xb8: {  	[tilespmem:s6], [sflag:$0xB] =	stream.linear.gather [hbm4b:s4+s29], $0x60, $0x38;
	[tilespmem:$0x1FE80] =	vst v63  }
0xb9: {  	s11 =	simm.s32 $0x540;
	s4 =	sld [smem:$0x7FB]  }
0xba: {  	[tilespmem:s11], [sflag:$0xB] =	stream.linear.gather [hbm4b:s8+s29], $0x60, $0x38;
	[tilespmem:$0x1FE80] =	vst v63  }
0xbb: {  	s6 =	simm.s32 $0x2A0;
	s8 =	sld [smem:$0x7FD]  }
0xbc: {  	[tilespmem:s6], [sflag:$0xC] =	stream.linear.gather [hbm4b:s4+s29], $0x60, $0x38;
	[tilespmem:$0x1FE80] =	vst v63  }
0xbd: {  	s11 =	simm.s32 $0x5A0  }
0xbe: {  	[tilespmem:s11], [sflag:$0xC] =	stream.linear.gather [hbm4b:s8+s29], $0x60, $0x38;
	[tilespmem:$0x1FE80] =	vst v63  }
0xbf: {  	_ =	swait.ge [sflag:s12], $0x60  }
0xc0: {  	[sflag:s12] =	ssyncset.done $0x0  }
0xc1: {  	[sflag:s12] =	ssyncadd.s32 $0xFFFFFFA0  }
0xc2: {  	_ =	swait.ge [sflag:s12], $0x60  }
0xc3: {  	[sflag:s12] =	ssyncset.done $0x0  }
0xc4: {  	[sflag:s12] =	ssyncadd.s32 $0xFFFFFFA0  }
0xc5: {  	[tilespmem:s13], [sflag:$0x1] =	stream.indirect.gather [hbm4b:s22+s23], $0x80, s29, s23, $0xb8;
	[tilespmem:$0x1FE80] =	vst v63  }
0xc6: {  	_ =	swait.ge [sflag:s14], $0x60  }
0xc7: {  	[sflag:s14] =	ssyncset.done $0x0  }
0xc8: {  	[sflag:s14] =	ssyncadd.s32 $0xFFFFFFA0  }
0xc9: {  	_ =	swait.ge [sflag:s14], $0x60  }
0xca: {  	[sflag:s14] =	ssyncset.done $0x0  }
0xcb: {  	s0 =	simm.s32 $0x3600;
	[sflag:s14] =	ssyncadd.s32 $0xFFFFFFA0  }
0xcc: {  	[tilespmem:s0], [sflag:$0x2] =	stream.indirect.gather [hbm4b:s22+s23], $0x80, s23, s23, $0xb8;
	[tilespmem:$0x1FE80] =	vst v63  }
0xcd: {  	_ =	swait.ge [sflag:s20], $0x60  }
0xce: {  	[sflag:s20] =	ssyncset.done $0x0  }
0xcf: {  	[sflag:s20] =	ssyncadd.s32 $0xFFFFFFA0  }
0xd0: {  	_ =	swait.ge [sflag:s20], $0x60  }
0xd1: {  	[sflag:s20] =	ssyncset.done $0x0  }
0xd2: {  	s4 =	smov.u32 s22;
	s22 =	simm.s32 $0x6600;
	[sflag:s20] =	ssyncadd.s32 $0xFFFFFFA0  }
0xd3: {  	[tilespmem:s22], [sflag:$0x3] =	stream.indirect.gather [hbm4b:s4+s23], $0x80, s3, s23, $0xb8;
	[tilespmem:$0x1FE80] =	vst v63  }
0xd4: {  	_ =	swait.ge [sflag:s21], $0x60  }
0xd5: {  	[sflag:s21] =	ssyncset.done $0x0  }
0xd6: {  	[sflag:s21] =	ssyncadd.s32 $0xFFFFFFA0  }
0xd7: {  	_ =	swait.ge [sflag:s21], $0x60  }
0xd8: {  	[sflag:s21] =	ssyncset.done $0x0  }
0xd9: {  	s19 =	simm.s32 $0x1;
	[sflag:s21] =	ssyncadd.s32 $0xFFFFFFA0;
	s21 =	simm.s32 $0x9600  }
0xda: {  	[tilespmem:s21], [sflag:$0x4] =	stream.indirect.gather [hbm4b:s4+s23], $0x80, s15, s23, $0xb8;
	[tilespmem:$0x1FE80] =	vst v63  }
0xdb: {  	_ =	swait.ge [sflag:s19], $0x3000  }
0xdc: {  	[sflag:s19] =	ssyncset.done $0x0  }
0xdd: {  	[sflag:s19] =	ssyncadd.s32 $0xFFFFD000  }
0xde: {  	[spmem:s1] =	stream.indirect.scatter.add.f32 [tilespmem:s13], [sflag:$0xD], $0x80, s2, s23, $0xb8;
	[tilespmem:$0x1FE80] =	vst v63  }
0xdf: {  	_ =	swait.ge [sflag:s17], $0x3000  }
0xe0: {  	[sflag:s17] =	ssyncset.done $0x0  }
0xe1: {  	s6 =	simm.s32 $0x9;
	[sflag:s17] =	ssyncadd.s32 $0xFFFFD000  }
0xe2: {  	_ =	swait.ge [sflag:s6], $0x60  }
0xe3: {  	[sflag:s6] =	ssyncset.done $0x0  }
0xe4: {  	[sflag:s6] =	ssyncadd.s32 $0xFFFFFFA0  }
0xe5: {  	_ =	swait.ge [sflag:s6], $0x60  }
0xe6: {  	[sflag:s6] =	ssyncset.done $0x0;
	s20 =	sld [smem:$0x7EC]  }
0xe7: {  	s24 =	simm.s32 $0x180;
	s29 =	rddreg [dreg:$0x13];
	[sflag:s6] =	ssyncadd.s32 $0xFFFFFFA0  }
0xe8: {  	[tilespmem:s13], [sflag:$0x1] =	stream.indirect.gather [hbm4b:s4+s23], $0x80, s24, s23, $0xb8;
	[tilespmem:$0x1FE80] =	vst v63  }
0xe9: {  	s29 =	sadd.s32 $0x0, s29;
	s30 =	sshrl.u32 s20, $0x3  }
0xea: {  	[tilespmem:s5], [sflag:$0x5] =	stream.linear.gather [hbm4b:s29+s5], $0x60, $0x38;
	[tilespmem:$0x1FE80] =	vst v63  }
0xeb: {  	s29 =	sadd.s32 s18, s30  }
0xec: {  	[tilespmem:s2], [sflag:$0x5] =	stream.linear.gather [hbm4b:s29+s5], $0x60, $0x38;
	[tilespmem:$0x1FE80] =	vst v63  }
0xed: {  	s2 =	simm.s32 $0x2  }
0xee: {  	_ =	swait.ge [sflag:s2], $0x3000  }
0xef: {  	[sflag:s2] =	ssyncset.done $0x0  }
0xf0: {  	s8 =	smov.u32 s1;
	[sflag:s2] =	ssyncadd.s32 $0xFFFFD000  }
0xf1: {  	[spmem:s8] =	stream.indirect.scatter.add.f32 [tilespmem:s0], [sflag:$0xD], $0x80, s10, s23, $0xb8;
	[tilespmem:$0x1FE80] =	vst v63  }
0xf2: {  	_ =	swait.ge [sflag:s17], $0x3000  }
0xf3: {  	[sflag:s17] =	ssyncset.done $0x0  }
0xf4: {  	s18 =	simm.s32 $0xA;
	[sflag:s17] =	ssyncadd.s32 $0xFFFFD000  }
0xf5: {  	_ =	swait.ge [sflag:s18], $0x60  }
0xf6: {  	[sflag:s18] =	ssyncset.done $0x0  }
0xf7: {  	[sflag:s18] =	ssyncadd.s32 $0xFFFFFFA0  }
0xf8: {  	_ =	swait.ge [sflag:s18], $0x60  }
0xf9: {  	[sflag:s18] =	ssyncset.done $0x0  }
0xfa: {  	s28 =	simm.s32 $0x1E0;
	s29 =	rddreg [dreg:$0x11];
	[sflag:s18] =	ssyncadd.s32 $0xFFFFFFA0  }
0xfb: {  	[tilespmem:s0], [sflag:$0x2] =	stream.indirect.gather [hbm4b:s4+s23], $0x80, s28, s23, $0xb8;
	[tilespmem:$0x1FE80] =	vst v63  }
0xfc: {  	s30 =	rddreg [dreg:$0x12];
	s29 =	sadd.s32 $0x0, s29  }
0xfd: {  	[tilespmem:s23], [sflag:$0x6] =	stream.linear.gather [hbm4b:s29+s5], $0x60, $0x38;
	[tilespmem:$0x1FE80] =	vst v63  }
0xfe: {  	s6 =	simm.s32 $0x3;
	s29 =	sadd.s32 $0x0, s30  }
0xff: {  	[tilespmem:s10], [sflag:$0x6] =	stream.linear.gather [hbm4b:s29+s5], $0x60, $0x38;
	[tilespmem:$0x1FE80] =	vst v63  }
0x100: {  	_ =	swait.ge [sflag:s6], $0x3000  }
0x101: {  	[sflag:s6] =	ssyncset.done $0x0  }
0x102: {  	[sflag:s6] =	ssyncadd.s32 $0xFFFFD000  }
0x103: {  	[spmem:s8] =	stream.indirect.scatter.add.f32 [tilespmem:s22], [sflag:$0xD], $0x80, s9, s23, $0xb8;
	[tilespmem:$0x1FE80] =	vst v63  }
0x104: {  	_ =	swait.ge [sflag:s17], $0x3000  }
0x105: {  	[sflag:s17] =	ssyncset.done $0x0  }
0x106: {  	[sflag:s17] =	ssyncadd.s32 $0xFFFFD000  }
0x107: {  	_ =	swait.ge [sflag:s26], $0x60  }
0x108: {  	[sflag:s26] =	ssyncset.done $0x0  }
0x109: {  	[sflag:s26] =	ssyncadd.s32 $0xFFFFFFA0  }
0x10a: {  	_ =	swait.ge [sflag:s26], $0x60  }
0x10b: {  	[sflag:s26] =	ssyncset.done $0x0  }
0x10c: {  	s10 =	simm.s32 $0x240;
	s29 =	rddreg [dreg:$0xf];
	[sflag:s26] =	ssyncadd.s32 $0xFFFFFFA0  }
0x10d: {  	[tilespmem:s22], [sflag:$0x3] =	stream.indirect.gather [hbm4b:s4+s23], $0x80, s10, s23, $0xb8;
	[tilespmem:$0x1FE80] =	vst v63  }
0x10e: {  	s30 =	rddreg [dreg:$0x10];
	s29 =	sadd.s32 $0x0, s29  }
0x10f: {  	[tilespmem:s3], [sflag:$0x7] =	stream.linear.gather [hbm4b:s29+s5], $0x60, $0x38;
	[tilespmem:$0x1FE80] =	vst v63  }
0x110: {  	s29 =	sadd.s32 $0x0, s30  }
0x111: {  	[tilespmem:s9], [sflag:$0x7] =	stream.linear.gather [hbm4b:s29+s5], $0x60, $0x38;
	[tilespmem:$0x1FE80] =	vst v63  }
0x112: {  	s9 =	simm.s32 $0x4  }
0x113: {  	_ =	swait.ge [sflag:s9], $0x3000  }
0x114: {  	[sflag:s9] =	ssyncset.done $0x0  }
0x115: {  	[sflag:s9] =	ssyncadd.s32 $0xFFFFD000  }
0x116: {  	[spmem:s8] =	stream.indirect.scatter.add.f32 [tilespmem:s21], [sflag:$0xD], $0x80, s7, s23, $0xb8;
	[tilespmem:$0x1FE80] =	vst v63  }
0x117: {  	_ =	swait.ge [sflag:s17], $0x3000  }
0x118: {  	[sflag:s17] =	ssyncset.done $0x0  }
0x119: {  	s1 =	simm.s32 $0xC;
	[sflag:s17] =	ssyncadd.s32 $0xFFFFD000  }
0x11a: {  	_ =	swait.ge [sflag:s1], $0x60  }
0x11b: {  	[sflag:s1] =	ssyncset.done $0x0  }
0x11c: {  	[sflag:s1] =	ssyncadd.s32 $0xFFFFFFA0  }
0x11d: {  	_ =	swait.ge [sflag:s1], $0x60  }
0x11e: {  	[sflag:s1] =	ssyncset.done $0x0  }
0x11f: {  	s18 =	simm.s32 $0x2A0;
	s29 =	rddreg [dreg:$0xd];
	[sflag:s1] =	ssyncadd.s32 $0xFFFFFFA0  }
0x120: {  	[tilespmem:s21], [sflag:$0x4] =	stream.indirect.gather [hbm4b:s4+s23], $0x80, s18, s23, $0xb8;
	[tilespmem:$0x1FE80] =	vst v63  }
0x121: {  	s30 =	rddreg [dreg:$0xe];
	s29 =	sadd.s32 $0x0, s29  }
0x122: {  	[tilespmem:s15], [sflag:$0x8] =	stream.linear.gather [hbm4b:s29+s5], $0x60, $0x38;
	[tilespmem:$0x1FE80] =	vst v63  }
0x123: {  	s29 =	sadd.s32 $0x0, s30  }
0x124: {  	[tilespmem:s7], [sflag:$0x8] =	stream.linear.gather [hbm4b:s29+s5], $0x60, $0x38;
	[tilespmem:$0x1FE80] =	vst v63  }
0x125: {  	_ =	swait.ge [sflag:s19], $0x3000  }
0x126: {  	[sflag:s19] =	ssyncset.done $0x0  }
0x127: {  	[sflag:s19] =	ssyncadd.s32 $0xFFFFD000  }
0x128: {  	[spmem:s8] =	stream.indirect.scatter.add.f32 [tilespmem:s13], [sflag:$0xD], $0x80, s16, s23, $0xb8;
	[tilespmem:$0x1FE80] =	vst v63  }
0x129: {  	_ =	swait.ge [sflag:s17], $0x3000  }
0x12a: {  	[sflag:s17] =	ssyncset.done $0x0  }
0x12b: {  	s11 =	simm.s32 $0x5;
	[sflag:s17] =	ssyncadd.s32 $0xFFFFD000  }
0x12c: {  	_ =	swait.ge [sflag:s11], $0x60  }
0x12d: {  	[sflag:s11] =	ssyncset.done $0x0  }
0x12e: {  	[sflag:s11] =	ssyncadd.s32 $0xFFFFFFA0  }
0x12f: {  	_ =	swait.ge [sflag:s11], $0x60  }
0x130: {  	[sflag:s11] =	ssyncset.done $0x0  }
0x131: {  	s29 =	rddreg [dreg:$0xb];
	[sflag:s11] =	ssyncadd.s32 $0xFFFFFFA0  }
0x132: {  	[tilespmem:s13], [sflag:$0x1] =	stream.indirect.gather [hbm4b:s4+s23], $0x80, s5, s23, $0xb8;
	[tilespmem:$0x1FE80] =	vst v63  }
0x133: {  	s30 =	rddreg [dreg:$0xc];
	s29 =	sadd.s32 $0x0, s29  }
0x134: {  	[tilespmem:s24], [sflag:$0x9] =	stream.linear.gather [hbm4b:s29+s5], $0x60, $0x38;
	[tilespmem:$0x1FE80] =	vst v63  }
0x135: {  	s29 =	sadd.s32 $0x0, s30  }
0x136: {  	[tilespmem:s16], [sflag:$0x9] =	stream.linear.gather [hbm4b:s29+s5], $0x60, $0x38;
	[tilespmem:$0x1FE80] =	vst v63  }
0x137: {  	_ =	swait.ge [sflag:s2], $0x3000  }
0x138: {  	[sflag:s2] =	ssyncset.done $0x0  }
0x139: {  	[sflag:s2] =	ssyncadd.s32 $0xFFFFD000  }
0x13a: {  	[spmem:s8] =	stream.indirect.scatter.add.f32 [tilespmem:s0], [sflag:$0xD], $0x80, s31, s23, $0xb8;
	[tilespmem:$0x1FE80] =	vst v63  }
0x13b: {  	_ =	swait.ge [sflag:s17], $0x3000  }
0x13c: {  	[sflag:s17] =	ssyncset.done $0x0  }
0x13d: {  	s12 =	simm.s32 $0x6;
	[sflag:s17] =	ssyncadd.s32 $0xFFFFD000  }
0x13e: {  	_ =	swait.ge [sflag:s12], $0x60  }
0x13f: {  	[sflag:s12] =	ssyncset.done $0x0  }
0x140: {  	[sflag:s12] =	ssyncadd.s32 $0xFFFFFFA0  }
0x141: {  	_ =	swait.ge [sflag:s12], $0x60  }
0x142: {  	[sflag:s12] =	ssyncset.done $0x0  }
0x143: {  	s29 =	rddreg [dreg:$0x9];
	[sflag:s12] =	ssyncadd.s32 $0xFFFFFFA0  }
0x144: {  	[tilespmem:s0], [sflag:$0x2] =	stream.indirect.gather [hbm4b:s4+s23], $0x80, s23, s23, $0xb8;
	[tilespmem:$0x1FE80] =	vst v63  }
0x145: {  	s30 =	rddreg [dreg:$0xa];
	s29 =	sadd.s32 $0x0, s29  }
0x146: {  	[tilespmem:s28], [sflag:$0xA] =	stream.linear.gather [hbm4b:s29+s5], $0x60, $0x38;
	[tilespmem:$0x1FE80] =	vst v63  }
0x147: {  	s29 =	sadd.s32 $0x0, s30  }
0x148: {  	[tilespmem:s31], [sflag:$0xA] =	stream.linear.gather [hbm4b:s29+s5], $0x60, $0x38;
	[tilespmem:$0x1FE80] =	vst v63  }
0x149: {  	_ =	swait.ge [sflag:s6], $0x3000  }
0x14a: {  	[sflag:s6] =	ssyncset.done $0x0  }
0x14b: {  	s24 =	simm.s32 $0x540;
	[sflag:s6] =	ssyncadd.s32 $0xFFFFD000  }
0x14c: {  	[spmem:s8] =	stream.indirect.scatter.add.f32 [tilespmem:s22], [sflag:$0xD], $0x80, s24, s23, $0xb8;
	[tilespmem:$0x1FE80] =	vst v63  }
0x14d: {  	_ =	swait.ge [sflag:s17], $0x3000  }
0x14e: {  	[sflag:s17] =	ssyncset.done $0x0  }
0x14f: {  	s14 =	simm.s32 $0x7;
	[sflag:s17] =	ssyncadd.s32 $0xFFFFD000  }
0x150: {  	_ =	swait.ge [sflag:s14], $0x60  }
0x151: {  	[sflag:s14] =	ssyncset.done $0x0  }
0x152: {  	[sflag:s14] =	ssyncadd.s32 $0xFFFFFFA0  }
0x153: {  	_ =	swait.ge [sflag:s14], $0x60  }
0x154: {  	[sflag:s14] =	ssyncset.done $0x0  }
0x155: {  	s29 =	rddreg [dreg:$0x7];
	[sflag:s14] =	ssyncadd.s32 $0xFFFFFFA0  }
0x156: {  	[tilespmem:s22], [sflag:$0x3] =	stream.indirect.gather [hbm4b:s4+s23], $0x80, s3, s23, $0xb8;
	[tilespmem:$0x1FE80] =	vst v63  }
0x157: {  	s30 =	rddreg [dreg:$0x8];
	s29 =	sadd.s32 $0x0, s29  }
0x158: {  	[tilespmem:s10], [sflag:$0xB] =	stream.linear.gather [hbm4b:s29+s5], $0x60, $0x38;
	[tilespmem:$0x1FE80] =	vst v63  }
0x159: {  	s29 =	sadd.s32 $0x0, s30  }
0x15a: {  	[tilespmem:s24], [sflag:$0xB] =	stream.linear.gather [hbm4b:s29+s5], $0x60, $0x38;
	[tilespmem:$0x1FE80] =	vst v63  }
0x15b: {  	_ =	swait.ge [sflag:s9], $0x3000  }
0x15c: {  	[sflag:s9] =	ssyncset.done $0x0  }
0x15d: {  	s28 =	simm.s32 $0x5A0;
	[sflag:s9] =	ssyncadd.s32 $0xFFFFD000  }
0x15e: {  	[spmem:s8] =	stream.indirect.scatter.add.f32 [tilespmem:s21], [sflag:$0xD], $0x80, s28, s23, $0xb8;
	[tilespmem:$0x1FE80] =	vst v63  }
0x15f: {  	_ =	swait.ge [sflag:s17], $0x3000  }
0x160: {  	[sflag:s17] =	ssyncset.done $0x0  }
0x161: {  	[sflag:s17] =	ssyncadd.s32 $0xFFFFD000  }
0x162: {  	_ =	swait.ge [sflag:s25], $0x60  }
0x163: {  	[sflag:s25] =	ssyncset.done $0x0  }
0x164: {  	[sflag:s25] =	ssyncadd.s32 $0xFFFFFFA0  }
0x165: {  	_ =	swait.ge [sflag:s25], $0x60  }
0x166: {  	[sflag:s25] =	ssyncset.done $0x0  }
0x167: {  	s18 =	simm.s32 $0x2A0;
	s29 =	rddreg [dreg:$0x5];
	[sflag:s25] =	ssyncadd.s32 $0xFFFFFFA0  }
0x168: {  	[tilespmem:s21], [sflag:$0x4] =	stream.indirect.gather [hbm4b:s4+s23], $0x80, s15, s23, $0xb8;
	[tilespmem:$0x1FE80] =	vst v63  }
0x169: {  	s22 =	smov.u32 s4;
	s30 =	rddreg [dreg:$0x6];
	s29 =	sadd.s32 $0x0, s29  }
0x16a: {  	[tilespmem:s18], [sflag:$0xC] =	stream.linear.gather [hbm4b:s29+s5], $0x60, $0x38;
	[tilespmem:$0x1FE80] =	vst v63  }
0x16b: {  	s31 =	sadd.s32 $0x0, s30;
	s30 =	sadd.s32 $0x300, s20;
	s29 =	simm.s32 $0x60  }
.LBB2_4:
0x16c: {  	s19 =	simm.s32 $0x5A0;
	s10 =	simm.s32 $0x1  }
0x16d: {  	[tilespmem:s19], [sflag:$0xC] =	stream.linear.gather [hbm4b:s31+s5], $0x60, $0x38;
	[tilespmem:$0x1FE80] =	vst v63  }
0x16e: {  	_ =	swait.ge [sflag:s10], $0x3000  }
0x16f: {  	[sflag:s10] =	ssyncset.done $0x0  }
0x170: {  	s7 =	simm.s32 $0x300;
	[sflag:s10] =	ssyncadd.s32 $0xFFFFD000  }
0x171: {  	[spmem:s8] =	stream.indirect.scatter.add.f32 [tilespmem:s13], [sflag:$0xD], $0x80, s7, s23, $0xb8;
	[tilespmem:$0x1FE80] =	vst v63  }
0x172: {  	_ =	swait.ge [sflag:s17], $0x3000  }
0x173: {  	[sflag:s17] =	ssyncset.done $0x0  }
0x174: {  	s2 =	simm.s32 $0x9;
	[sflag:s17] =	ssyncadd.s32 $0xFFFFD000  }
0x175: {  	_ =	swait.ge [sflag:s2], $0x60  }
0x176: {  	[sflag:s2] =	ssyncset.done $0x0  }
0x177: {  	[sflag:s2] =	ssyncadd.s32 $0xFFFFFFA0  }
0x178: {  	_ =	swait.ge [sflag:s2], $0x60  }
0x179: {  	s11 =	simm.s32 $0x180;
	[sflag:s2] =	ssyncset.done $0x0  }
0x17a: {  	s31 =	smov.u32 s29;
	s0 =	rddreg [dreg:$0x13];
	[sflag:s2] =	ssyncadd.s32 $0xFFFFFFA0  }
0x17b: {  	[tilespmem:s13], [sflag:$0x1] =	stream.indirect.gather [hbm4b:s22+s23], $0x80, s11, s23, $0xb8;
	[tilespmem:$0x1FE80] =	vst v63  }
0x17c: {  	s3 =	sshrl.u32 s30, $0x3;
	s0 =	sadd.s32 s31, s0;
	s6 =	rddreg [dreg:$0x1]  }
0x17d: {  	[tilespmem:s5], [sflag:$0x5] =	stream.linear.gather [hbm4b:s0+s5], $0x60, $0x38;
	[tilespmem:$0x1FE80] =	vst v63  }
0x17e: {  	s28 =	simm.s32 $0x2;
	s0 =	sadd.s32 s6, s3  }
0x17f: {  	[tilespmem:s7], [sflag:$0x5] =	stream.linear.gather [hbm4b:s0+s5], $0x60, $0x38;
	[tilespmem:$0x1FE80] =	vst v63  }
0x180: {  	_ =	swait.ge [sflag:s28], $0x3000  }
0x181: {  	[sflag:s28] =	ssyncset.done $0x0  }
0x182: {  	s9 =	simm.s32 $0x3600;
	s15 =	simm.s32 $0x360;
	[sflag:s28] =	ssyncadd.s32 $0xFFFFD000  }
0x183: {  	[spmem:s8] =	stream.indirect.scatter.add.f32 [tilespmem:s9], [sflag:$0xD], $0x80, s15, s23, $0xb8;
	[tilespmem:$0x1FE80] =	vst v63  }
0x184: {  	_ =	swait.ge [sflag:s17], $0x3000  }
0x185: {  	[sflag:s17] =	ssyncset.done $0x0  }
0x186: {  	s7 =	simm.s32 $0xA;
	[sflag:s17] =	ssyncadd.s32 $0xFFFFD000  }
0x187: {  	_ =	swait.ge [sflag:s7], $0x60  }
0x188: {  	[sflag:s7] =	ssyncset.done $0x0  }
0x189: {  	[sflag:s7] =	ssyncadd.s32 $0xFFFFFFA0  }
0x18a: {  	_ =	swait.ge [sflag:s7], $0x60  }
0x18b: {  	[sflag:s7] =	ssyncset.done $0x0  }
0x18c: {  	s12 =	rddreg [dreg:$0x11];
	[sflag:s7] =	ssyncadd.s32 $0xFFFFFFA0;
	s7 =	simm.s32 $0x1E0  }
0x18d: {  	[tilespmem:s9], [sflag:$0x2] =	stream.indirect.gather [hbm4b:s22+s23], $0x80, s7, s23, $0xb8;
	[tilespmem:$0x1FE80] =	vst v63  }
0x18e: {  	s14 =	rddreg [dreg:$0x12];
	s0 =	sadd.s32 s31, s12  }
0x18f: {  	[tilespmem:s23], [sflag:$0x6] =	stream.linear.gather [hbm4b:s0+s5], $0x60, $0x38;
	[tilespmem:$0x1FE80] =	vst v63  }
0x190: {  	s6 =	simm.s32 $0x3;
	s16 =	sadd.s32 s31, s14  }
0x191: {  	[tilespmem:s15], [sflag:$0x6] =	stream.linear.gather [hbm4b:s16+s5], $0x60, $0x38;
	[tilespmem:$0x1FE80] =	vst v63  }
0x192: {  	_ =	swait.ge [sflag:s6], $0x3000  }
0x193: {  	[sflag:s6] =	ssyncset.done $0x0  }
0x194: {  	s18 =	simm.s32 $0x3C0;
	s22 =	simm.s32 $0x6600;
	[sflag:s6] =	ssyncadd.s32 $0xFFFFD000  }
0x195: {  	[spmem:s8] =	stream.indirect.scatter.add.f32 [tilespmem:s22], [sflag:$0xD], $0x80, s18, s23, $0xb8;
	[tilespmem:$0x1FE80] =	vst v63  }
0x196: {  	_ =	swait.ge [sflag:s17], $0x3000  }
0x197: {  	[sflag:s17] =	ssyncset.done $0x0  }
0x198: {  	[sflag:s17] =	ssyncadd.s32 $0xFFFFD000  }
0x199: {  	_ =	swait.ge [sflag:s26], $0x60  }
0x19a: {  	[sflag:s26] =	ssyncset.done $0x0  }
0x19b: {  	[sflag:s26] =	ssyncadd.s32 $0xFFFFFFA0  }
0x19c: {  	_ =	swait.ge [sflag:s26], $0x60  }
0x19d: {  	[sflag:s26] =	ssyncset.done $0x0  }
0x19e: {  	s16 =	simm.s32 $0x240;
	s20 =	rddreg [dreg:$0xf];
	[sflag:s26] =	ssyncadd.s32 $0xFFFFFFA0  }
0x19f: {  	[tilespmem:s22], [sflag:$0x3] =	stream.indirect.gather [hbm4b:s4+s23], $0x80, s16, s23, $0xb8;
	[tilespmem:$0x1FE80] =	vst v63  }
0x1a0: {  	s21 =	rddreg [dreg:$0x10];
	s0 =	sadd.s32 s31, s20;
	s20 =	simm.s32 $0xC0  }
0x1a1: {  	[tilespmem:s20], [sflag:$0x7] =	stream.linear.gather [hbm4b:s0+s5], $0x60, $0x38;
	[tilespmem:$0x1FE80] =	vst v63  }
0x1a2: {  	s12 =	simm.s32 $0x4;
	s24 =	sadd.s32 s31, s21  }
0x1a3: {  	[tilespmem:s18], [sflag:$0x7] =	stream.linear.gather [hbm4b:s24+s5], $0x60, $0x38;
	[tilespmem:$0x1FE80] =	vst v63  }
0x1a4: {  	_ =	swait.ge [sflag:s12], $0x3000  }
0x1a5: {  	[sflag:s12] =	ssyncset.done $0x0  }
0x1a6: {  	s2 =	simm.s32 $0x420;
	s21 =	simm.s32 $0x9600;
	[sflag:s12] =	ssyncadd.s32 $0xFFFFD000  }
0x1a7: {  	[spmem:s8] =	stream.indirect.scatter.add.f32 [tilespmem:s21], [sflag:$0xD], $0x80, s2, s23, $0xb8;
	[tilespmem:$0x1FE80] =	vst v63  }
0x1a8: {  	_ =	swait.ge [sflag:s17], $0x3000  }
0x1a9: {  	[sflag:s17] =	ssyncset.done $0x0  }
0x1aa: {  	[sflag:s17] =	ssyncadd.s32 $0xFFFFD000  }
0x1ab: {  	_ =	swait.ge [sflag:s1], $0x60  }
0x1ac: {  	[sflag:s1] =	ssyncset.done $0x0  }
0x1ad: {  	[sflag:s1] =	ssyncadd.s32 $0xFFFFFFA0  }
0x1ae: {  	_ =	swait.ge [sflag:s1], $0x60  }
0x1af: {  	[sflag:s1] =	ssyncset.done $0x0  }
0x1b0: {  	s15 =	simm.s32 $0x2A0;
	s3 =	rddreg [dreg:$0xd];
	[sflag:s1] =	ssyncadd.s32 $0xFFFFFFA0  }
0x1b1: {  	[tilespmem:s21], [sflag:$0x4] =	stream.indirect.gather [hbm4b:s4+s23], $0x80, s15, s23, $0xb8;
	[tilespmem:$0x1FE80] =	vst v63  }
0x1b2: {  	s18 =	simm.s32 $0x120;
	s14 =	rddreg [dreg:$0xe];
	s0 =	sadd.s32 s31, s3  }
0x1b3: {  	[tilespmem:s18], [sflag:$0x8] =	stream.linear.gather [hbm4b:s0+s5], $0x60, $0x38;
	[tilespmem:$0x1FE80] =	vst v63  }
0x1b4: {  	s24 =	sadd.s32 s31, s14  }
0x1b5: {  	[tilespmem:s2], [sflag:$0x8] =	stream.linear.gather [hbm4b:s24+s5], $0x60, $0x38;
	[tilespmem:$0x1FE80] =	vst v63  }
0x1b6: {  	_ =	swait.ge [sflag:s10], $0x3000  }
0x1b7: {  	[sflag:s10] =	ssyncset.done $0x0  }
0x1b8: {  	s24 =	simm.s32 $0x480;
	[sflag:s10] =	ssyncadd.s32 $0xFFFFD000  }
0x1b9: {  	[spmem:s8] =	stream.indirect.scatter.add.f32 [tilespmem:s13], [sflag:$0xD], $0x80, s24, s23, $0xb8;
	[tilespmem:$0x1FE80] =	vst v63  }
0x1ba: {  	_ =	swait.ge [sflag:s17], $0x3000  }
0x1bb: {  	[sflag:s17] =	ssyncset.done $0x0  }
0x1bc: {  	s3 =	simm.s32 $0x5;
	[sflag:s17] =	ssyncadd.s32 $0xFFFFD000  }
0x1bd: {  	_ =	swait.ge [sflag:s3], $0x60  }
0x1be: {  	[sflag:s3] =	ssyncset.done $0x0  }
0x1bf: {  	[sflag:s3] =	ssyncadd.s32 $0xFFFFFFA0  }
0x1c0: {  	_ =	swait.ge [sflag:s3], $0x60  }
0x1c1: {  	[sflag:s3] =	ssyncset.done $0x0  }
0x1c2: {  	s10 =	rddreg [dreg:$0xb];
	[sflag:s3] =	ssyncadd.s32 $0xFFFFFFA0  }
0x1c3: {  	[tilespmem:s13], [sflag:$0x1] =	stream.indirect.gather [hbm4b:s4+s23], $0x80, s5, s23, $0xb8;
	[tilespmem:$0x1FE80] =	vst v63  }
0x1c4: {  	s2 =	rddreg [dreg:$0xc];
	s0 =	sadd.s32 s31, s10  }
0x1c5: {  	[tilespmem:s11], [sflag:$0x9] =	stream.linear.gather [hbm4b:s0+s5], $0x60, $0x38;
	[tilespmem:$0x1FE80] =	vst v63  }
0x1c6: {  	s3 =	sadd.s32 s31, s2  }
0x1c7: {  	[tilespmem:s24], [sflag:$0x9] =	stream.linear.gather [hbm4b:s3+s5], $0x60, $0x38;
	[tilespmem:$0x1FE80] =	vst v63  }
0x1c8: {  	_ =	swait.ge [sflag:s28], $0x3000  }
0x1c9: {  	[sflag:s28] =	ssyncset.done $0x0  }
0x1ca: {  	s13 =	simm.s32 $0x4E0;
	[sflag:s28] =	ssyncadd.s32 $0xFFFFD000  }
0x1cb: {  	[spmem:s8] =	stream.indirect.scatter.add.f32 [tilespmem:s9], [sflag:$0xD], $0x80, s13, s23, $0xb8;
	[tilespmem:$0x1FE80] =	vst v63  }
0x1cc: {  	_ =	swait.ge [sflag:s17], $0x3000  }
0x1cd: {  	[sflag:s17] =	ssyncset.done $0x0  }
0x1ce: {  	s11 =	simm.s32 $0x6;
	[sflag:s17] =	ssyncadd.s32 $0xFFFFD000  }
0x1cf: {  	_ =	swait.ge [sflag:s11], $0x60  }
0x1d0: {  	[sflag:s11] =	ssyncset.done $0x0  }
0x1d1: {  	[sflag:s11] =	ssyncadd.s32 $0xFFFFFFA0  }
0x1d2: {  	_ =	swait.ge [sflag:s11], $0x60  }
0x1d3: {  	[sflag:s11] =	ssyncset.done $0x0  }
0x1d4: {  	s24 =	rddreg [dreg:$0x9];
	[sflag:s11] =	ssyncadd.s32 $0xFFFFFFA0  }
0x1d5: {  	[tilespmem:s9], [sflag:$0x2] =	stream.indirect.gather [hbm4b:s4+s23], $0x80, s23, s23, $0xb8;
	[tilespmem:$0x1FE80] =	vst v63  }
0x1d6: {  	s28 =	rddreg [dreg:$0xa];
	s0 =	sadd.s32 s31, s24  }
0x1d7: {  	[tilespmem:s7], [sflag:$0xA] =	stream.linear.gather [hbm4b:s0+s5], $0x60, $0x38;
	[tilespmem:$0x1FE80] =	vst v63  }
0x1d8: {  	s7 =	sadd.s32 s31, s28  }
0x1d9: {  	[tilespmem:s13], [sflag:$0xA] =	stream.linear.gather [hbm4b:s7+s5], $0x60, $0x38;
	[tilespmem:$0x1FE80] =	vst v63  }
0x1da: {  	_ =	swait.ge [sflag:s6], $0x3000  }
0x1db: {  	[sflag:s6] =	ssyncset.done $0x0  }
0x1dc: {  	s13 =	simm.s32 $0x540;
	[sflag:s6] =	ssyncadd.s32 $0xFFFFD000  }
0x1dd: {  	[spmem:s8] =	stream.indirect.scatter.add.f32 [tilespmem:s22], [sflag:$0xD], $0x80, s13, s23, $0xb8;
	[tilespmem:$0x1FE80] =	vst v63  }
0x1de: {  	_ =	swait.ge [sflag:s17], $0x3000  }
0x1df: {  	[sflag:s17] =	ssyncset.done $0x0  }
0x1e0: {  	s24 =	simm.s32 $0x7;
	[sflag:s17] =	ssyncadd.s32 $0xFFFFD000  }
0x1e1: {  	_ =	swait.ge [sflag:s24], $0x60  }
0x1e2: {  	[sflag:s24] =	ssyncset.done $0x0  }
0x1e3: {  	[sflag:s24] =	ssyncadd.s32 $0xFFFFFFA0  }
0x1e4: {  	_ =	swait.ge [sflag:s24], $0x60  }
0x1e5: {  	[sflag:s24] =	ssyncset.done $0x0  }
0x1e6: {  	s28 =	rddreg [dreg:$0x7];
	[sflag:s24] =	ssyncadd.s32 $0xFFFFFFA0  }
0x1e7: {  	[tilespmem:s22], [sflag:$0x3] =	stream.indirect.gather [hbm4b:s4+s23], $0x80, s20, s23, $0xb8;
	[tilespmem:$0x1FE80] =	vst v63  }
0x1e8: {  	s6 =	rddreg [dreg:$0x8];
	s0 =	sadd.s32 s31, s28  }
0x1e9: {  	[tilespmem:s16], [sflag:$0xB] =	stream.linear.gather [hbm4b:s0+s5], $0x60, $0x38;
	[tilespmem:$0x1FE80] =	vst v63  }
0x1ea: {  	s20 =	sadd.s32 s31, s6  }
0x1eb: {  	[tilespmem:s13], [sflag:$0xB] =	stream.linear.gather [hbm4b:s20+s5], $0x60, $0x38;
	[tilespmem:$0x1FE80] =	vst v63  }
0x1ec: {  	_ =	swait.ge [sflag:s12], $0x3000  }
0x1ed: {  	[sflag:s12] =	ssyncset.done $0x0  }
0x1ee: {  	[sflag:s12] =	ssyncadd.s32 $0xFFFFD000  }
0x1ef: {  	[spmem:s8] =	stream.indirect.scatter.add.f32 [tilespmem:s21], [sflag:$0xD], $0x80, s19, s23, $0xb8;
	[tilespmem:$0x1FE80] =	vst v63  }
0x1f0: {  	_ =	swait.ge [sflag:s17], $0x3000  }
0x1f1: {  	p1 =	sne.s32 s29, $0x420;
	[sflag:s17] =	ssyncset.done $0x0  }
0x1f2: {  	s30 =	sadd.s32 $0x300, s30;
	s29 =	sadd.s32 $0x60, s29;
	[sflag:s17] =	ssyncadd.s32 $0xFFFFD000  }
0x1f3: {  	s14 =	simm.s32 $0x420;
	s10 =	simm.s32 $0x180;
	_ =	swait.ge [sflag:s25], $0x60  }
0x1f4: {  	s2 =	simm.s32 $0x480;
	s11 =	simm.s32 $0x4E0;
	[sflag:s25] =	ssyncset.done $0x0  }
0x1f5: {  	s9 =	simm.s32 $0x1E0;
	s7 =	simm.s32 $0x240;
	[sflag:s25] =	ssyncadd.s32 $0xFFFFFFA0  }
0x1f6: {  	s22 =	smov.u32 s4;
	s16 =	simm.s32 $0x540;
	_ =	swait.ge [sflag:s25], $0x60  }
.Ltmp1:
0x1f7: {  	[sflag:s25] =	ssyncset.done $0x0;
	s24 =	rddreg [dreg:$0x5];
	(pc) =	sbr.rel @p1 .LBB2_4-.Ltmp1, $4  }
0x1f8: {  	s13 =	simm.s32 $0x600;
	s28 =	rddreg [dreg:$0x6];
	[sflag:s25] =	ssyncadd.s32 $0xFFFFFFA0  }
0x1f9: {  	[tilespmem:s21], [sflag:$0x4] =	stream.indirect.gather [hbm4b:s4+s23], $0x80, s18, s23, $0xb8;
	[tilespmem:$0x1FE80] =	vst v63  }
0x1fa: {  	s19 =	simm.s32 $0x2A0;
	s0 =	sadd.s32 s31, s24;
	s31 =	sadd.s32 s31, s28  }
0x1fb: {  	[tilespmem:s15], [sflag:$0xC] =	stream.linear.gather [hbm4b:s0+s5], $0x60, $0x38;
	[tilespmem:$0x1FE80] =	vst v63  }
0x1fc: {  	s0 =	simm.s32 $0x5A0;
	s12 =	simm.s32 $0x1  }
0x1fd: {  	[tilespmem:s0], [sflag:$0xC] =	stream.linear.gather [hbm4b:s31+s5], $0x60, $0x38;
	[tilespmem:$0x1FE80] =	vst v63  }
0x1fe: {  	_ =	swait.ge [sflag:s12], $0x3000  }
0x1ff: {  	[sflag:s12] =	ssyncset.done $0x0  }
0x200: {  	s3 =	simm.s32 $0x300;
	[sflag:s12] =	ssyncadd.s32 $0xFFFFD000  }
0x201: {  	[spmem:s8] =	stream.indirect.scatter.add.f32 [tilespmem:s13], [sflag:$0xD], $0x80, s3, s23, $0xb8;
	[tilespmem:$0x1FE80] =	vst v63  }
0x202: {  	_ =	swait.ge [sflag:s17], $0x3000  }
0x203: {  	[sflag:s17] =	ssyncset.done $0x0  }
0x204: {  	s24 =	simm.s32 $0x9;
	[sflag:s17] =	ssyncadd.s32 $0xFFFFD000  }
0x205: {  	_ =	swait.ge [sflag:s24], $0x60  }
0x206: {  	[sflag:s24] =	ssyncset.done $0x0  }
0x207: {  	[sflag:s24] =	ssyncadd.s32 $0xFFFFFFA0  }
0x208: {  	_ =	swait.ge [sflag:s24], $0x60  }
0x209: {  	[sflag:s24] =	ssyncset.done $0x0  }
0x20a: {  	s6 =	simm.s32 $0x2;
	[sflag:s24] =	ssyncadd.s32 $0xFFFFFFA0  }
0x20b: {  	[tilespmem:s13], [sflag:$0x1] =	stream.indirect.gather [hbm4b:s22+s23], $0x80, s10, s23, $0xb8;
	[tilespmem:$0x1FE80] =	vst v63  }
0x20c: {  	_ =	swait.ge [sflag:s6], $0x3000  }
0x20d: {  	[sflag:s6] =	ssyncset.done $0x0  }
0x20e: {  	s28 =	simm.s32 $0x3600;
	s4 =	simm.s32 $0x360;
	[sflag:s6] =	ssyncadd.s32 $0xFFFFD000  }
0x20f: {  	[spmem:s8] =	stream.indirect.scatter.add.f32 [tilespmem:s28], [sflag:$0xD], $0x80, s4, s23, $0xb8;
	[tilespmem:$0x1FE80] =	vst v63  }
0x210: {  	_ =	swait.ge [sflag:s17], $0x3000  }
0x211: {  	[sflag:s17] =	ssyncset.done $0x0  }
0x212: {  	s30 =	simm.s32 $0xA;
	[sflag:s17] =	ssyncadd.s32 $0xFFFFD000  }
0x213: {  	_ =	swait.ge [sflag:s30], $0x60  }
0x214: {  	[sflag:s30] =	ssyncset.done $0x0  }
0x215: {  	[sflag:s30] =	ssyncadd.s32 $0xFFFFFFA0  }
0x216: {  	_ =	swait.ge [sflag:s30], $0x60  }
0x217: {  	[sflag:s30] =	ssyncset.done $0x0  }
0x218: {  	s4 =	simm.s32 $0x3;
	[sflag:s30] =	ssyncadd.s32 $0xFFFFFFA0  }
0x219: {  	[tilespmem:s28], [sflag:$0x2] =	stream.indirect.gather [hbm4b:s22+s23], $0x80, s9, s23, $0xb8;
	[tilespmem:$0x1FE80] =	vst v63  }
0x21a: {  	_ =	swait.ge [sflag:s4], $0x3000  }
0x21b: {  	[sflag:s4] =	ssyncset.done $0x0  }
0x21c: {  	s15 =	simm.s32 $0x6600;
	s18 =	simm.s32 $0x3C0;
	[sflag:s4] =	ssyncadd.s32 $0xFFFFD000  }
0x21d: {  	[spmem:s8] =	stream.indirect.scatter.add.f32 [tilespmem:s15], [sflag:$0xD], $0x80, s18, s23, $0xb8;
	[tilespmem:$0x1FE80] =	vst v63  }
0x21e: {  	_ =	swait.ge [sflag:s17], $0x3000  }
0x21f: {  	[sflag:s17] =	ssyncset.done $0x0  }
0x220: {  	[sflag:s17] =	ssyncadd.s32 $0xFFFFD000  }
0x221: {  	_ =	swait.ge [sflag:s26], $0x60  }
0x222: {  	[sflag:s26] =	ssyncset.done $0x0  }
0x223: {  	[sflag:s26] =	ssyncadd.s32 $0xFFFFFFA0  }
0x224: {  	_ =	swait.ge [sflag:s26], $0x60  }
0x225: {  	[sflag:s26] =	ssyncset.done $0x0  }
0x226: {  	s20 =	simm.s32 $0x4;
	[sflag:s26] =	ssyncadd.s32 $0xFFFFFFA0  }
0x227: {  	[tilespmem:s15], [sflag:$0x3] =	stream.indirect.gather [hbm4b:s22+s23], $0x80, s7, s23, $0xb8;
	[tilespmem:$0x1FE80] =	vst v63  }
0x228: {  	_ =	swait.ge [sflag:s20], $0x3000  }
0x229: {  	[sflag:s20] =	ssyncset.done $0x0  }
0x22a: {  	s21 =	simm.s32 $0x9600;
	[sflag:s20] =	ssyncadd.s32 $0xFFFFD000  }
0x22b: {  	[spmem:s8] =	stream.indirect.scatter.add.f32 [tilespmem:s21], [sflag:$0xD], $0x80, s14, s23, $0xb8;
	[tilespmem:$0x1FE80] =	vst v63  }
0x22c: {  	_ =	swait.ge [sflag:s17], $0x3000  }
0x22d: {  	[sflag:s17] =	ssyncset.done $0x0  }
0x22e: {  	[sflag:s17] =	ssyncadd.s32 $0xFFFFD000  }
0x22f: {  	_ =	swait.ge [sflag:s1], $0x60  }
0x230: {  	[sflag:s1] =	ssyncset.done $0x0  }
0x231: {  	[sflag:s1] =	ssyncadd.s32 $0xFFFFFFA0  }
0x232: {  	_ =	swait.ge [sflag:s1], $0x60  }
0x233: {  	[sflag:s1] =	ssyncset.done $0x0  }
0x234: {  	[sflag:s1] =	ssyncadd.s32 $0xFFFFFFA0  }
0x235: {  	[tilespmem:s21], [sflag:$0x4] =	stream.indirect.gather [hbm4b:s22+s23], $0x80, s19, s23, $0xb8;
	[tilespmem:$0x1FE80] =	vst v63  }
0x236: {  	_ =	swait.ge [sflag:s12], $0x3000  }
0x237: {  	[sflag:s12] =	ssyncset.done $0x0  }
0x238: {  	[sflag:s12] =	ssyncadd.s32 $0xFFFFD000  }
0x239: {  	[spmem:s8] =	stream.indirect.scatter.add.f32 [tilespmem:s13], [sflag:$0xD], $0x80, s2, s23, $0xb8;
	[tilespmem:$0x1FE80] =	vst v63  }
0x23a: {  	_ =	swait.ge [sflag:s17], $0x3000  }
0x23b: {  	[sflag:s17] =	ssyncset.done $0x0  }
0x23c: {  	[sflag:s17] =	ssyncadd.s32 $0xFFFFD000  }
0x23d: {  	_ =	swait.ge [sflag:s6], $0x3000  }
0x23e: {  	[sflag:s6] =	ssyncset.done $0x0  }
0x23f: {  	[sflag:s6] =	ssyncadd.s32 $0xFFFFD000  }
0x240: {  	[spmem:s8] =	stream.indirect.scatter.add.f32 [tilespmem:s28], [sflag:$0xD], $0x80, s11, s23, $0xb8;
	[tilespmem:$0x1FE80] =	vst v63  }
0x241: {  	_ =	swait.ge [sflag:s17], $0x3000  }
0x242: {  	[sflag:s17] =	ssyncset.done $0x0  }
0x243: {  	[sflag:s17] =	ssyncadd.s32 $0xFFFFD000  }
0x244: {  	_ =	swait.ge [sflag:s4], $0x3000  }
0x245: {  	[sflag:s4] =	ssyncset.done $0x0  }
0x246: {  	[sflag:s4] =	ssyncadd.s32 $0xFFFFD000  }
0x247: {  	[spmem:s8] =	stream.indirect.scatter.add.f32 [tilespmem:s15], [sflag:$0xD], $0x80, s16, s23, $0xb8;
	[tilespmem:$0x1FE80] =	vst v63  }
0x248: {  	_ =	swait.ge [sflag:s17], $0x3000  }
0x249: {  	[sflag:s17] =	ssyncset.done $0x0  }
0x24a: {  	[sflag:s17] =	ssyncadd.s32 $0xFFFFD000  }
0x24b: {  	_ =	swait.ge [sflag:s20], $0x3000  }
0x24c: {  	[sflag:s20] =	ssyncset.done $0x0  }
0x24d: {  	[sflag:s20] =	ssyncadd.s32 $0xFFFFD000  }
0x24e: {  	[spmem:s8] =	stream.indirect.scatter.add.f32 [tilespmem:s21], [sflag:$0xD], $0x80, s0, s23, $0xb8;
	[tilespmem:$0x1FE80] =	vst v63  }
0x24f: {  	_ =	swait.ge [sflag:s17], $0x3000  }
0x250: {  	[sflag:s17] =	ssyncset.done $0x0  }
0x251: {  	[sflag:s17] =	ssyncadd.s32 $0xFFFFD000  }
0x252: {  	[bflag:$0x0] =	sbarrier.arrive $0xFFFF  }
0x253: {  	s24 =	stileid.u32;
	s29 =	sld [smem:$0x7E6]  }
0x254: {  	s0 =	sshll.u32 s24, $0x6;
	s28 =	rddreg [dreg:$0x14]  }
0x255: {  	s0 =	sor.u32 $0x1C0D, s0;
	s3 =	sshrl.u32 s28, $0x3  }
0x256: {  	[hbm:s29], [sflag:s0] =	dma.local [spmem:s3], $0x2700  }
0x257: {  	_ =	swait.ge [sflag:s17], $0x2700  }
0x258: {  	s3 =	sld [smem:$0x7E8]  }
0x259: {  	s29 =	sld [smem:$0x7EA]  }
0x25a: {  	[sflag:s17] =	ssyncset.done $0x0  }
0x25b: {  	[sflag:s17] =	ssyncadd.s32 $0xFFFFD900;
	s3 =	sshrl.u32 @!p0 s3, $0x3  }
0x25c: {  	[hbm:s29], [sflag:s0] =	dma.local @!p0 [spmem:s3], $0x100  }
0x25d: {  	s0 =	simm.s32 @!p0 $0xD  }
0x25e: {  	_ =	swait.ge @!p0 [sflag:s0], $0x100  }
0x25f: {  	s29 =	sld [smem:$0x7E5]  }
0x260: {  	s30 =	sld [smem:$0x7EB];
	_ =	sdelay $0x1  }
0x261: {  	s29 =	sadd.s32 $0x1, s29  }
0x262: {  	s31 =	simm.s32 $0x4E0;
	p1 =	sne.s32 s29, s30  }
.Ltmp2:
0x263: {  	s10 =	simm.s32 $0x1;
	s9 =	simm.s32 $0x3C0;
	(pc) =	sbr.rel @p1 .LBB2_1-.Ltmp2, $4  }
0x264: {  	s7 =	simm.s32 $0x420;
	s14 =	simm.s32 $0x6;
	s1 =	smov.u32 s8  }
0x265: {  	s12 =	simm.s32 $0x5;
	s15 =	simm.s32 $0x120;
	[sflag:s0] =	ssyncset.done @!p0 $0x0  }
0x266: {  	s16 =	simm.s32 $0x480;
	s20 =	simm.s32 $0x7;
	[sflag:s0] =	ssyncadd.s32 @!p0 $0xFFFFFF00  }
0x267: {  	s21 =	simm.s32 $0x8;
	s3 =	simm.s32 $0xC0;
	s18 =	rddreg [dreg:$0x1]  }
0x268: {  	_ =	sfence.sel $0x180000  }
0x269: {  	[bflag:$0x0] =	sbarrier.arrive $0xFFFF  }
0x26a: {  	_ =	strace $0x90000047  }
0x26b: {  	s0 =	stileid.u32;
	[bflag:$0x2] =	sbarrier.arrive $0xFFFF  }
0x26c: {  	p0 =	sne.s32 s0, $0x0;
	s0 =	rddreg [dreg:$0x4]  }
0x26d: {  	s0 =	sadd.s32 @!p0 $0x100000, s0  }
0x26e: {  	[sflag:s0] =	ssyncadd.tile.s32 @!p0 $0x1;
	_ =	shalt  }
.Lfunc_end2:
_tile_overlayer_lowered:
.L_overlay_start_2:
0x26f: {  	(tag) =	ssettag $0x2  }
0x270: {  	s0 =	rddreg [dreg:$0x0];
	s2 =	stileid.u32  }
0x271: {  	s1 =	rddreg [dreg:$0x1];
	p0 =	sne.s32 s2, $0x0  }
0x272: {  	s3 =	rddreg [dreg:$0x2];
	[bflag:$0x3] =	sbarrier.arrive $0xFFFF;
	s2 =	simm.s32 @!p0 $0x1C0D  }
0x273: {  	[timem:s3], [sflag:s2] =	dma.local @!p0 [hbm:s0], s1  }
0x274: {  	s0 =	simm.s32 @!p0 $0xD  }
0x275: {  	_ =	swait.ge @!p0 [sflag:s0], s1  }
0x276: {  	s1 =	ssub.s32 @!p0 $0x0, s1;
	[sflag:s0] =	ssyncset.done @!p0 $0x0  }
0x277: {  	[sflag:s0] =	ssyncadd.s32 @!p0 s1  }
0x278: {  	[bflag:$0x3] =	sbarrier.arrive $0xFFFF  }
0x279: {  	_ =	shalt  }

</sc_bundles>
